<compile_context>
chip_gen: v7x
topology: tpu7x:2x2x1
jax: 0.10.2.dev20260603
libtpu: 0.0.44.dev20260713+nightly
codegen_flags: <defaults>
</compile_context>

<pallas_src>
import functools
import math

import jax
import jax.numpy as jnp
from jax import lax
from jax.experimental import pallas as pl
from jax.experimental.pallas import tpu as pltpu
from jax.experimental.pallas import tpu_sc as plsc

T = 2048
HID = 1024
H = 16
KV = 8
D = 64
E = 8
INTER = 2048
CAP = 30.0
THETA = 10000.0
EPS = 1e-5

BT = 256


def _rms_jnp(x, w):
    v = jnp.mean(jnp.square(x), axis=-1, keepdims=True)
    return x * jax.lax.rsqrt(v + EPS) * w


def _rms(x, w):
    v = jnp.mean(jnp.square(x), axis=-1, keepdims=True)
    return x * jax.lax.rsqrt(v + EPS) * w


def _k1_body(cos_ref, sin_ref, x_ref, wqkv_ref, q_ref, k_ref, v_ref):
    qkv = jnp.dot(x_ref[...], wqkv_ref[...], preferred_element_type=jnp.float32)
    half = D // 2
    cos = cos_ref[...]
    sin = sin_ref[...]
    for c in range(H):
        b = c * D
        x1 = qkv[:, b : b + half]
        x2 = qkv[:, b + half : b + D]
        q_ref[c] = jnp.concatenate([x1 * cos - x2 * sin, x2 * cos + x1 * sin], axis=1)
    for c in range(KV):
        b = (H + c) * D
        x1 = qkv[:, b : b + half]
        x2 = qkv[:, b + half : b + D]
        k_ref[c] = jnp.concatenate([x1 * cos - x2 * sin, x2 * cos + x1 * sin], axis=1)
    for c in range(KV):
        b = (H + KV + c) * D
        v_ref[c] = qkv[:, b : b + D]


def _k1(positions, x, w_qkv):
    half = D // 2
    inv_freq = 1.0 / (THETA ** (jnp.arange(0, half, dtype=jnp.float32) / half))
    freqs = positions.astype(jnp.float32)[:, None] * inv_freq[None, :]
    cos = jnp.cos(freqs)
    sin = jnp.sin(freqs)
    return pl.pallas_call(
        _k1_body,
        grid=(T // BT,),
        in_specs=[
            pl.BlockSpec((BT, half), lambda i: (i, 0)),
            pl.BlockSpec((BT, half), lambda i: (i, 0)),
            pl.BlockSpec((BT, HID), lambda i: (i, 0)),
            pl.BlockSpec((HID, (H + 2 * KV) * D), lambda i: (0, 0)),
        ],
        out_specs=[
            pl.BlockSpec((H, BT, D), lambda i: (0, i, 0)),
            pl.BlockSpec((KV, BT, D), lambda i: (0, i, 0)),
            pl.BlockSpec((KV, BT, D), lambda i: (0, i, 0)),
        ],
        out_shape=[
            jax.ShapeDtypeStruct((H, T, D), jnp.float32),
            jax.ShapeDtypeStruct((KV, T, D), jnp.float32),
            jax.ShapeDtypeStruct((KV, T, D), jnp.float32),
        ],
    )(cos, sin, x, w_qkv)


def _k2_body(q_ref, k_ref, v_ref, o_ref):
    i = pl.program_id(1)
    q = q_ref[0]
    k = k_ref[0]
    v = v_ref[0]
    s = jax.lax.dot_general(q, k, (((1,), (1,)), ((), ())),
                            preferred_element_type=jnp.float32)
    s = s * (D ** -0.5)
    s = CAP * jnp.tanh(s / CAP)
    rows = i * BT + jax.lax.broadcasted_iota(jnp.int32, (BT, T), 0)
    cols = jax.lax.broadcasted_iota(jnp.int32, (BT, T), 1)
    s = jnp.where(cols <= rows, s, -1e30)
    m = jnp.max(s, axis=-1, keepdims=True)
    p = jnp.exp(s - m)
    acc = p[:, 0:128]
    for c in range(1, T // 128):
        acc = acc + p[:, c * 128:(c + 1) * 128]
    w = 128
    while w > 1:
        w //= 2
        acc = acc[:, :w] + acc[:, w:2 * w]
    p = p / acc
    o_ref[0] = jnp.dot(p, v, preferred_element_type=jnp.float32)


def _k2(q3, k3, v3):
    return pl.pallas_call(
        _k2_body,
        grid=(H, T // BT),
        in_specs=[
            pl.BlockSpec((1, BT, D), lambda h, i: (h, i, 0)),
            pl.BlockSpec((1, T, D), lambda h, i: (h // (H // KV), 0, 0)),
            pl.BlockSpec((1, T, D), lambda h, i: (h // (H // KV), 0, 0)),
        ],
        out_specs=pl.BlockSpec((1, BT, D), lambda h, i: (h, i, 0)),
        out_shape=jax.ShapeDtypeStruct((H, T, D), jnp.float32),
    )(q3, k3, v3)


def _k3_body(attn_ref, wo_ref, out_ref):
    out_ref[...] = jnp.dot(attn_ref[...], wo_ref[...],
                           preferred_element_type=jnp.float32)


def _k3(attn, w_o):
    return pl.pallas_call(
        _k3_body,
        grid=(T // BT,),
        in_specs=[
            pl.BlockSpec((BT, H * D), lambda i: (i, 0)),
            pl.BlockSpec((H * D, HID), lambda i: (0, 0)),
        ],
        out_specs=pl.BlockSpec((BT, HID), lambda i: (i, 0)),
        out_shape=jax.ShapeDtypeStruct((T, HID), jnp.float32),
    )(attn, w_o)


IC = 1024
NJ = INTER // IC


def _k4_body(x2_ref, comb_ref, wg_ref, wu_ref, wd_ref, h_ref, ln_ref, out_ref, acc_ref):
    e = pl.program_id(1)
    j = pl.program_id(2)
    x2 = x2_ref[...]
    g = jnp.dot(x2, wg_ref[0], preferred_element_type=jnp.float32)
    u = jnp.dot(x2, wu_ref[0], preferred_element_type=jnp.float32)
    a = jax.nn.gelu(g, approximate=True) * u
    y = jnp.dot(a, wd_ref[0], preferred_element_type=jnp.float32)
    eh = jax.lax.broadcasted_iota(jnp.int32, (E, 1), 0) == e
    ce = jnp.dot(comb_ref[...], eh.astype(jnp.float32),
                 preferred_element_type=jnp.float32)
    contrib = y * ce

    @pl.when((e == 0) & (j == 0))
    def _():
        acc_ref[...] = contrib

    @pl.when((e > 0) | (j > 0))
    def _():
        acc_ref[...] += contrib

    @pl.when((e == E - 1) & (j == NJ - 1))
    def _():
        out_ref[...] = h_ref[...] + _rms(acc_ref[...], ln_ref[...])


def _k4(x2, comb, w_gate_up, w_down, h, ln_post_moe):
    return pl.pallas_call(
        _k4_body,
        grid=(T // BT, E, NJ),
        in_specs=[
            pl.BlockSpec((BT, HID), lambda i, e, j: (i, 0)),
            pl.BlockSpec((BT, E), lambda i, e, j: (i, 0)),
            pl.BlockSpec((1, HID, IC), lambda i, e, j: (e, 0, j)),
            pl.BlockSpec((1, HID, IC), lambda i, e, j: (e, 0, j + NJ)),
            pl.BlockSpec((1, IC, HID), lambda i, e, j: (e, j, 0)),
            pl.BlockSpec((BT, HID), lambda i, e, j: (i, 0)),
            pl.BlockSpec((1, HID), lambda i, e, j: (0, 0)),
        ],
        out_specs=pl.BlockSpec((BT, HID), lambda i, e, j: (i, 0)),
        out_shape=jax.ShapeDtypeStruct((T, HID), jnp.float32),
        scratch_shapes=[pltpu.VMEM((BT, HID), jnp.float32)],
    )(x2, comb, w_gate_up, w_gate_up, w_down, h, ln_post_moe.reshape(1, HID))


PB = 128
NP = 2 * T
NT = NP // PB + E - 1
ROWS = NT * PB
CSB = 512


def _route_body(topi_ref, dst_ref, texp_ref):
    e_iota = jax.lax.broadcasted_iota(jnp.int32, (1, E), 1)
    oh1 = (topi_ref[:, 0:1] == e_iota).astype(jnp.float32)
    oh2 = (topi_ref[:, 1:2] == e_iota).astype(jnp.float32)
    oh = jnp.concatenate([oh1, oh2], axis=0)
    r = jax.lax.broadcasted_iota(jnp.int32, (CSB, CSB), 0)
    c = jax.lax.broadcasted_iota(jnp.int32, (CSB, CSB), 1)
    L = (r >= c).astype(jnp.float32)
    carry = jnp.zeros((1, E), jnp.float32)
    ranks = []
    for b in range(NP // CSB):
        ob = oh[b * CSB : (b + 1) * CSB]
        cs = jnp.dot(L, ob, preferred_element_type=jnp.float32) + carry
        ranks.append(jnp.sum(cs * ob, axis=-1, keepdims=True))
        carry = carry + jnp.sum(ob, axis=0, keepdims=True)
    rank = jnp.concatenate(ranks, axis=0)
    counts = carry
    te = jnp.floor((counts + (PB - 1)) / PB)
    m8 = (jax.lax.broadcasted_iota(jnp.int32, (E, E), 0)
          <= jax.lax.broadcasted_iota(jnp.int32, (E, E), 1)).astype(jnp.float32)
    cumt = jnp.dot(te, m8, preferred_element_type=jnp.float32)
    pstart = (cumt - te) * PB
    pstart_col = jax.lax.dot_general(
        (jax.lax.broadcasted_iota(jnp.int32, (E, E), 0)
         == jax.lax.broadcasted_iota(jnp.int32, (E, E), 1)).astype(jnp.float32),
        pstart, (((1,), (1,)), ((), ())), preferred_element_type=jnp.float32)
    base = jnp.dot(oh, pstart_col, preferred_element_type=jnp.float32)
    dst_ref[...] = (base + rank - 1.0).astype(jnp.int32)
    cumt_col = jax.lax.dot_general(
        (jax.lax.broadcasted_iota(jnp.int32, (E, E), 0)
         == jax.lax.broadcasted_iota(jnp.int32, (E, E), 1)).astype(jnp.float32),
        cumt, (((1,), (1,)), ((), ())), preferred_element_type=jnp.float32)
    g_iota = jax.lax.broadcasted_iota(jnp.int32, (1, NT), 1).astype(jnp.float32)
    texp_ref[...] = jnp.sum(
        (g_iota >= cumt_col).astype(jnp.float32), axis=0, keepdims=True
    ).astype(jnp.int32)


def _route(topi):
    return pl.pallas_call(
        _route_body,
        grid=(1,),
        in_specs=[pl.BlockSpec((T, 2), lambda i: (0, 0))],
        out_specs=[
            pl.BlockSpec((NP, 1), lambda i: (0, 0)),
            pl.BlockSpec((1, NT), lambda i: (0, 0)),
        ],
        out_shape=[
            jax.ShapeDtypeStruct((NP, 1), jnp.int32),
            jax.ShapeDtypeStruct((1, NT), jnp.int32),
        ],
    )(topi)


_NC, _NS = 2, 16
NW = _NC * _NS
PPW = NP // NW
SUB = 32
NSUB = PPW // SUB


def _sc_scatter(x2, dstm):
    @functools.partial(
        pl.kernel,
        mesh=plsc.VectorSubcoreMesh(core_axis_name="c", subcore_axis_name="s"),
        out_type=jax.ShapeDtypeStruct((ROWS, HID), jnp.float32),
        scratch_types=[
            pltpu.VMEM((NSUB, SUB), jnp.int32),
            pltpu.VMEM((SUB, HID), jnp.float32),
            pltpu.SemaphoreType.DMA,
        ],
    )
    def k(x2_hbm, idx_hbm, xs_hbm, idx_v, rows_v, sem):
        wid = lax.axis_index("s") * _NC + lax.axis_index("c")
        pltpu.sync_copy(idx_hbm.at[wid], idx_v)
        src0 = (wid % (T // PPW)) * PPW
        for j in range(NSUB):
            pltpu.sync_copy(x2_hbm.at[pl.ds(src0 + j * SUB, SUB)], rows_v)
            pltpu.async_copy(rows_v, xs_hbm.at[idx_v.at[j]], sem).wait()

    return k(x2, dstm)


def _sc_gather(ys, dstm):
    @functools.partial(
        pl.kernel,
        mesh=plsc.VectorSubcoreMesh(core_axis_name="c", subcore_axis_name="s"),
        out_type=jax.ShapeDtypeStruct((NP, HID), jnp.float32),
        scratch_types=[
            pltpu.VMEM((NSUB, SUB), jnp.int32),
            pltpu.VMEM((SUB, HID), jnp.float32),
            pltpu.SemaphoreType.DMA,
        ],
    )
    def k(ys_hbm, idx_hbm, out_hbm, idx_v, rows_v, sem):
        wid = lax.axis_index("s") * _NC + lax.axis_index("c")
        pltpu.sync_copy(idx_hbm.at[wid], idx_v)
        dst0 = wid * PPW
        for j in range(NSUB):
            pltpu.async_copy(ys_hbm.at[idx_v.at[j]], rows_v, sem).wait()
            pltpu.sync_copy(rows_v, out_hbm.at[pl.ds(dst0 + j * SUB, SUB)])

    return k(ys, dstm)


def _gmm_body(texp_ref, xs_ref, wg_ref, wu_ref, wd_ref, ys_ref):
    j = pl.program_id(1)
    xs = xs_ref[...]
    g = jnp.dot(xs, wg_ref[0], preferred_element_type=jnp.float32)
    u = jnp.dot(xs, wu_ref[0], preferred_element_type=jnp.float32)
    a = jax.nn.gelu(g, approximate=True) * u
    y = jnp.dot(a, wd_ref[0], preferred_element_type=jnp.float32)

    @pl.when(j == 0)
    def _():
        ys_ref[...] = y

    @pl.when(j > 0)
    def _():
        ys_ref[...] += y


def _gmm(texp, xs, w_gate_up, w_down):
    return pl.pallas_call(
        _gmm_body,
        grid_spec=pltpu.PrefetchScalarGridSpec(
            num_scalar_prefetch=1,
            grid=(NT, NJ),
            in_specs=[
                pl.BlockSpec((PB, HID), lambda g, j, t: (g, 0)),
                pl.BlockSpec((1, HID, IC), lambda g, j, t: (t[g], 0, j)),
                pl.BlockSpec((1, HID, IC), lambda g, j, t: (t[g], 0, j + NJ)),
                pl.BlockSpec((1, IC, HID), lambda g, j, t: (t[g], j, 0)),
            ],
            out_specs=pl.BlockSpec((PB, HID), lambda g, j, t: (g, 0)),
        ),
        out_shape=jax.ShapeDtypeStruct((ROWS, HID), jnp.float32),
    )(texp, xs, w_gate_up, w_gate_up, w_down)


def _k5_body(h_ref, m1_ref, m2_ref, w_ref, ln_ref, out_ref):
    w1 = w_ref[:, 0:1]
    w2 = w_ref[:, 1:2]
    moe = w1 * m1_ref[...] + w2 * m2_ref[...]
    out_ref[...] = h_ref[...] + _rms(moe, ln_ref[...])


def _k5(h, moe1, moe2, topw, ln_post_moe):
    return pl.pallas_call(
        _k5_body,
        grid=(T // BT,),
        in_specs=[
            pl.BlockSpec((BT, HID), lambda i: (i, 0)),
            pl.BlockSpec((BT, HID), lambda i: (i, 0)),
            pl.BlockSpec((BT, HID), lambda i: (i, 0)),
            pl.BlockSpec((BT, 2), lambda i: (i, 0)),
            pl.BlockSpec((1, HID), lambda i: (0, 0)),
        ],
        out_specs=pl.BlockSpec((BT, HID), lambda i: (i, 0)),
        out_shape=jax.ShapeDtypeStruct((T, HID), jnp.float32),
    )(h, moe1, moe2, topw, ln_post_moe.reshape(1, HID))


def kernel(positions, hidden_states, w_qkv, w_o, w_gate, w_gate_up, w_down,
           ln_pre_attn, ln_post_attn, ln_pre_moe, ln_post_moe):
    x = _rms_jnp(hidden_states, ln_pre_attn)
    q3, k3, v3 = _k1(positions, x, w_qkv)
    attn = _k2(q3, k3, v3).transpose(1, 0, 2).reshape(T, H * D)
    attn_out = _k3(attn, w_o)
    h = hidden_states + _rms_jnp(attn_out, ln_post_attn)
    x2 = _rms_jnp(h, ln_pre_moe)
    rl = x2 @ w_gate
    rl = jnp.tanh(rl / CAP) * CAP
    rprobs = jax.nn.softmax(rl, axis=-1)
    topw, topi = jax.lax.top_k(rprobs, 2)
    dst, texp = _route(topi.astype(jnp.int32))
    dstm = dst.reshape(NW, NSUB, SUB)
    xs = _sc_scatter(x2, dstm)
    ys = _gmm(texp.reshape(NT), xs, w_gate_up, w_down)
    pairs = _sc_gather(ys, dstm)
    out = _k5(h, pairs[:T], pairs[T:], topw, ln_post_moe)
    return out

# --- scband reference (transcript-rebuilt; emitter-appended) ---
"""Pipeline reference for scband-grok1-decoder-layer-850403524960 (READ-ONLY COPY).

The authoritative reference and input builder live on the scoring server;
editing this copy changes nothing except your own understanding.
"""

import jax, jax.numpy as jnp
import numpy as np

T = 2048
HID = 1024
H = 16
KV = 8
D = 64
E = 8
TOPK = 2
INTER = 2048
CAP = 30.0
THETA = 10000.0


def setup_inputs(seed: int = 0):
    key = jax.random.key(seed)
    ks = jax.random.split(key, 8)
    s = 0.02
    return {
        "positions": jnp.arange(T, dtype=jnp.int32),
        "hidden_states": jax.random.normal(ks[0], (T, HID), dtype=jnp.float32),
        "w_qkv": jax.random.normal(ks[1], (HID, (H + 2 * KV) * D), dtype=jnp.float32) * s,
        "w_o": jax.random.normal(ks[2], (H * D, HID), dtype=jnp.float32) * s,
        "w_gate": jax.random.normal(ks[3], (HID, E), dtype=jnp.float32) * s,
        "w_gate_up": jax.random.normal(ks[4], (E, HID, 2 * INTER), dtype=jnp.float32) * s,
        "w_down": jax.random.normal(ks[5], (E, INTER, HID), dtype=jnp.float32) * s,
        "ln_pre_attn": jnp.ones((HID,), dtype=jnp.float32),
        "ln_post_attn": jnp.ones((HID,), dtype=jnp.float32),
        "ln_pre_moe": jnp.ones((HID,), dtype=jnp.float32),
        "ln_post_moe": jnp.ones((HID,), dtype=jnp.float32),
    }


def _rmsnorm(x, w, eps=1e-5):
    v = jnp.mean(jnp.square(x), axis=-1, keepdims=True)
    return x * jax.lax.rsqrt(v + eps) * w


def _rope(positions, x):
    # neox-style rotary over full head dim
    half = D // 2
    inv_freq = 1.0 / (THETA ** (jnp.arange(0, half, dtype=jnp.float32) / half))
    freqs = positions.astype(jnp.float32)[:, None] * inv_freq[None, :]
    cos = jnp.cos(freqs)[:, None, :]
    sin = jnp.sin(freqs)[:, None, :]
    x1 = x[..., :half]
    x2 = x[..., half:]
    return jnp.concatenate([x1 * cos - x2 * sin, x2 * cos + x1 * sin], axis=-1)


def _forward(positions, hidden_states, w_qkv, w_o, w_gate, w_gate_up, w_down,
             ln_pre_attn, ln_post_attn, ln_pre_moe, ln_post_moe):
    n = hidden_states.shape[0]
    # --- attention block (sandwich norm) ---
    x = _rmsnorm(hidden_states, ln_pre_attn)
    qkv = x @ w_qkv
    q = qkv[:, : H * D].reshape(n, H, D)
    k = qkv[:, H * D : H * D + KV * D].reshape(n, KV, D)
    v = qkv[:, H * D + KV * D :].reshape(n, KV, D)
    q = _rope(positions, q)
    k = _rope(positions, k)
    rep = H // KV
    k = jnp.repeat(k, rep, axis=1)
    v = jnp.repeat(v, rep, axis=1)
    logits = jnp.einsum('thd,shd->hts', q, k) * (D ** -0.5)
    logits = CAP * jnp.tanh(logits / CAP)  # attn logit softcapping
    idx = jnp.arange(n)
    mask = idx[None, :] <= idx[:, None]
    logits = jnp.where(mask[None, :, :], logits, -1e30)
    probs = jax.nn.softmax(logits, axis=-1)
    attn = jnp.einsum('hts,shd->thd', probs, v).reshape(n, H * D)
    attn_out = attn @ w_o
    h = hidden_states + _rmsnorm(attn_out, ln_post_attn)
    # --- MoE block (sandwich norm) ---
    x2 = _rmsnorm(h, ln_pre_moe)
    rl = x2 @ w_gate
    rl = jnp.tanh(rl / CAP) * CAP  # router logit softcapping
    rprobs = jax.nn.softmax(rl, axis=-1)
    topw, topi = jax.lax.top_k(rprobs, TOPK)
    comb = jnp.sum(jax.nn.one_hot(topi, E, dtype=rprobs.dtype) * topw[..., None], axis=1)
    moe_out = jnp.zeros_like(x2)
    for e in range(E):
        gu = x2 @ w_gate_up[e]
        g = gu[:, :INTER]
        u = gu[:, INTER:]
        a = jax.nn.gelu(g, approximate=True) * u  # GeluAndMul(tanh)
        moe_out = moe_out + comb[:, e : e + 1] * (a @ w_down[e])
    out = h + _rmsnorm(moe_out, ln_post_moe)
    return out


def reference(positions, hidden_states, w_qkv, w_o, w_gate, w_gate_up, w_down,
              ln_pre_attn, ln_post_attn, ln_pre_moe, ln_post_moe):
    return _forward(positions, hidden_states, w_qkv, w_o, w_gate, w_gate_up,
                    w_down, ln_pre_attn, ln_post_attn, ln_pre_moe, ln_post_moe)

if __name__ == "__main__":
    import jax
    _d = setup_inputs()
    print(jax.jit(kernel)(*tuple(_d.values())))

</pallas_src>

<mosaic_0001>
#map = affine_map<(d0, d1) -> (0, 0)>
#map1 = affine_map<(d0, d1) -> (0, 0, 0)>
module attributes {stable_mosaic.version = 14 : i64} {
  func.func @k(%arg0: i32, %arg1: i32, %arg2: memref<4992x1024xf32, #tpu.memory_space<hbm>>, %arg3: memref<32x4x32xi32, #tpu.memory_space<hbm>>, %arg4: memref<4096x1024xf32, #tpu.memory_space<hbm>>, %arg5: memref<4x32xi32, #tpu.memory_space<vmem>>, %arg6: memref<32x1024xf32, #tpu.memory_space<vmem>>, %arg7: memref<!tpu.dma_semaphore, #tpu.memory_space<semaphore_mem>>) attributes {dimension_semantics = [#tpu.dimension_semantics<core_parallel>, #tpu.dimension_semantics<subcore_parallel>], iteration_bounds = array<i64: 2, 16>, scalar_prefetch = 0 : i64, scratch_operands = 3 : i64, tpu.core_type = #tpu.core_type<sc_vector_subcore>, window_params = [{transform_indices = #map}, {transform_indices = #map1}, {transform_indices = #map}]} {
    %mul3A = arith.constant 2 : i32
    %mul3A_0 = arith.muli %arg1, %mul3A : i32
    %add3A = arith.addi %mul3A_0, %arg0 : i32
    "tpu.region"() ({
      %run_scoped3A = tpu.sem_alloc : memref<!tpu.dma_semaphore, #tpu.memory_space<semaphore_mem>>
      %dma_start3A_65 = arith.constant 0 : i32
      %dma_start3A_66 = arith.constant 0 : i32
      %dma_start3A_67 = tpu.memref_slice %arg3[%add3A, %dma_start3A_65, %dma_start3A_66] : memref<32x4x32xi32, #tpu.memory_space<hbm>> -> memref<1x4x32xi32, #tpu.memory_space<hbm>>
      %dma_start3A_68 = tpu.memref_squeeze %dma_start3A_67 : memref<1x4x32xi32, #tpu.memory_space<hbm>> -> memref<4x32xi32, #tpu.memory_space<hbm>>
      %dma_start3A_69 = arith.constant 0 : i32
      %dma_start3A_70 = arith.constant 0 : i32
      %dma_start3A_71 = tpu.memref_slice %arg3[%add3A, %dma_start3A_69, %dma_start3A_70] : memref<32x4x32xi32, #tpu.memory_space<hbm>> -> memref<1x4x32xi32, #tpu.memory_space<hbm>>
      %dma_start3A_72 = tpu.memref_squeeze %dma_start3A_71 : memref<1x4x32xi32, #tpu.memory_space<hbm>> -> memref<4x32xi32, #tpu.memory_space<hbm>>
      tpu.enqueue_dma source(%dma_start3A_72 : memref<4x32xi32, #tpu.memory_space<hbm>>) target(%arg5 : memref<4x32xi32, #tpu.memory_space<vmem>>) target_semaphore(%run_scoped3A : memref<!tpu.dma_semaphore, #tpu.memory_space<semaphore_mem>>)
      %dma_wait3A_73 = arith.constant 0 : i32
      %dma_wait3A_74 = arith.constant 0 : i32
      %dma_wait3A_75 = tpu.memref_slice %arg3[%add3A, %dma_wait3A_73, %dma_wait3A_74] : memref<32x4x32xi32, #tpu.memory_space<hbm>> -> memref<1x4x32xi32, #tpu.memory_space<hbm>>
      %dma_wait3A_76 = tpu.memref_squeeze %dma_wait3A_75 : memref<1x4x32xi32, #tpu.memory_space<hbm>> -> memref<4x32xi32, #tpu.memory_space<hbm>>
      %dma_wait3A_77 = arith.constant 0 : i32
      %dma_wait3A_78 = arith.constant 0 : i32
      %dma_wait3A_79 = tpu.memref_slice %arg3[%add3A, %dma_wait3A_77, %dma_wait3A_78] : memref<32x4x32xi32, #tpu.memory_space<hbm>> -> memref<1x4x32xi32, #tpu.memory_space<hbm>>
      %dma_wait3A_80 = tpu.memref_squeeze %dma_wait3A_79 : memref<1x4x32xi32, #tpu.memory_space<hbm>> -> memref<4x32xi32, #tpu.memory_space<hbm>>
      tpu.wait_dma2 semaphore(%run_scoped3A : memref<!tpu.dma_semaphore, #tpu.memory_space<semaphore_mem>>) src(%dma_wait3A_80 : memref<4x32xi32, #tpu.memory_space<hbm>>) dst(%arg5 : memref<4x32xi32, #tpu.memory_space<vmem>>)
      tpu.yield
    }) : () -> ()
    %mul3A_1 = arith.constant 128 : i32
    %mul3A_2 = arith.muli %add3A, %mul3A_1 : i32
    %dma_start3A = arith.constant 0 : i32
    %dma_start3A_3 = arith.constant 0 : i32
    %dma_start3A_4 = tpu.memref_slice %arg5[%dma_start3A, %dma_start3A_3] : memref<4x32xi32, #tpu.memory_space<vmem>> -> memref<1x32xi32, #tpu.memory_space<vmem>>
    %dma_start3A_5 = tpu.memref_squeeze %dma_start3A_4 : memref<1x32xi32, #tpu.memory_space<vmem>> -> memref<32xi32, #tpu.memory_space<vmem>>
    %dma_start3A_6 = arith.constant 0 : i32
    %dma_start3A_7 = arith.constant 0 : i32
    %dma_start3A_8 = tpu.memref_slice %arg2[%dma_start3A_6, %dma_start3A_7] : memref<4992x1024xf32, #tpu.memory_space<hbm>> -> memref<4992x1024xf32, #tpu.memory_space<hbm>>
    tpu.enqueue_indirect_dma source(%dma_start3A_8 : memref<4992x1024xf32, #tpu.memory_space<hbm>>) target(%arg6 : memref<32x1024xf32, #tpu.memory_space<vmem>>) offsets(%dma_start3A_5 : memref<32xi32, #tpu.memory_space<vmem>>) semaphore(%arg7 : memref<!tpu.dma_semaphore, #tpu.memory_space<semaphore_mem>>)
    %dma_wait3A = arith.constant 0 : i32
    %dma_wait3A_9 = arith.constant 0 : i32
    %dma_wait3A_10 = tpu.memref_slice %arg5[%dma_wait3A, %dma_wait3A_9] : memref<4x32xi32, #tpu.memory_space<vmem>> -> memref<1x32xi32, #tpu.memory_space<vmem>>
    %dma_wait3A_11 = tpu.memref_squeeze %dma_wait3A_10 : memref<1x32xi32, #tpu.memory_space<vmem>> -> memref<32xi32, #tpu.memory_space<vmem>>
    %dma_wait3A_12 = arith.constant 0 : i32
    %dma_wait3A_13 = arith.constant 0 : i32
    %dma_wait3A_14 = tpu.memref_slice %arg2[%dma_wait3A_12, %dma_wait3A_13] : memref<4992x1024xf32, #tpu.memory_space<hbm>> -> memref<4992x1024xf32, #tpu.memory_space<hbm>>
    tpu.wait_indirect_dma semaphore(%arg7 : memref<!tpu.dma_semaphore, #tpu.memory_space<semaphore_mem>>) src(%dma_wait3A_14 : memref<4992x1024xf32, #tpu.memory_space<hbm>>) dst(%arg6 : memref<32x1024xf32, #tpu.memory_space<vmem>>)
    %add3A_15 = arith.constant 0 : i32
    %add3A_16 = arith.addi %mul3A_2, %add3A_15 : i32
    "tpu.region"() ({
      %run_scoped3A = tpu.sem_alloc : memref<!tpu.dma_semaphore, #tpu.memory_space<semaphore_mem>>
      %dma_start3A_65 = arith.constant 0 : i32
      %dma_start3A_66 = tpu.memref_slice %arg4[%add3A_16, %dma_start3A_65] : memref<4096x1024xf32, #tpu.memory_space<hbm>> -> memref<32x1024xf32, #tpu.memory_space<hbm>>
      %dma_start3A_67 = arith.constant 0 : i32
      %dma_start3A_68 = tpu.memref_slice %arg4[%add3A_16, %dma_start3A_67] : memref<4096x1024xf32, #tpu.memory_space<hbm>> -> memref<32x1024xf32, #tpu.memory_space<hbm>>
      tpu.enqueue_dma source(%arg6 : memref<32x1024xf32, #tpu.memory_space<vmem>>) target(%dma_start3A_68 : memref<32x1024xf32, #tpu.memory_space<hbm>>) target_semaphore(%run_scoped3A : memref<!tpu.dma_semaphore, #tpu.memory_space<semaphore_mem>>)
      %dma_wait3A_69 = arith.constant 0 : i32
      %dma_wait3A_70 = tpu.memref_slice %arg4[%add3A_16, %dma_wait3A_69] : memref<4096x1024xf32, #tpu.memory_space<hbm>> -> memref<32x1024xf32, #tpu.memory_space<hbm>>
      %dma_wait3A_71 = arith.constant 0 : i32
      %dma_wait3A_72 = tpu.memref_slice %arg4[%add3A_16, %dma_wait3A_71] : memref<4096x1024xf32, #tpu.memory_space<hbm>> -> memref<32x1024xf32, #tpu.memory_space<hbm>>
      tpu.wait_dma2 semaphore(%run_scoped3A : memref<!tpu.dma_semaphore, #tpu.memory_space<semaphore_mem>>) src(%arg6 : memref<32x1024xf32, #tpu.memory_space<vmem>>) dst(%dma_wait3A_72 : memref<32x1024xf32, #tpu.memory_space<hbm>>)
      tpu.yield
    }) : () -> ()
    %dma_start3A_17 = arith.constant 1 : i32
    %dma_start3A_18 = arith.constant 0 : i32
    %dma_start3A_19 = tpu.memref_slice %arg5[%dma_start3A_17, %dma_start3A_18] : memref<4x32xi32, #tpu.memory_space<vmem>> -> memref<1x32xi32, #tpu.memory_space<vmem>>
    %dma_start3A_20 = tpu.memref_squeeze %dma_start3A_19 : memref<1x32xi32, #tpu.memory_space<vmem>> -> memref<32xi32, #tpu.memory_space<vmem>>
    %dma_start3A_21 = arith.constant 0 : i32
    %dma_start3A_22 = arith.constant 0 : i32
    %dma_start3A_23 = tpu.memref_slice %arg2[%dma_start3A_21, %dma_start3A_22] : memref<4992x1024xf32, #tpu.memory_space<hbm>> -> memref<4992x1024xf32, #tpu.memory_space<hbm>>
    tpu.enqueue_indirect_dma source(%dma_start3A_23 : memref<4992x1024xf32, #tpu.memory_space<hbm>>) target(%arg6 : memref<32x1024xf32, #tpu.memory_space<vmem>>) offsets(%dma_start3A_20 : memref<32xi32, #tpu.memory_space<vmem>>) semaphore(%arg7 : memref<!tpu.dma_semaphore, #tpu.memory_space<semaphore_mem>>)
    %dma_wait3A_24 = arith.constant 1 : i32
    %dma_wait3A_25 = arith.constant 0 : i32
    %dma_wait3A_26 = tpu.memref_slice %arg5[%dma_wait3A_24, %dma_wait3A_25] : memref<4x32xi32, #tpu.memory_space<vmem>> -> memref<1x32xi32, #tpu.memory_space<vmem>>
    %dma_wait3A_27 = tpu.memref_squeeze %dma_wait3A_26 : memref<1x32xi32, #tpu.memory_space<vmem>> -> memref<32xi32, #tpu.memory_space<vmem>>
    %dma_wait3A_28 = arith.constant 0 : i32
    %dma_wait3A_29 = arith.constant 0 : i32
    %dma_wait3A_30 = tpu.memref_slice %arg2[%dma_wait3A_28, %dma_wait3A_29] : memref<4992x1024xf32, #tpu.memory_space<hbm>> -> memref<4992x1024xf32, #tpu.memory_space<hbm>>
    tpu.wait_indirect_dma semaphore(%arg7 : memref<!tpu.dma_semaphore, #tpu.memory_space<semaphore_mem>>) src(%dma_wait3A_30 : memref<4992x1024xf32, #tpu.memory_space<hbm>>) dst(%arg6 : memref<32x1024xf32, #tpu.memory_space<vmem>>)
    %add3A_31 = arith.constant 32 : i32
    %add3A_32 = arith.addi %mul3A_2, %add3A_31 : i32
    "tpu.region"() ({
      %run_scoped3A = tpu.sem_alloc : memref<!tpu.dma_semaphore, #tpu.memory_space<semaphore_mem>>
      %dma_start3A_65 = arith.constant 0 : i32
      %dma_start3A_66 = tpu.memref_slice %arg4[%add3A_32, %dma_start3A_65] : memref<4096x1024xf32, #tpu.memory_space<hbm>> -> memref<32x1024xf32, #tpu.memory_space<hbm>>
      %dma_start3A_67 = arith.constant 0 : i32
      %dma_start3A_68 = tpu.memref_slice %arg4[%add3A_32, %dma_start3A_67] : memref<4096x1024xf32, #tpu.memory_space<hbm>> -> memref<32x1024xf32, #tpu.memory_space<hbm>>
      tpu.enqueue_dma source(%arg6 : memref<32x1024xf32, #tpu.memory_space<vmem>>) target(%dma_start3A_68 : memref<32x1024xf32, #tpu.memory_space<hbm>>) target_semaphore(%run_scoped3A : memref<!tpu.dma_semaphore, #tpu.memory_space<semaphore_mem>>)
      %dma_wait3A_69 = arith.constant 0 : i32
      %dma_wait3A_70 = tpu.memref_slice %arg4[%add3A_32, %dma_wait3A_69] : memref<4096x1024xf32, #tpu.memory_space<hbm>> -> memref<32x1024xf32, #tpu.memory_space<hbm>>
      %dma_wait3A_71 = arith.constant 0 : i32
      %dma_wait3A_72 = tpu.memref_slice %arg4[%add3A_32, %dma_wait3A_71] : memref<4096x1024xf32, #tpu.memory_space<hbm>> -> memref<32x1024xf32, #tpu.memory_space<hbm>>
      tpu.wait_dma2 semaphore(%run_scoped3A : memref<!tpu.dma_semaphore, #tpu.memory_space<semaphore_mem>>) src(%arg6 : memref<32x1024xf32, #tpu.memory_space<vmem>>) dst(%dma_wait3A_72 : memref<32x1024xf32, #tpu.memory_space<hbm>>)
      tpu.yield
    }) : () -> ()
    %dma_start3A_33 = arith.constant 2 : i32
    %dma_start3A_34 = arith.constant 0 : i32
    %dma_start3A_35 = tpu.memref_slice %arg5[%dma_start3A_33, %dma_start3A_34] : memref<4x32xi32, #tpu.memory_space<vmem>> -> memref<1x32xi32, #tpu.memory_space<vmem>>
    %dma_start3A_36 = tpu.memref_squeeze %dma_start3A_35 : memref<1x32xi32, #tpu.memory_space<vmem>> -> memref<32xi32, #tpu.memory_space<vmem>>
    %dma_start3A_37 = arith.constant 0 : i32
    %dma_start3A_38 = arith.constant 0 : i32
    %dma_start3A_39 = tpu.memref_slice %arg2[%dma_start3A_37, %dma_start3A_38] : memref<4992x1024xf32, #tpu.memory_space<hbm>> -> memref<4992x1024xf32, #tpu.memory_space<hbm>>
    tpu.enqueue_indirect_dma source(%dma_start3A_39 : memref<4992x1024xf32, #tpu.memory_space<hbm>>) target(%arg6 : memref<32x1024xf32, #tpu.memory_space<vmem>>) offsets(%dma_start3A_36 : memref<32xi32, #tpu.memory_space<vmem>>) semaphore(%arg7 : memref<!tpu.dma_semaphore, #tpu.memory_space<semaphore_mem>>)
    %dma_wait3A_40 = arith.constant 2 : i32
    %dma_wait3A_41 = arith.constant 0 : i32
    %dma_wait3A_42 = tpu.memref_slice %arg5[%dma_wait3A_40, %dma_wait3A_41] : memref<4x32xi32, #tpu.memory_space<vmem>> -> memref<1x32xi32, #tpu.memory_space<vmem>>
    %dma_wait3A_43 = tpu.memref_squeeze %dma_wait3A_42 : memref<1x32xi32, #tpu.memory_space<vmem>> -> memref<32xi32, #tpu.memory_space<vmem>>
    %dma_wait3A_44 = arith.constant 0 : i32
    %dma_wait3A_45 = arith.constant 0 : i32
    %dma_wait3A_46 = tpu.memref_slice %arg2[%dma_wait3A_44, %dma_wait3A_45] : memref<4992x1024xf32, #tpu.memory_space<hbm>> -> memref<4992x1024xf32, #tpu.memory_space<hbm>>
    tpu.wait_indirect_dma semaphore(%arg7 : memref<!tpu.dma_semaphore, #tpu.memory_space<semaphore_mem>>) src(%dma_wait3A_46 : memref<4992x1024xf32, #tpu.memory_space<hbm>>) dst(%arg6 : memref<32x1024xf32, #tpu.memory_space<vmem>>)
    %add3A_47 = arith.constant 64 : i32
    %add3A_48 = arith.addi %mul3A_2, %add3A_47 : i32
    "tpu.region"() ({
      %run_scoped3A = tpu.sem_alloc : memref<!tpu.dma_semaphore, #tpu.memory_space<semaphore_mem>>
      %dma_start3A_65 = arith.constant 0 : i32
      %dma_start3A_66 = tpu.memref_slice %arg4[%add3A_48, %dma_start3A_65] : memref<4096x1024xf32, #tpu.memory_space<hbm>> -> memref<32x1024xf32, #tpu.memory_space<hbm>>
      %dma_start3A_67 = arith.constant 0 : i32
      %dma_start3A_68 = tpu.memref_slice %arg4[%add3A_48, %dma_start3A_67] : memref<4096x1024xf32, #tpu.memory_space<hbm>> -> memref<32x1024xf32, #tpu.memory_space<hbm>>
      tpu.enqueue_dma source(%arg6 : memref<32x1024xf32, #tpu.memory_space<vmem>>) target(%dma_start3A_68 : memref<32x1024xf32, #tpu.memory_space<hbm>>) target_semaphore(%run_scoped3A : memref<!tpu.dma_semaphore, #tpu.memory_space<semaphore_mem>>)
      %dma_wait3A_69 = arith.constant 0 : i32
      %dma_wait3A_70 = tpu.memref_slice %arg4[%add3A_48, %dma_wait3A_69] : memref<4096x1024xf32, #tpu.memory_space<hbm>> -> memref<32x1024xf32, #tpu.memory_space<hbm>>
      %dma_wait3A_71 = arith.constant 0 : i32
      %dma_wait3A_72 = tpu.memref_slice %arg4[%add3A_48, %dma_wait3A_71] : memref<4096x1024xf32, #tpu.memory_space<hbm>> -> memref<32x1024xf32, #tpu.memory_space<hbm>>
      tpu.wait_dma2 semaphore(%run_scoped3A : memref<!tpu.dma_semaphore, #tpu.memory_space<semaphore_mem>>) src(%arg6 : memref<32x1024xf32, #tpu.memory_space<vmem>>) dst(%dma_wait3A_72 : memref<32x1024xf32, #tpu.memory_space<hbm>>)
      tpu.yield
    }) : () -> ()
    %dma_start3A_49 = arith.constant 3 : i32
    %dma_start3A_50 = arith.constant 0 : i32
    %dma_start3A_51 = tpu.memref_slice %arg5[%dma_start3A_49, %dma_start3A_50] : memref<4x32xi32, #tpu.memory_space<vmem>> -> memref<1x32xi32, #tpu.memory_space<vmem>>
    %dma_start3A_52 = tpu.memref_squeeze %dma_start3A_51 : memref<1x32xi32, #tpu.memory_space<vmem>> -> memref<32xi32, #tpu.memory_space<vmem>>
    %dma_start3A_53 = arith.constant 0 : i32
    %dma_start3A_54 = arith.constant 0 : i32
    %dma_start3A_55 = tpu.memref_slice %arg2[%dma_start3A_53, %dma_start3A_54] : memref<4992x1024xf32, #tpu.memory_space<hbm>> -> memref<4992x1024xf32, #tpu.memory_space<hbm>>
    tpu.enqueue_indirect_dma source(%dma_start3A_55 : memref<4992x1024xf32, #tpu.memory_space<hbm>>) target(%arg6 : memref<32x1024xf32, #tpu.memory_space<vmem>>) offsets(%dma_start3A_52 : memref<32xi32, #tpu.memory_space<vmem>>) semaphore(%arg7 : memref<!tpu.dma_semaphore, #tpu.memory_space<semaphore_mem>>)
    %dma_wait3A_56 = arith.constant 3 : i32
    %dma_wait3A_57 = arith.constant 0 : i32
    %dma_wait3A_58 = tpu.memref_slice %arg5[%dma_wait3A_56, %dma_wait3A_57] : memref<4x32xi32, #tpu.memory_space<vmem>> -> memref<1x32xi32, #tpu.memory_space<vmem>>
    %dma_wait3A_59 = tpu.memref_squeeze %dma_wait3A_58 : memref<1x32xi32, #tpu.memory_space<vmem>> -> memref<32xi32, #tpu.memory_space<vmem>>
    %dma_wait3A_60 = arith.constant 0 : i32
    %dma_wait3A_61 = arith.constant 0 : i32
    %dma_wait3A_62 = tpu.memref_slice %arg2[%dma_wait3A_60, %dma_wait3A_61] : memref<4992x1024xf32, #tpu.memory_space<hbm>> -> memref<4992x1024xf32, #tpu.memory_space<hbm>>
    tpu.wait_indirect_dma semaphore(%arg7 : memref<!tpu.dma_semaphore, #tpu.memory_space<semaphore_mem>>) src(%dma_wait3A_62 : memref<4992x1024xf32, #tpu.memory_space<hbm>>) dst(%arg6 : memref<32x1024xf32, #tpu.memory_space<vmem>>)
    %add3A_63 = arith.constant 96 : i32
    %add3A_64 = arith.addi %mul3A_2, %add3A_63 : i32
    "tpu.region"() ({
      %run_scoped3A = tpu.sem_alloc : memref<!tpu.dma_semaphore, #tpu.memory_space<semaphore_mem>>
      %dma_start3A_65 = arith.constant 0 : i32
      %dma_start3A_66 = tpu.memref_slice %arg4[%add3A_64, %dma_start3A_65] : memref<4096x1024xf32, #tpu.memory_space<hbm>> -> memref<32x1024xf32, #tpu.memory_space<hbm>>
      %dma_start3A_67 = arith.constant 0 : i32
      %dma_start3A_68 = tpu.memref_slice %arg4[%add3A_64, %dma_start3A_67] : memref<4096x1024xf32, #tpu.memory_space<hbm>> -> memref<32x1024xf32, #tpu.memory_space<hbm>>
      tpu.enqueue_dma source(%arg6 : memref<32x1024xf32, #tpu.memory_space<vmem>>) target(%dma_start3A_68 : memref<32x1024xf32, #tpu.memory_space<hbm>>) target_semaphore(%run_scoped3A : memref<!tpu.dma_semaphore, #tpu.memory_space<semaphore_mem>>)
      %dma_wait3A_69 = arith.constant 0 : i32
      %dma_wait3A_70 = tpu.memref_slice %arg4[%add3A_64, %dma_wait3A_69] : memref<4096x1024xf32, #tpu.memory_space<hbm>> -> memref<32x1024xf32, #tpu.memory_space<hbm>>
      %dma_wait3A_71 = arith.constant 0 : i32
      %dma_wait3A_72 = tpu.memref_slice %arg4[%add3A_64, %dma_wait3A_71] : memref<4096x1024xf32, #tpu.memory_space<hbm>> -> memref<32x1024xf32, #tpu.memory_space<hbm>>
      tpu.wait_dma2 semaphore(%run_scoped3A : memref<!tpu.dma_semaphore, #tpu.memory_space<semaphore_mem>>) src(%arg6 : memref<32x1024xf32, #tpu.memory_space<vmem>>) dst(%dma_wait3A_72 : memref<32x1024xf32, #tpu.memory_space<hbm>>)
      tpu.yield
    }) : () -> ()
    return
  }
}

#map = affine_map<(d0, d1) -> (0, 0)>
#map1 = affine_map<(d0, d1) -> (0, 0, 0)>
module attributes {stable_mosaic.version = 14 : i64} {
  func.func @k(%arg0: i32, %arg1: i32, %arg2: memref<2048x1024xf32, #tpu.memory_space<hbm>>, %arg3: memref<32x4x32xi32, #tpu.memory_space<hbm>>, %arg4: memref<4992x1024xf32, #tpu.memory_space<hbm>>, %arg5: memref<4x32xi32, #tpu.memory_space<vmem>>, %arg6: memref<32x1024xf32, #tpu.memory_space<vmem>>, %arg7: memref<!tpu.dma_semaphore, #tpu.memory_space<semaphore_mem>>) attributes {dimension_semantics = [#tpu.dimension_semantics<core_parallel>, #tpu.dimension_semantics<subcore_parallel>], iteration_bounds = array<i64: 2, 16>, scalar_prefetch = 0 : i64, scratch_operands = 3 : i64, tpu.core_type = #tpu.core_type<sc_vector_subcore>, window_params = [{transform_indices = #map}, {transform_indices = #map1}, {transform_indices = #map}]} {
    %mul3A = arith.constant 2 : i32
    %mul3A_0 = arith.muli %arg1, %mul3A : i32
    %add3A = arith.addi %mul3A_0, %arg0 : i32
    "tpu.region"() ({
      %run_scoped3A = tpu.sem_alloc : memref<!tpu.dma_semaphore, #tpu.memory_space<semaphore_mem>>
      %dma_start3A_74 = arith.constant 0 : i32
      %dma_start3A_75 = arith.constant 0 : i32
      %dma_start3A_76 = tpu.memref_slice %arg3[%add3A, %dma_start3A_74, %dma_start3A_75] : memref<32x4x32xi32, #tpu.memory_space<hbm>> -> memref<1x4x32xi32, #tpu.memory_space<hbm>>
      %dma_start3A_77 = tpu.memref_squeeze %dma_start3A_76 : memref<1x4x32xi32, #tpu.memory_space<hbm>> -> memref<4x32xi32, #tpu.memory_space<hbm>>
      %dma_start3A_78 = arith.constant 0 : i32
      %dma_start3A_79 = arith.constant 0 : i32
      %dma_start3A_80 = tpu.memref_slice %arg3[%add3A, %dma_start3A_78, %dma_start3A_79] : memref<32x4x32xi32, #tpu.memory_space<hbm>> -> memref<1x4x32xi32, #tpu.memory_space<hbm>>
      %dma_start3A_81 = tpu.memref_squeeze %dma_start3A_80 : memref<1x4x32xi32, #tpu.memory_space<hbm>> -> memref<4x32xi32, #tpu.memory_space<hbm>>
      tpu.enqueue_dma source(%dma_start3A_81 : memref<4x32xi32, #tpu.memory_space<hbm>>) target(%arg5 : memref<4x32xi32, #tpu.memory_space<vmem>>) target_semaphore(%run_scoped3A : memref<!tpu.dma_semaphore, #tpu.memory_space<semaphore_mem>>)
      %dma_wait3A_82 = arith.constant 0 : i32
      %dma_wait3A_83 = arith.constant 0 : i32
      %dma_wait3A_84 = tpu.memref_slice %arg3[%add3A, %dma_wait3A_82, %dma_wait3A_83] : memref<32x4x32xi32, #tpu.memory_space<hbm>> -> memref<1x4x32xi32, #tpu.memory_space<hbm>>
      %dma_wait3A_85 = tpu.memref_squeeze %dma_wait3A_84 : memref<1x4x32xi32, #tpu.memory_space<hbm>> -> memref<4x32xi32, #tpu.memory_space<hbm>>
      %dma_wait3A_86 = arith.constant 0 : i32
      %dma_wait3A_87 = arith.constant 0 : i32
      %dma_wait3A_88 = tpu.memref_slice %arg3[%add3A, %dma_wait3A_86, %dma_wait3A_87] : memref<32x4x32xi32, #tpu.memory_space<hbm>> -> memref<1x4x32xi32, #tpu.memory_space<hbm>>
      %dma_wait3A_89 = tpu.memref_squeeze %dma_wait3A_88 : memref<1x4x32xi32, #tpu.memory_space<hbm>> -> memref<4x32xi32, #tpu.memory_space<hbm>>
      tpu.wait_dma2 semaphore(%run_scoped3A : memref<!tpu.dma_semaphore, #tpu.memory_space<semaphore_mem>>) src(%dma_wait3A_89 : memref<4x32xi32, #tpu.memory_space<hbm>>) dst(%arg5 : memref<4x32xi32, #tpu.memory_space<vmem>>)
      tpu.yield
    }) : () -> ()
    %jit3A = arith.constant 16 : i32
    %eq3A = arith.constant 0 : i32
    %eq3A_1 = arith.cmpi eq, %jit3A, %eq3A : i32
    %jit3A_2 = arith.constant 1 : i32
    %select_n3A = arith.select %eq3A_1, %jit3A_2, %jit3A : i32
    %rem3A = arith.remsi %add3A, %select_n3A : i32
    %ne3A = arith.constant 0 : i32
    %ne3A_3 = arith.cmpi ne, %rem3A, %ne3A : i32
    %lt3A = arith.constant 0 : i32
    %lt3A_4 = arith.cmpi slt, %rem3A, %lt3A : i32
    %lt3A_5 = arith.constant 0 : i32
    %lt3A_6 = arith.cmpi slt, %select_n3A, %lt3A_5 : i32
    %ne3A_7 = arith.xori %lt3A_4, %lt3A_6 : i1
    %and3A = arith.andi %ne3A_7, %ne3A_3 : i1
    %add3A_8 = arith.addi %rem3A, %select_n3A : i32
    %select_n3A_9 = arith.select %and3A, %add3A_8, %rem3A : i32
    %mul3A_10 = arith.constant 128 : i32
    %mul3A_11 = arith.muli %select_n3A_9, %mul3A_10 : i32
    %add3A_12 = arith.constant 0 : i32
    %add3A_13 = arith.addi %mul3A_11, %add3A_12 : i32
    "tpu.region"() ({
      %run_scoped3A = tpu.sem_alloc : memref<!tpu.dma_semaphore, #tpu.memory_space<semaphore_mem>>
      %dma_start3A_74 = arith.constant 0 : i32
      %dma_start3A_75 = tpu.memref_slice %arg2[%add3A_13, %dma_start3A_74] : memref<2048x1024xf32, #tpu.memory_space<hbm>> -> memref<32x1024xf32, #tpu.memory_space<hbm>>
      %dma_start3A_76 = arith.constant 0 : i32
      %dma_start3A_77 = tpu.memref_slice %arg2[%add3A_13, %dma_start3A_76] : memref<2048x1024xf32, #tpu.memory_space<hbm>> -> memref<32x1024xf32, #tpu.memory_space<hbm>>
      tpu.enqueue_dma source(%dma_start3A_77 : memref<32x1024xf32, #tpu.memory_space<hbm>>) target(%arg6 : memref<32x1024xf32, #tpu.memory_space<vmem>>) target_semaphore(%run_scoped3A : memref<!tpu.dma_semaphore, #tpu.memory_space<semaphore_mem>>)
      %dma_wait3A_78 = arith.constant 0 : i32
      %dma_wait3A_79 = tpu.memref_slice %arg2[%add3A_13, %dma_wait3A_78] : memref<2048x1024xf32, #tpu.memory_space<hbm>> -> memref<32x1024xf32, #tpu.memory_space<hbm>>
      %dma_wait3A_80 = arith.constant 0 : i32
      %dma_wait3A_81 = tpu.memref_slice %arg2[%add3A_13, %dma_wait3A_80] : memref<2048x1024xf32, #tpu.memory_space<hbm>> -> memref<32x1024xf32, #tpu.memory_space<hbm>>
      tpu.wait_dma2 semaphore(%run_scoped3A : memref<!tpu.dma_semaphore, #tpu.memory_space<semaphore_mem>>) src(%dma_wait3A_81 : memref<32x1024xf32, #tpu.memory_space<hbm>>) dst(%arg6 : memref<32x1024xf32, #tpu.memory_space<vmem>>)
      tpu.yield
    }) : () -> ()
    %dma_start3A = arith.constant 0 : i32
    %dma_start3A_14 = arith.constant 0 : i32
    %dma_start3A_15 = tpu.memref_slice %arg5[%dma_start3A, %dma_start3A_14] : memref<4x32xi32, #tpu.memory_space<vmem>> -> memref<1x32xi32, #tpu.memory_space<vmem>>
    %dma_start3A_16 = tpu.memref_squeeze %dma_start3A_15 : memref<1x32xi32, #tpu.memory_space<vmem>> -> memref<32xi32, #tpu.memory_space<vmem>>
    %dma_start3A_17 = arith.constant 0 : i32
    %dma_start3A_18 = arith.constant 0 : i32
    %dma_start3A_19 = tpu.memref_slice %arg4[%dma_start3A_17, %dma_start3A_18] : memref<4992x1024xf32, #tpu.memory_space<hbm>> -> memref<4992x1024xf32, #tpu.memory_space<hbm>>
    tpu.enqueue_indirect_dma source(%arg6 : memref<32x1024xf32, #tpu.memory_space<vmem>>) target(%dma_start3A_19 : memref<4992x1024xf32, #tpu.memory_space<hbm>>) offsets(%dma_start3A_16 : memref<32xi32, #tpu.memory_space<vmem>>) semaphore(%arg7 : memref<!tpu.dma_semaphore, #tpu.memory_space<semaphore_mem>>)
    %dma_wait3A = arith.constant 0 : i32
    %dma_wait3A_20 = arith.constant 0 : i32
    %dma_wait3A_21 = tpu.memref_slice %arg5[%dma_wait3A, %dma_wait3A_20] : memref<4x32xi32, #tpu.memory_space<vmem>> -> memref<1x32xi32, #tpu.memory_space<vmem>>
    %dma_wait3A_22 = tpu.memref_squeeze %dma_wait3A_21 : memref<1x32xi32, #tpu.memory_space<vmem>> -> memref<32xi32, #tpu.memory_space<vmem>>
    %dma_wait3A_23 = arith.constant 0 : i32
    %dma_wait3A_24 = arith.constant 0 : i32
    %dma_wait3A_25 = tpu.memref_slice %arg4[%dma_wait3A_23, %dma_wait3A_24] : memref<4992x1024xf32, #tpu.memory_space<hbm>> -> memref<4992x1024xf32, #tpu.memory_space<hbm>>
    tpu.wait_indirect_dma semaphore(%arg7 : memref<!tpu.dma_semaphore, #tpu.memory_space<semaphore_mem>>) src(%arg6 : memref<32x1024xf32, #tpu.memory_space<vmem>>) dst(%dma_wait3A_25 : memref<4992x1024xf32, #tpu.memory_space<hbm>>)
    %add3A_26 = arith.constant 32 : i32
    %add3A_27 = arith.addi %mul3A_11, %add3A_26 : i32
    "tpu.region"() ({
      %run_scoped3A = tpu.sem_alloc : memref<!tpu.dma_semaphore, #tpu.memory_space<semaphore_mem>>
      %dma_start3A_74 = arith.constant 0 : i32
      %dma_start3A_75 = tpu.memref_slice %arg2[%add3A_27, %dma_start3A_74] : memref<2048x1024xf32, #tpu.memory_space<hbm>> -> memref<32x1024xf32, #tpu.memory_space<hbm>>
      %dma_start3A_76 = arith.constant 0 : i32
      %dma_start3A_77 = tpu.memref_slice %arg2[%add3A_27, %dma_start3A_76] : memref<2048x1024xf32, #tpu.memory_space<hbm>> -> memref<32x1024xf32, #tpu.memory_space<hbm>>
      tpu.enqueue_dma source(%dma_start3A_77 : memref<32x1024xf32, #tpu.memory_space<hbm>>) target(%arg6 : memref<32x1024xf32, #tpu.memory_space<vmem>>) target_semaphore(%run_scoped3A : memref<!tpu.dma_semaphore, #tpu.memory_space<semaphore_mem>>)
      %dma_wait3A_78 = arith.constant 0 : i32
      %dma_wait3A_79 = tpu.memref_slice %arg2[%add3A_27, %dma_wait3A_78] : memref<2048x1024xf32, #tpu.memory_space<hbm>> -> memref<32x1024xf32, #tpu.memory_space<hbm>>
      %dma_wait3A_80 = arith.constant 0 : i32
      %dma_wait3A_81 = tpu.memref_slice %arg2[%add3A_27, %dma_wait3A_80] : memref<2048x1024xf32, #tpu.memory_space<hbm>> -> memref<32x1024xf32, #tpu.memory_space<hbm>>
      tpu.wait_dma2 semaphore(%run_scoped3A : memref<!tpu.dma_semaphore, #tpu.memory_space<semaphore_mem>>) src(%dma_wait3A_81 : memref<32x1024xf32, #tpu.memory_space<hbm>>) dst(%arg6 : memref<32x1024xf32, #tpu.memory_space<vmem>>)
      tpu.yield
    }) : () -> ()
    %dma_start3A_28 = arith.constant 1 : i32
    %dma_start3A_29 = arith.constant 0 : i32
    %dma_start3A_30 = tpu.memref_slice %arg5[%dma_start3A_28, %dma_start3A_29] : memref<4x32xi32, #tpu.memory_space<vmem>> -> memref<1x32xi32, #tpu.memory_space<vmem>>
    %dma_start3A_31 = tpu.memref_squeeze %dma_start3A_30 : memref<1x32xi32, #tpu.memory_space<vmem>> -> memref<32xi32, #tpu.memory_space<vmem>>
    %dma_start3A_32 = arith.constant 0 : i32
    %dma_start3A_33 = arith.constant 0 : i32
    %dma_start3A_34 = tpu.memref_slice %arg4[%dma_start3A_32, %dma_start3A_33] : memref<4992x1024xf32, #tpu.memory_space<hbm>> -> memref<4992x1024xf32, #tpu.memory_space<hbm>>
    tpu.enqueue_indirect_dma source(%arg6 : memref<32x1024xf32, #tpu.memory_space<vmem>>) target(%dma_start3A_34 : memref<4992x1024xf32, #tpu.memory_space<hbm>>) offsets(%dma_start3A_31 : memref<32xi32, #tpu.memory_space<vmem>>) semaphore(%arg7 : memref<!tpu.dma_semaphore, #tpu.memory_space<semaphore_mem>>)
    %dma_wait3A_35 = arith.constant 1 : i32
    %dma_wait3A_36 = arith.constant 0 : i32
    %dma_wait3A_37 = tpu.memref_slice %arg5[%dma_wait3A_35, %dma_wait3A_36] : memref<4x32xi32, #tpu.memory_space<vmem>> -> memref<1x32xi32, #tpu.memory_space<vmem>>
    %dma_wait3A_38 = tpu.memref_squeeze %dma_wait3A_37 : memref<1x32xi32, #tpu.memory_space<vmem>> -> memref<32xi32, #tpu.memory_space<vmem>>
    %dma_wait3A_39 = arith.constant 0 : i32
    %dma_wait3A_40 = arith.constant 0 : i32
    %dma_wait3A_41 = tpu.memref_slice %arg4[%dma_wait3A_39, %dma_wait3A_40] : memref<4992x1024xf32, #tpu.memory_space<hbm>> -> memref<4992x1024xf32, #tpu.memory_space<hbm>>
    tpu.wait_indirect_dma semaphore(%arg7 : memref<!tpu.dma_semaphore, #tpu.memory_space<semaphore_mem>>) src(%arg6 : memref<32x1024xf32, #tpu.memory_space<vmem>>) dst(%dma_wait3A_41 : memref<4992x1024xf32, #tpu.memory_space<hbm>>)
    %add3A_42 = arith.constant 64 : i32
    %add3A_43 = arith.addi %mul3A_11, %add3A_42 : i32
    "tpu.region"() ({
      %run_scoped3A = tpu.sem_alloc : memref<!tpu.dma_semaphore, #tpu.memory_space<semaphore_mem>>
      %dma_start3A_74 = arith.constant 0 : i32
      %dma_start3A_75 = tpu.memref_slice %arg2[%add3A_43, %dma_start3A_74] : memref<2048x1024xf32, #tpu.memory_space<hbm>> -> memref<32x1024xf32, #tpu.memory_space<hbm>>
      %dma_start3A_76 = arith.constant 0 : i32
      %dma_start3A_77 = tpu.memref_slice %arg2[%add3A_43, %dma_start3A_76] : memref<2048x1024xf32, #tpu.memory_space<hbm>> -> memref<32x1024xf32, #tpu.memory_space<hbm>>
      tpu.enqueue_dma source(%dma_start3A_77 : memref<32x1024xf32, #tpu.memory_space<hbm>>) target(%arg6 : memref<32x1024xf32, #tpu.memory_space<vmem>>) target_semaphore(%run_scoped3A : memref<!tpu.dma_semaphore, #tpu.memory_space<semaphore_mem>>)
      %dma_wait3A_78 = arith.constant 0 : i32
      %dma_wait3A_79 = tpu.memref_slice %arg2[%add3A_43, %dma_wait3A_78] : memref<2048x1024xf32, #tpu.memory_space<hbm>> -> memref<32x1024xf32, #tpu.memory_space<hbm>>
      %dma_wait3A_80 = arith.constant 0 : i32
      %dma_wait3A_81 = tpu.memref_slice %arg2[%add3A_43, %dma_wait3A_80] : memref<2048x1024xf32, #tpu.memory_space<hbm>> -> memref<32x1024xf32, #tpu.memory_space<hbm>>
      tpu.wait_dma2 semaphore(%run_scoped3A : memref<!tpu.dma_semaphore, #tpu.memory_space<semaphore_mem>>) src(%dma_wait3A_81 : memref<32x1024xf32, #tpu.memory_space<hbm>>) dst(%arg6 : memref<32x1024xf32, #tpu.memory_space<vmem>>)
      tpu.yield
    }) : () -> ()
    %dma_start3A_44 = arith.constant 2 : i32
    %dma_start3A_45 = arith.constant 0 : i32
    %dma_start3A_46 = tpu.memref_slice %arg5[%dma_start3A_44, %dma_start3A_45] : memref<4x32xi32, #tpu.memory_space<vmem>> -> memref<1x32xi32, #tpu.memory_space<vmem>>
    %dma_start3A_47 = tpu.memref_squeeze %dma_start3A_46 : memref<1x32xi32, #tpu.memory_space<vmem>> -> memref<32xi32, #tpu.memory_space<vmem>>
    %dma_start3A_48 = arith.constant 0 : i32
    %dma_start3A_49 = arith.constant 0 : i32
    %dma_start3A_50 = tpu.memref_slice %arg4[%dma_start3A_48, %dma_start3A_49] : memref<4992x1024xf32, #tpu.memory_space<hbm>> -> memref<4992x1024xf32, #tpu.memory_space<hbm>>
    tpu.enqueue_indirect_dma source(%arg6 : memref<32x1024xf32, #tpu.memory_space<vmem>>) target(%dma_start3A_50 : memref<4992x1024xf32, #tpu.memory_space<hbm>>) offsets(%dma_start3A_47 : memref<32xi32, #tpu.memory_space<vmem>>) semaphore(%arg7 : memref<!tpu.dma_semaphore, #tpu.memory_space<semaphore_mem>>)
    %dma_wait3A_51 = arith.constant 2 : i32
    %dma_wait3A_52 = arith.constant 0 : i32
    %dma_wait3A_53 = tpu.memref_slice %arg5[%dma_wait3A_51, %dma_wait3A_52] : memref<4x32xi32, #tpu.memory_space<vmem>> -> memref<1x32xi32, #tpu.memory_space<vmem>>
    %dma_wait3A_54 = tpu.memref_squeeze %dma_wait3A_53 : memref<1x32xi32, #tpu.memory_space<vmem>> -> memref<32xi32, #tpu.memory_space<vmem>>
    %dma_wait3A_55 = arith.constant 0 : i32
    %dma_wait3A_56 = arith.constant 0 : i32
    %dma_wait3A_57 = tpu.memref_slice %arg4[%dma_wait3A_55, %dma_wait3A_56] : memref<4992x1024xf32, #tpu.memory_space<hbm>> -> memref<4992x1024xf32, #tpu.memory_space<hbm>>
    tpu.wait_indirect_dma semaphore(%arg7 : memref<!tpu.dma_semaphore, #tpu.memory_space<semaphore_mem>>) src(%arg6 : memref<32x1024xf32, #tpu.memory_space<vmem>>) dst(%dma_wait3A_57 : memref<4992x1024xf32, #tpu.memory_space<hbm>>)
    %add3A_58 = arith.constant 96 : i32
    %add3A_59 = arith.addi %mul3A_11, %add3A_58 : i32
    "tpu.region"() ({
      %run_scoped3A = tpu.sem_alloc : memref<!tpu.dma_semaphore, #tpu.memory_space<semaphore_mem>>
      %dma_start3A_74 = arith.constant 0 : i32
      %dma_start3A_75 = tpu.memref_slice %arg2[%add3A_59, %dma_start3A_74] : memref<2048x1024xf32, #tpu.memory_space<hbm>> -> memref<32x1024xf32, #tpu.memory_space<hbm>>
      %dma_start3A_76 = arith.constant 0 : i32
      %dma_start3A_77 = tpu.memref_slice %arg2[%add3A_59, %dma_start3A_76] : memref<2048x1024xf32, #tpu.memory_space<hbm>> -> memref<32x1024xf32, #tpu.memory_space<hbm>>
      tpu.enqueue_dma source(%dma_start3A_77 : memref<32x1024xf32, #tpu.memory_space<hbm>>) target(%arg6 : memref<32x1024xf32, #tpu.memory_space<vmem>>) target_semaphore(%run_scoped3A : memref<!tpu.dma_semaphore, #tpu.memory_space<semaphore_mem>>)
      %dma_wait3A_78 = arith.constant 0 : i32
      %dma_wait3A_79 = tpu.memref_slice %arg2[%add3A_59, %dma_wait3A_78] : memref<2048x1024xf32, #tpu.memory_space<hbm>> -> memref<32x1024xf32, #tpu.memory_space<hbm>>
      %dma_wait3A_80 = arith.constant 0 : i32
      %dma_wait3A_81 = tpu.memref_slice %arg2[%add3A_59, %dma_wait3A_80] : memref<2048x1024xf32, #tpu.memory_space<hbm>> -> memref<32x1024xf32, #tpu.memory_space<hbm>>
      tpu.wait_dma2 semaphore(%run_scoped3A : memref<!tpu.dma_semaphore, #tpu.memory_space<semaphore_mem>>) src(%dma_wait3A_81 : memref<32x1024xf32, #tpu.memory_space<hbm>>) dst(%arg6 : memref<32x1024xf32, #tpu.memory_space<vmem>>)
      tpu.yield
    }) : () -> ()
    %dma_start3A_60 = arith.constant 3 : i32
    %dma_start3A_61 = arith.constant 0 : i32
    %dma_start3A_62 = tpu.memref_slice %arg5[%dma_start3A_60, %dma_start3A_61] : memref<4x32xi32, #tpu.memory_space<vmem>> -> memref<1x32xi32, #tpu.memory_space<vmem>>
    %dma_start3A_63 = tpu.memref_squeeze %dma_start3A_62 : memref<1x32xi32, #tpu.memory_space<vmem>> -> memref<32xi32, #tpu.memory_space<vmem>>
    %dma_start3A_64 = arith.constant 0 : i32
    %dma_start3A_65 = arith.constant 0 : i32
    %dma_start3A_66 = tpu.memref_slice %arg4[%dma_start3A_64, %dma_start3A_65] : memref<4992x1024xf32, #tpu.memory_space<hbm>> -> memref<4992x1024xf32, #tpu.memory_space<hbm>>
    tpu.enqueue_indirect_dma source(%arg6 : memref<32x1024xf32, #tpu.memory_space<vmem>>) target(%dma_start3A_66 : memref<4992x1024xf32, #tpu.memory_space<hbm>>) offsets(%dma_start3A_63 : memref<32xi32, #tpu.memory_space<vmem>>) semaphore(%arg7 : memref<!tpu.dma_semaphore, #tpu.memory_space<semaphore_mem>>)
    %dma_wait3A_67 = arith.constant 3 : i32
    %dma_wait3A_68 = arith.constant 0 : i32
    %dma_wait3A_69 = tpu.memref_slice %arg5[%dma_wait3A_67, %dma_wait3A_68] : memref<4x32xi32, #tpu.memory_space<vmem>> -> memref<1x32xi32, #tpu.memory_space<vmem>>
    %dma_wait3A_70 = tpu.memref_squeeze %dma_wait3A_69 : memref<1x32xi32, #tpu.memory_space<vmem>> -> memref<32xi32, #tpu.memory_space<vmem>>
    %dma_wait3A_71 = arith.constant 0 : i32
    %dma_wait3A_72 = arith.constant 0 : i32
    %dma_wait3A_73 = tpu.memref_slice %arg4[%dma_wait3A_71, %dma_wait3A_72] : memref<4992x1024xf32, #tpu.memory_space<hbm>> -> memref<4992x1024xf32, #tpu.memory_space<hbm>>
    tpu.wait_indirect_dma semaphore(%arg7 : memref<!tpu.dma_semaphore, #tpu.memory_space<semaphore_mem>>) src(%arg6 : memref<32x1024xf32, #tpu.memory_space<vmem>>) dst(%dma_wait3A_73 : memref<4992x1024xf32, #tpu.memory_space<hbm>>)
    return
  }
}

module attributes {stable_mosaic.version = 14 : i64} {
  func.func @_k1_body(%arg0: i32, %arg1: memref<256x32xf32, #tpu.memory_space<vmem>>, %arg2: memref<256x32xf32, #tpu.memory_space<vmem>>, %arg3: memref<256x1024xf32, #tpu.memory_space<vmem>>, %arg4: memref<1024x2048xf32, #tpu.memory_space<vmem>>, %arg5: memref<16x256x64xf32, #tpu.memory_space<vmem>>, %arg6: memref<8x256x64xf32, #tpu.memory_space<vmem>>, %arg7: memref<8x256x64xf32, #tpu.memory_space<vmem>>) attributes {dimension_semantics = [#tpu.dimension_semantics<arbitrary>], iteration_bounds = array<i64: 8>, scalar_prefetch = 0 : i64, scratch_operands = 0 : i64, tpu.core_type = #tpu.core_type<tc>, window_params = [{transform_indices = @transform_0, window_bounds = array<i64: 256, 32>}, {transform_indices = @transform_1, window_bounds = array<i64: 256, 32>}, {transform_indices = @transform_2, window_bounds = array<i64: 256, 1024>}, {pipeline_mode = #tpu.pipeline_mode<synchronous>, transform_indices = @transform_3, window_bounds = array<i64: 1024, 2048>}, {transform_indices = @transform_4, window_bounds = array<i64: 16, 256, 64>}, {transform_indices = @transform_5, window_bounds = array<i64: 8, 256, 64>}, {transform_indices = @transform_6, window_bounds = array<i64: 8, 256, 64>}]} {
    %get3A = arith.constant 0 : index
    %get3A_0 = arith.constant 0 : index
    %get3A_1 = vector.load %arg3[%get3A, %get3A_0] : memref<256x1024xf32, #tpu.memory_space<vmem>>, vector<256x1024xf32>
    %get3A_2 = arith.constant 0 : index
    %get3A_3 = arith.constant 0 : index
    %get3A_4 = vector.load %arg4[%get3A_2, %get3A_3] : memref<1024x2048xf32, #tpu.memory_space<vmem>>, vector<1024x2048xf32>
    %dot_general3A = arith.constant dense<0.000000e+00> : vector<256x2048xf32>
    %dot_general3A_5 = tpu.matmul %get3A_1, %get3A_4, %dot_general3A {dimension_numbers = #tpu.dot_dimension_numbers<[1], [0], [0], [1], [0, 0, 1, 1], [], []>, transpose_lhs_hint = false} : vector<256x1024xf32>, vector<1024x2048xf32>, vector<256x2048xf32> -> vector<256x2048xf32>
    %get3A_6 = arith.constant 0 : index
    %get3A_7 = arith.constant 0 : index
    %get3A_8 = vector.load %arg1[%get3A_6, %get3A_7] : memref<256x32xf32, #tpu.memory_space<vmem>>, vector<256x32xf32>
    %get3A_9 = arith.constant 0 : index
    %get3A_10 = arith.constant 0 : index
    %get3A_11 = vector.load %arg2[%get3A_9, %get3A_10] : memref<256x32xf32, #tpu.memory_space<vmem>>, vector<256x32xf32>
    %slice3A = vector.extract_strided_slice %dot_general3A_5 {offsets = [0, 0], sizes = [256, 32], strides = [1, 1]} : vector<256x2048xf32> to vector<256x32xf32>
    %slice3A_12 = vector.extract_strided_slice %dot_general3A_5 {offsets = [0, 32], sizes = [256, 32], strides = [1, 1]} : vector<256x2048xf32> to vector<256x32xf32>
    %mul3A = arith.mulf %slice3A, %get3A_8 : vector<256x32xf32>
    %mul3A_13 = arith.mulf %slice3A_12, %get3A_11 : vector<256x32xf32>
    %sub3A = arith.subf %mul3A, %mul3A_13 : vector<256x32xf32>
    %mul3A_14 = arith.mulf %slice3A_12, %get3A_8 : vector<256x32xf32>
    %mul3A_15 = arith.mulf %slice3A, %get3A_11 : vector<256x32xf32>
    %add3A = arith.addf %mul3A_14, %mul3A_15 : vector<256x32xf32>
    %concatenate3A = tpu.concatenate %sub3A, %add3A in 1 : vector<256x32xf32>, vector<256x32xf32> -> vector<256x64xf32>
    %swap3A = arith.constant 0 : index
    %swap3A_16 = arith.constant 0 : index
    %swap3A_17 = arith.constant 0 : index
    %swap3A_18 = vector.load %arg5[%swap3A, %swap3A_16, %swap3A_17] : memref<16x256x64xf32, #tpu.memory_space<vmem>>, vector<1x256x64xf32>
    %swap3A_19 = vector.shape_cast %swap3A_18 : vector<1x256x64xf32> to vector<256x64xf32>
    %swap3A_20 = vector.shape_cast %concatenate3A : vector<256x64xf32> to vector<1x256x64xf32>
    tpu.vector_store %arg5[%swap3A, %swap3A_16, %swap3A_17], %swap3A_20 {strides = array<i32>} : memref<16x256x64xf32, #tpu.memory_space<vmem>>, vector<1x256x64xf32>,
    %slice3A_21 = vector.extract_strided_slice %dot_general3A_5 {offsets = [0, 64], sizes = [256, 32], strides = [1, 1]} : vector<256x2048xf32> to vector<256x32xf32>
    %slice3A_22 = vector.extract_strided_slice %dot_general3A_5 {offsets = [0, 96], sizes = [256, 32], strides = [1, 1]} : vector<256x2048xf32> to vector<256x32xf32>
    %mul3A_23 = arith.mulf %slice3A_21, %get3A_8 : vector<256x32xf32>
    %mul3A_24 = arith.mulf %slice3A_22, %get3A_11 : vector<256x32xf32>
    %sub3A_25 = arith.subf %mul3A_23, %mul3A_24 : vector<256x32xf32>
    %mul3A_26 = arith.mulf %slice3A_22, %get3A_8 : vector<256x32xf32>
    %mul3A_27 = arith.mulf %slice3A_21, %get3A_11 : vector<256x32xf32>
    %add3A_28 = arith.addf %mul3A_26, %mul3A_27 : vector<256x32xf32>
    %concatenate3A_29 = tpu.concatenate %sub3A_25, %add3A_28 in 1 : vector<256x32xf32>, vector<256x32xf32> -> vector<256x64xf32>
    %swap3A_30 = arith.constant 1 : index
    %swap3A_31 = arith.constant 0 : index
    %swap3A_32 = arith.constant 0 : index
    %swap3A_33 = vector.load %arg5[%swap3A_30, %swap3A_31, %swap3A_32] : memref<16x256x64xf32, #tpu.memory_space<vmem>>, vector<1x256x64xf32>
    %swap3A_34 = vector.shape_cast %swap3A_33 : vector<1x256x64xf32> to vector<256x64xf32>
    %swap3A_35 = vector.shape_cast %concatenate3A_29 : vector<256x64xf32> to vector<1x256x64xf32>
    tpu.vector_store %arg5[%swap3A_30, %swap3A_31, %swap3A_32], %swap3A_35 {strides = array<i32>} : memref<16x256x64xf32, #tpu.memory_space<vmem>>, vector<1x256x64xf32>,
    %slice3A_36 = vector.extract_strided_slice %dot_general3A_5 {offsets = [0, 128], sizes = [256, 32], strides = [1, 1]} : vector<256x2048xf32> to vector<256x32xf32>
    %slice3A_37 = vector.extract_strided_slice %dot_general3A_5 {offsets = [0, 160], sizes = [256, 32], strides = [1, 1]} : vector<256x2048xf32> to vector<256x32xf32>
    %mul3A_38 = arith.mulf %slice3A_36, %get3A_8 : vector<256x32xf32>
    %mul3A_39 = arith.mulf %slice3A_37, %get3A_11 : vector<256x32xf32>
    %sub3A_40 = arith.subf %mul3A_38, %mul3A_39 : vector<256x32xf32>
    %mul3A_41 = arith.mulf %slice3A_37, %get3A_8 : vector<256x32xf32>
    %mul3A_42 = arith.mulf %slice3A_36, %get3A_11 : vector<256x32xf32>
    %add3A_43 = arith.addf %mul3A_41, %mul3A_42 : vector<256x32xf32>
    %concatenate3A_44 = tpu.concatenate %sub3A_40, %add3A_43 in 1 : vector<256x32xf32>, vector<256x32xf32> -> vector<256x64xf32>
    %swap3A_45 = arith.constant 2 : index
    %swap3A_46 = arith.constant 0 : index
    %swap3A_47 = arith.constant 0 : index
    %swap3A_48 = vector.load %arg5[%swap3A_45, %swap3A_46, %swap3A_47] : memref<16x256x64xf32, #tpu.memory_space<vmem>>, vector<1x256x64xf32>
    %swap3A_49 = vector.shape_cast %swap3A_48 : vector<1x256x64xf32> to vector<256x64xf32>
    %swap3A_50 = vector.shape_cast %concatenate3A_44 : vector<256x64xf32> to vector<1x256x64xf32>
    tpu.vector_store %arg5[%swap3A_45, %swap3A_46, %swap3A_47], %swap3A_50 {strides = array<i32>} : memref<16x256x64xf32, #tpu.memory_space<vmem>>, vector<1x256x64xf32>,
    %slice3A_51 = vector.extract_strided_slice %dot_general3A_5 {offsets = [0, 192], sizes = [256, 32], strides = [1, 1]} : vector<256x2048xf32> to vector<256x32xf32>
    %slice3A_52 = vector.extract_strided_slice %dot_general3A_5 {offsets = [0, 224], sizes = [256, 32], strides = [1, 1]} : vector<256x2048xf32> to vector<256x32xf32>
    %mul3A_53 = arith.mulf %slice3A_51, %get3A_8 : vector<256x32xf32>
    %mul3A_54 = arith.mulf %slice3A_52, %get3A_11 : vector<256x32xf32>
    %sub3A_55 = arith.subf %mul3A_53, %mul3A_54 : vector<256x32xf32>
    %mul3A_56 = arith.mulf %slice3A_52, %get3A_8 : vector<256x32xf32>
    %mul3A_57 = arith.mulf %slice3A_51, %get3A_11 : vector<256x32xf32>
    %add3A_58 = arith.addf %mul3A_56, %mul3A_57 : vector<256x32xf32>
    %concatenate3A_59 = tpu.concatenate %sub3A_55, %add3A_58 in 1 : vector<256x32xf32>, vector<256x32xf32> -> vector<256x64xf32>
    %swap3A_60 = arith.constant 3 : index
    %swap3A_61 = arith.constant 0 : index
    %swap3A_62 = arith.constant 0 : index
    %swap3A_63 = vector.load %arg5[%swap3A_60, %swap3A_61, %swap3A_62] : memref<16x256x64xf32, #tpu.memory_space<vmem>>, vector<1x256x64xf32>
    %swap3A_64 = vector.shape_cast %swap3A_63 : vector<1x256x64xf32> to vector<256x64xf32>
    %swap3A_65 = vector.shape_cast %concatenate3A_59 : vector<256x64xf32> to vector<1x256x64xf32>
    tpu.vector_store %arg5[%swap3A_60, %swap3A_61, %swap3A_62], %swap3A_65 {strides = array<i32>} : memref<16x256x64xf32, #tpu.memory_space<vmem>>, vector<1x256x64xf32>,
    %slice3A_66 = vector.extract_strided_slice %dot_general3A_5 {offsets = [0, 256], sizes = [256, 32], strides = [1, 1]} : vector<256x2048xf32> to vector<256x32xf32>
    %slice3A_67 = vector.extract_strided_slice %dot_general3A_5 {offsets = [0, 288], sizes = [256, 32], strides = [1, 1]} : vector<256x2048xf32> to vector<256x32xf32>
    %mul3A_68 = arith.mulf %slice3A_66, %get3A_8 : vector<256x32xf32>
    %mul3A_69 = arith.mulf %slice3A_67, %get3A_11 : vector<256x32xf32>
    %sub3A_70 = arith.subf %mul3A_68, %mul3A_69 : vector<256x32xf32>
    %mul3A_71 = arith.mulf %slice3A_67, %get3A_8 : vector<256x32xf32>
    %mul3A_72 = arith.mulf %slice3A_66, %get3A_11 : vector<256x32xf32>
    %add3A_73 = arith.addf %mul3A_71, %mul3A_72 : vector<256x32xf32>
    %concatenate3A_74 = tpu.concatenate %sub3A_70, %add3A_73 in 1 : vector<256x32xf32>, vector<256x32xf32> -> vector<256x64xf32>
    %swap3A_75 = arith.constant 4 : index
    %swap3A_76 = arith.constant 0 : index
    %swap3A_77 = arith.constant 0 : index
    %swap3A_78 = vector.load %arg5[%swap3A_75, %swap3A_76, %swap3A_77] : memref<16x256x64xf32, #tpu.memory_space<vmem>>, vector<1x256x64xf32>
    %swap3A_79 = vector.shape_cast %swap3A_78 : vector<1x256x64xf32> to vector<256x64xf32>
    %swap3A_80 = vector.shape_cast %concatenate3A_74 : vector<256x64xf32> to vector<1x256x64xf32>
    tpu.vector_store %arg5[%swap3A_75, %swap3A_76, %swap3A_77], %swap3A_80 {strides = array<i32>} : memref<16x256x64xf32, #tpu.memory_space<vmem>>, vector<1x256x64xf32>,
    %slice3A_81 = vector.extract_strided_slice %dot_general3A_5 {offsets = [0, 320], sizes = [256, 32], strides = [1, 1]} : vector<256x2048xf32> to vector<256x32xf32>
    %slice3A_82 = vector.extract_strided_slice %dot_general3A_5 {offsets = [0, 352], sizes = [256, 32], strides = [1, 1]} : vector<256x2048xf32> to vector<256x32xf32>
    %mul3A_83 = arith.mulf %slice3A_81, %get3A_8 : vector<256x32xf32>
    %mul3A_84 = arith.mulf %slice3A_82, %get3A_11 : vector<256x32xf32>
    %sub3A_85 = arith.subf %mul3A_83, %mul3A_84 : vector<256x32xf32>
    %mul3A_86 = arith.mulf %slice3A_82, %get3A_8 : vector<256x32xf32>
    %mul3A_87 = arith.mulf %slice3A_81, %get3A_11 : vector<256x32xf32>
    %add3A_88 = arith.addf %mul3A_86, %mul3A_87 : vector<256x32xf32>
    %concatenate3A_89 = tpu.concatenate %sub3A_85, %add3A_88 in 1 : vector<256x32xf32>, vector<256x32xf32> -> vector<256x64xf32>
    %swap3A_90 = arith.constant 5 : index
    %swap3A_91 = arith.constant 0 : index
    %swap3A_92 = arith.constant 0 : index
    %swap3A_93 = vector.load %arg5[%swap3A_90, %swap3A_91, %swap3A_92] : memref<16x256x64xf32, #tpu.memory_space<vmem>>, vector<1x256x64xf32>
    %swap3A_94 = vector.shape_cast %swap3A_93 : vector<1x256x64xf32> to vector<256x64xf32>
    %swap3A_95 = vector.shape_cast %concatenate3A_89 : vector<256x64xf32> to vector<1x256x64xf32>
    tpu.vector_store %arg5[%swap3A_90, %swap3A_91, %swap3A_92], %swap3A_95 {strides = array<i32>} : memref<16x256x64xf32, #tpu.memory_space<vmem>>, vector<1x256x64xf32>,
    %slice3A_96 = vector.extract_strided_slice %dot_general3A_5 {offsets = [0, 384], sizes = [256, 32], strides = [1, 1]} : vector<256x2048xf32> to vector<256x32xf32>
    %slice3A_97 = vector.extract_strided_slice %dot_general3A_5 {offsets = [0, 416], sizes = [256, 32], strides = [1, 1]} : vector<256x2048xf32> to vector<256x32xf32>
    %mul3A_98 = arith.mulf %slice3A_96, %get3A_8 : vector<256x32xf32>
    %mul3A_99 = arith.mulf %slice3A_97, %get3A_11 : vector<256x32xf32>
    %sub3A_100 = arith.subf %mul3A_98, %mul3A_99 : vector<256x32xf32>
    %mul3A_101 = arith.mulf %slice3A_97, %get3A_8 : vector<256x32xf32>
    %mul3A_102 = arith.mulf %slice3A_96, %get3A_11 : vector<256x32xf32>
    %add3A_103 = arith.addf %mul3A_101, %mul3A_102 : vector<256x32xf32>
    %concatenate3A_104 = tpu.concatenate %sub3A_100, %add3A_103 in 1 : vector<256x32xf32>, vector<256x32xf32> -> vector<256x64xf32>
    %swap3A_105 = arith.constant 6 : index
    %swap3A_106 = arith.constant 0 : index
    %swap3A_107 = arith.constant 0 : index
    %swap3A_108 = vector.load %arg5[%swap3A_105, %swap3A_106, %swap3A_107] : memref<16x256x64xf32, #tpu.memory_space<vmem>>, vector<1x256x64xf32>
    %swap3A_109 = vector.shape_cast %swap3A_108 : vector<1x256x64xf32> to vector<256x64xf32>
    %swap3A_110 = vector.shape_cast %concatenate3A_104 : vector<256x64xf32> to vector<1x256x64xf32>
    tpu.vector_store %arg5[%swap3A_105, %swap3A_106, %swap3A_107], %swap3A_110 {strides = array<i32>} : memref<16x256x64xf32, #tpu.memory_space<vmem>>, vector<1x256x64xf32>,
    %slice3A_111 = vector.extract_strided_slice %dot_general3A_5 {offsets = [0, 448], sizes = [256, 32], strides = [1, 1]} : vector<256x2048xf32> to vector<256x32xf32>
    %slice3A_112 = vector.extract_strided_slice %dot_general3A_5 {offsets = [0, 480], sizes = [256, 32], strides = [1, 1]} : vector<256x2048xf32> to vector<256x32xf32>
    %mul3A_113 = arith.mulf %slice3A_111, %get3A_8 : vector<256x32xf32>
    %mul3A_114 = arith.mulf %slice3A_112, %get3A_11 : vector<256x32xf32>
    %sub3A_115 = arith.subf %mul3A_113, %mul3A_114 : vector<256x32xf32>
    %mul3A_116 = arith.mulf %slice3A_112, %get3A_8 : vector<256x32xf32>
    %mul3A_117 = arith.mulf %slice3A_111, %get3A_11 : vector<256x32xf32>
    %add3A_118 = arith.addf %mul3A_116, %mul3A_117 : vector<256x32xf32>
    %concatenate3A_119 = tpu.concatenate %sub3A_115, %add3A_118 in 1 : vector<256x32xf32>, vector<256x32xf32> -> vector<256x64xf32>
    %swap3A_120 = arith.constant 7 : index
    %swap3A_121 = arith.constant 0 : index
    %swap3A_122 = arith.constant 0 : index
    %swap3A_123 = vector.load %arg5[%swap3A_120, %swap3A_121, %swap3A_122] : memref<16x256x64xf32, #tpu.memory_space<vmem>>, vector<1x256x64xf32>
    %swap3A_124 = vector.shape_cast %swap3A_123 : vector<1x256x64xf32> to vector<256x64xf32>
    %swap3A_125 = vector.shape_cast %concatenate3A_119 : vector<256x64xf32> to vector<1x256x64xf32>
    tpu.vector_store %arg5[%swap3A_120, %swap3A_121, %swap3A_122], %swap3A_125 {strides = array<i32>} : memref<16x256x64xf32, #tpu.memory_space<vmem>>, vector<1x256x64xf32>,
    %slice3A_126 = vector.extract_strided_slice %dot_general3A_5 {offsets = [0, 512], sizes = [256, 32], strides = [1, 1]} : vector<256x2048xf32> to vector<256x32xf32>
    %slice3A_127 = vector.extract_strided_slice %dot_general3A_5 {offsets = [0, 544], sizes = [256, 32], strides = [1, 1]} : vector<256x2048xf32> to vector<256x32xf32>
    %mul3A_128 = arith.mulf %slice3A_126, %get3A_8 : vector<256x32xf32>
    %mul3A_129 = arith.mulf %slice3A_127, %get3A_11 : vector<256x32xf32>
    %sub3A_130 = arith.subf %mul3A_128, %mul3A_129 : vector<256x32xf32>
    %mul3A_131 = arith.mulf %slice3A_127, %get3A_8 : vector<256x32xf32>
    %mul3A_132 = arith.mulf %slice3A_126, %get3A_11 : vector<256x32xf32>
    %add3A_133 = arith.addf %mul3A_131, %mul3A_132 : vector<256x32xf32>
    %concatenate3A_134 = tpu.concatenate %sub3A_130, %add3A_133 in 1 : vector<256x32xf32>, vector<256x32xf32> -> vector<256x64xf32>
    %swap3A_135 = arith.constant 8 : index
    %swap3A_136 = arith.constant 0 : index
    %swap3A_137 = arith.constant 0 : index
    %swap3A_138 = vector.load %arg5[%swap3A_135, %swap3A_136, %swap3A_137] : memref<16x256x64xf32, #tpu.memory_space<vmem>>, vector<1x256x64xf32>
    %swap3A_139 = vector.shape_cast %swap3A_138 : vector<1x256x64xf32> to vector<256x64xf32>
    %swap3A_140 = vector.shape_cast %concatenate3A_134 : vector<256x64xf32> to vector<1x256x64xf32>
    tpu.vector_store %arg5[%swap3A_135, %swap3A_136, %swap3A_137], %swap3A_140 {strides = array<i32>} : memref<16x256x64xf32, #tpu.memory_space<vmem>>, vector<1x256x64xf32>,
    %slice3A_141 = vector.extract_strided_slice %dot_general3A_5 {offsets = [0, 576], sizes = [256, 32], strides = [1, 1]} : vector<256x2048xf32> to vector<256x32xf32>
    %slice3A_142 = vector.extract_strided_slice %dot_general3A_5 {offsets = [0, 608], sizes = [256, 32], strides = [1, 1]} : vector<256x2048xf32> to vector<256x32xf32>
    %mul3A_143 = arith.mulf %slice3A_141, %get3A_8 : vector<256x32xf32>
    %mul3A_144 = arith.mulf %slice3A_142, %get3A_11 : vector<256x32xf32>
    %sub3A_145 = arith.subf %mul3A_143, %mul3A_144 : vector<256x32xf32>
    %mul3A_146 = arith.mulf %slice3A_142, %get3A_8 : vector<256x32xf32>
    %mul3A_147 = arith.mulf %slice3A_141, %get3A_11 : vector<256x32xf32>
    %add3A_148 = arith.addf %mul3A_146, %mul3A_147 : vector<256x32xf32>
    %concatenate3A_149 = tpu.concatenate %sub3A_145, %add3A_148 in 1 : vector<256x32xf32>, vector<256x32xf32> -> vector<256x64xf32>
    %swap3A_150 = arith.constant 9 : index
    %swap3A_151 = arith.constant 0 : index
    %swap3A_152 = arith.constant 0 : index
    %swap3A_153 = vector.load %arg5[%swap3A_150, %swap3A_151, %swap3A_152] : memref<16x256x64xf32, #tpu.memory_space<vmem>>, vector<1x256x64xf32>
    %swap3A_154 = vector.shape_cast %swap3A_153 : vector<1x256x64xf32> to vector<256x64xf32>
    %swap3A_155 = vector.shape_cast %concatenate3A_149 : vector<256x64xf32> to vector<1x256x64xf32>
    tpu.vector_store %arg5[%swap3A_150, %swap3A_151, %swap3A_152], %swap3A_155 {strides = array<i32>} : memref<16x256x64xf32, #tpu.memory_space<vmem>>, vector<1x256x64xf32>,
    %slice3A_156 = vector.extract_strided_slice %dot_general3A_5 {offsets = [0, 640], sizes = [256, 32], strides = [1, 1]} : vector<256x2048xf32> to vector<256x32xf32>
    %slice3A_157 = vector.extract_strided_slice %dot_general3A_5 {offsets = [0, 672], sizes = [256, 32], strides = [1, 1]} : vector<256x2048xf32> to vector<256x32xf32>
    %mul3A_158 = arith.mulf %slice3A_156, %get3A_8 : vector<256x32xf32>
    %mul3A_159 = arith.mulf %slice3A_157, %get3A_11 : vector<256x32xf32>
    %sub3A_160 = arith.subf %mul3A_158, %mul3A_159 : vector<256x32xf32>
    %mul3A_161 = arith.mulf %slice3A_157, %get3A_8 : vector<256x32xf32>
    %mul3A_162 = arith.mulf %slice3A_156, %get3A_11 : vector<256x32xf32>
    %add3A_163 = arith.addf %mul3A_161, %mul3A_162 : vector<256x32xf32>
    %concatenate3A_164 = tpu.concatenate %sub3A_160, %add3A_163 in 1 : vector<256x32xf32>, vector<256x32xf32> -> vector<256x64xf32>
    %swap3A_165 = arith.constant 10 : index
    %swap3A_166 = arith.constant 0 : index
    %swap3A_167 = arith.constant 0 : index
    %swap3A_168 = vector.load %arg5[%swap3A_165, %swap3A_166, %swap3A_167] : memref<16x256x64xf32, #tpu.memory_space<vmem>>, vector<1x256x64xf32>
    %swap3A_169 = vector.shape_cast %swap3A_168 : vector<1x256x64xf32> to vector<256x64xf32>
    %swap3A_170 = vector.shape_cast %concatenate3A_164 : vector<256x64xf32> to vector<1x256x64xf32>
    tpu.vector_store %arg5[%swap3A_165, %swap3A_166, %swap3A_167], %swap3A_170 {strides = array<i32>} : memref<16x256x64xf32, #tpu.memory_space<vmem>>, vector<1x256x64xf32>,
    %slice3A_171 = vector.extract_strided_slice %dot_general3A_5 {offsets = [0, 704], sizes = [256, 32], strides = [1, 1]} : vector<256x2048xf32> to vector<256x32xf32>
    %slice3A_172 = vector.extract_strided_slice %dot_general3A_5 {offsets = [0, 736], sizes = [256, 32], strides = [1, 1]} : vector<256x2048xf32> to vector<256x32xf32>
    %mul3A_173 = arith.mulf %slice3A_171, %get3A_8 : vector<256x32xf32>
    %mul3A_174 = arith.mulf %slice3A_172, %get3A_11 : vector<256x32xf32>
    %sub3A_175 = arith.subf %mul3A_173, %mul3A_174 : vector<256x32xf32>
    %mul3A_176 = arith.mulf %slice3A_172, %get3A_8 : vector<256x32xf32>
    %mul3A_177 = arith.mulf %slice3A_171, %get3A_11 : vector<256x32xf32>
    %add3A_178 = arith.addf %mul3A_176, %mul3A_177 : vector<256x32xf32>
    %concatenate3A_179 = tpu.concatenate %sub3A_175, %add3A_178 in 1 : vector<256x32xf32>, vector<256x32xf32> -> vector<256x64xf32>
    %swap3A_180 = arith.constant 11 : index
    %swap3A_181 = arith.constant 0 : index
    %swap3A_182 = arith.constant 0 : index
    %swap3A_183 = vector.load %arg5[%swap3A_180, %swap3A_181, %swap3A_182] : memref<16x256x64xf32, #tpu.memory_space<vmem>>, vector<1x256x64xf32>
    %swap3A_184 = vector.shape_cast %swap3A_183 : vector<1x256x64xf32> to vector<256x64xf32>
    %swap3A_185 = vector.shape_cast %concatenate3A_179 : vector<256x64xf32> to vector<1x256x64xf32>
    tpu.vector_store %arg5[%swap3A_180, %swap3A_181, %swap3A_182], %swap3A_185 {strides = array<i32>} : memref<16x256x64xf32, #tpu.memory_space<vmem>>, vector<1x256x64xf32>,
    %slice3A_186 = vector.extract_strided_slice %dot_general3A_5 {offsets = [0, 768], sizes = [256, 32], strides = [1, 1]} : vector<256x2048xf32> to vector<256x32xf32>
    %slice3A_187 = vector.extract_strided_slice %dot_general3A_5 {offsets = [0, 800], sizes = [256, 32], strides = [1, 1]} : vector<256x2048xf32> to vector<256x32xf32>
    %mul3A_188 = arith.mulf %slice3A_186, %get3A_8 : vector<256x32xf32>
    %mul3A_189 = arith.mulf %slice3A_187, %get3A_11 : vector<256x32xf32>
    %sub3A_190 = arith.subf %mul3A_188, %mul3A_189 : vector<256x32xf32>
    %mul3A_191 = arith.mulf %slice3A_187, %get3A_8 : vector<256x32xf32>
    %mul3A_192 = arith.mulf %slice3A_186, %get3A_11 : vector<256x32xf32>
    %add3A_193 = arith.addf %mul3A_191, %mul3A_192 : vector<256x32xf32>
    %concatenate3A_194 = tpu.concatenate %sub3A_190, %add3A_193 in 1 : vector<256x32xf32>, vector<256x32xf32> -> vector<256x64xf32>
    %swap3A_195 = arith.constant 12 : index
    %swap3A_196 = arith.constant 0 : index
    %swap3A_197 = arith.constant 0 : index
    %swap3A_198 = vector.load %arg5[%swap3A_195, %swap3A_196, %swap3A_197] : memref<16x256x64xf32, #tpu.memory_space<vmem>>, vector<1x256x64xf32>
    %swap3A_199 = vector.shape_cast %swap3A_198 : vector<1x256x64xf32> to vector<256x64xf32>
    %swap3A_200 = vector.shape_cast %concatenate3A_194 : vector<256x64xf32> to vector<1x256x64xf32>
    tpu.vector_store %arg5[%swap3A_195, %swap3A_196, %swap3A_197], %swap3A_200 {strides = array<i32>} : memref<16x256x64xf32, #tpu.memory_space<vmem>>, vector<1x256x64xf32>,
    %slice3A_201 = vector.extract_strided_slice %dot_general3A_5 {offsets = [0, 832], sizes = [256, 32], strides = [1, 1]} : vector<256x2048xf32> to vector<256x32xf32>
    %slice3A_202 = vector.extract_strided_slice %dot_general3A_5 {offsets = [0, 864], sizes = [256, 32], strides = [1, 1]} : vector<256x2048xf32> to vector<256x32xf32>
    %mul3A_203 = arith.mulf %slice3A_201, %get3A_8 : vector<256x32xf32>
    %mul3A_204 = arith.mulf %slice3A_202, %get3A_11 : vector<256x32xf32>
    %sub3A_205 = arith.subf %mul3A_203, %mul3A_204 : vector<256x32xf32>
    %mul3A_206 = arith.mulf %slice3A_202, %get3A_8 : vector<256x32xf32>
    %mul3A_207 = arith.mulf %slice3A_201, %get3A_11 : vector<256x32xf32>
    %add3A_208 = arith.addf %mul3A_206, %mul3A_207 : vector<256x32xf32>
    %concatenate3A_209 = tpu.concatenate %sub3A_205, %add3A_208 in 1 : vector<256x32xf32>, vector<256x32xf32> -> vector<256x64xf32>
    %swap3A_210 = arith.constant 13 : index
    %swap3A_211 = arith.constant 0 : index
    %swap3A_212 = arith.constant 0 : index
    %swap3A_213 = vector.load %arg5[%swap3A_210, %swap3A_211, %swap3A_212] : memref<16x256x64xf32, #tpu.memory_space<vmem>>, vector<1x256x64xf32>
    %swap3A_214 = vector.shape_cast %swap3A_213 : vector<1x256x64xf32> to vector<256x64xf32>
    %swap3A_215 = vector.shape_cast %concatenate3A_209 : vector<256x64xf32> to vector<1x256x64xf32>
    tpu.vector_store %arg5[%swap3A_210, %swap3A_211, %swap3A_212], %swap3A_215 {strides = array<i32>} : memref<16x256x64xf32, #tpu.memory_space<vmem>>, vector<1x256x64xf32>,
    %slice3A_216 = vector.extract_strided_slice %dot_general3A_5 {offsets = [0, 896], sizes = [256, 32], strides = [1, 1]} : vector<256x2048xf32> to vector<256x32xf32>
    %slice3A_217 = vector.extract_strided_slice %dot_general3A_5 {offsets = [0, 928], sizes = [256, 32], strides = [1, 1]} : vector<256x2048xf32> to vector<256x32xf32>
    %mul3A_218 = arith.mulf %slice3A_216, %get3A_8 : vector<256x32xf32>
    %mul3A_219 = arith.mulf %slice3A_217, %get3A_11 : vector<256x32xf32>
    %sub3A_220 = arith.subf %mul3A_218, %mul3A_219 : vector<256x32xf32>
    %mul3A_221 = arith.mulf %slice3A_217, %get3A_8 : vector<256x32xf32>
    %mul3A_222 = arith.mulf %slice3A_216, %get3A_11 : vector<256x32xf32>
    %add3A_223 = arith.addf %mul3A_221, %mul3A_222 : vector<256x32xf32>
    %concatenate3A_224 = tpu.concatenate %sub3A_220, %add3A_223 in 1 : vector<256x32xf32>, vector<256x32xf32> -> vector<256x64xf32>
    %swap3A_225 = arith.constant 14 : index
    %swap3A_226 = arith.constant 0 : index
    %swap3A_227 = arith.constant 0 : index
    %swap3A_228 = vector.load %arg5[%swap3A_225, %swap3A_226, %swap3A_227] : memref<16x256x64xf32, #tpu.memory_space<vmem>>, vector<1x256x64xf32>
    %swap3A_229 = vector.shape_cast %swap3A_228 : vector<1x256x64xf32> to vector<256x64xf32>
    %swap3A_230 = vector.shape_cast %concatenate3A_224 : vector<256x64xf32> to vector<1x256x64xf32>
    tpu.vector_store %arg5[%swap3A_225, %swap3A_226, %swap3A_227], %swap3A_230 {strides = array<i32>} : memref<16x256x64xf32, #tpu.memory_space<vmem>>, vector<1x256x64xf32>,
    %slice3A_231 = vector.extract_strided_slice %dot_general3A_5 {offsets = [0, 960], sizes = [256, 32], strides = [1, 1]} : vector<256x2048xf32> to vector<256x32xf32>
    %slice3A_232 = vector.extract_strided_slice %dot_general3A_5 {offsets = [0, 992], sizes = [256, 32], strides = [1, 1]} : vector<256x2048xf32> to vector<256x32xf32>
    %mul3A_233 = arith.mulf %slice3A_231, %get3A_8 : vector<256x32xf32>
    %mul3A_234 = arith.mulf %slice3A_232, %get3A_11 : vector<256x32xf32>
    %sub3A_235 = arith.subf %mul3A_233, %mul3A_234 : vector<256x32xf32>
    %mul3A_236 = arith.mulf %slice3A_232, %get3A_8 : vector<256x32xf32>
    %mul3A_237 = arith.mulf %slice3A_231, %get3A_11 : vector<256x32xf32>
    %add3A_238 = arith.addf %mul3A_236, %mul3A_237 : vector<256x32xf32>
    %concatenate3A_239 = tpu.concatenate %sub3A_235, %add3A_238 in 1 : vector<256x32xf32>, vector<256x32xf32> -> vector<256x64xf32>
    %swap3A_240 = arith.constant 15 : index
    %swap3A_241 = arith.constant 0 : index
    %swap3A_242 = arith.constant 0 : index
    %swap3A_243 = vector.load %arg5[%swap3A_240, %swap3A_241, %swap3A_242] : memref<16x256x64xf32, #tpu.memory_space<vmem>>, vector<1x256x64xf32>
    %swap3A_244 = vector.shape_cast %swap3A_243 : vector<1x256x64xf32> to vector<256x64xf32>
    %swap3A_245 = vector.shape_cast %concatenate3A_239 : vector<256x64xf32> to vector<1x256x64xf32>
    tpu.vector_store %arg5[%swap3A_240, %swap3A_241, %swap3A_242], %swap3A_245 {strides = array<i32>} : memref<16x256x64xf32, #tpu.memory_space<vmem>>, vector<1x256x64xf32>,
    %slice3A_246 = vector.extract_strided_slice %dot_general3A_5 {offsets = [0, 1024], sizes = [256, 32], strides = [1, 1]} : vector<256x2048xf32> to vector<256x32xf32>
    %slice3A_247 = vector.extract_strided_slice %dot_general3A_5 {offsets = [0, 1056], sizes = [256, 32], strides = [1, 1]} : vector<256x2048xf32> to vector<256x32xf32>
    %mul3A_248 = arith.mulf %slice3A_246, %get3A_8 : vector<256x32xf32>
    %mul3A_249 = arith.mulf %slice3A_247, %get3A_11 : vector<256x32xf32>
    %sub3A_250 = arith.subf %mul3A_248, %mul3A_249 : vector<256x32xf32>
    %mul3A_251 = arith.mulf %slice3A_247, %get3A_8 : vector<256x32xf32>
    %mul3A_252 = arith.mulf %slice3A_246, %get3A_11 : vector<256x32xf32>
    %add3A_253 = arith.addf %mul3A_251, %mul3A_252 : vector<256x32xf32>
    %concatenate3A_254 = tpu.concatenate %sub3A_250, %add3A_253 in 1 : vector<256x32xf32>, vector<256x32xf32> -> vector<256x64xf32>
    %swap3A_255 = arith.constant 0 : index
    %swap3A_256 = arith.constant 0 : index
    %swap3A_257 = arith.constant 0 : index
    %swap3A_258 = vector.load %arg6[%swap3A_255, %swap3A_256, %swap3A_257] : memref<8x256x64xf32, #tpu.memory_space<vmem>>, vector<1x256x64xf32>
    %swap3A_259 = vector.shape_cast %swap3A_258 : vector<1x256x64xf32> to vector<256x64xf32>
    %swap3A_260 = vector.shape_cast %concatenate3A_254 : vector<256x64xf32> to vector<1x256x64xf32>
    tpu.vector_store %arg6[%swap3A_255, %swap3A_256, %swap3A_257], %swap3A_260 {strides = array<i32>} : memref<8x256x64xf32, #tpu.memory_space<vmem>>, vector<1x256x64xf32>,
    %slice3A_261 = vector.extract_strided_slice %dot_general3A_5 {offsets = [0, 1088], sizes = [256, 32], strides = [1, 1]} : vector<256x2048xf32> to vector<256x32xf32>
    %slice3A_262 = vector.extract_strided_slice %dot_general3A_5 {offsets = [0, 1120], sizes = [256, 32], strides = [1, 1]} : vector<256x2048xf32> to vector<256x32xf32>
    %mul3A_263 = arith.mulf %slice3A_261, %get3A_8 : vector<256x32xf32>
    %mul3A_264 = arith.mulf %slice3A_262, %get3A_11 : vector<256x32xf32>
    %sub3A_265 = arith.subf %mul3A_263, %mul3A_264 : vector<256x32xf32>
    %mul3A_266 = arith.mulf %slice3A_262, %get3A_8 : vector<256x32xf32>
    %mul3A_267 = arith.mulf %slice3A_261, %get3A_11 : vector<256x32xf32>
    %add3A_268 = arith.addf %mul3A_266, %mul3A_267 : vector<256x32xf32>
    %concatenate3A_269 = tpu.concatenate %sub3A_265, %add3A_268 in 1 : vector<256x32xf32>, vector<256x32xf32> -> vector<256x64xf32>
    %swap3A_270 = arith.constant 1 : index
    %swap3A_271 = arith.constant 0 : index
    %swap3A_272 = arith.constant 0 : index
    %swap3A_273 = vector.load %arg6[%swap3A_270, %swap3A_271, %swap3A_272] : memref<8x256x64xf32, #tpu.memory_space<vmem>>, vector<1x256x64xf32>
    %swap3A_274 = vector.shape_cast %swap3A_273 : vector<1x256x64xf32> to vector<256x64xf32>
    %swap3A_275 = vector.shape_cast %concatenate3A_269 : vector<256x64xf32> to vector<1x256x64xf32>
    tpu.vector_store %arg6[%swap3A_270, %swap3A_271, %swap3A_272], %swap3A_275 {strides = array<i32>} : memref<8x256x64xf32, #tpu.memory_space<vmem>>, vector<1x256x64xf32>,
    %slice3A_276 = vector.extract_strided_slice %dot_general3A_5 {offsets = [0, 1152], sizes = [256, 32], strides = [1, 1]} : vector<256x2048xf32> to vector<256x32xf32>
    %slice3A_277 = vector.extract_strided_slice %dot_general3A_5 {offsets = [0, 1184], sizes = [256, 32], strides = [1, 1]} : vector<256x2048xf32> to vector<256x32xf32>
    %mul3A_278 = arith.mulf %slice3A_276, %get3A_8 : vector<256x32xf32>
    %mul3A_279 = arith.mulf %slice3A_277, %get3A_11 : vector<256x32xf32>
    %sub3A_280 = arith.subf %mul3A_278, %mul3A_279 : vector<256x32xf32>
    %mul3A_281 = arith.mulf %slice3A_277, %get3A_8 : vector<256x32xf32>
    %mul3A_282 = arith.mulf %slice3A_276, %get3A_11 : vector<256x32xf32>
    %add3A_283 = arith.addf %mul3A_281, %mul3A_282 : vector<256x32xf32>
    %concatenate3A_284 = tpu.concatenate %sub3A_280, %add3A_283 in 1 : vector<256x32xf32>, vector<256x32xf32> -> vector<256x64xf32>
    %swap3A_285 = arith.constant 2 : index
    %swap3A_286 = arith.constant 0 : index
    %swap3A_287 = arith.constant 0 : index
    %swap3A_288 = vector.load %arg6[%swap3A_285, %swap3A_286, %swap3A_287] : memref<8x256x64xf32, #tpu.memory_space<vmem>>, vector<1x256x64xf32>
    %swap3A_289 = vector.shape_cast %swap3A_288 : vector<1x256x64xf32> to vector<256x64xf32>
    %swap3A_290 = vector.shape_cast %concatenate3A_284 : vector<256x64xf32> to vector<1x256x64xf32>
    tpu.vector_store %arg6[%swap3A_285, %swap3A_286, %swap3A_287], %swap3A_290 {strides = array<i32>} : memref<8x256x64xf32, #tpu.memory_space<vmem>>, vector<1x256x64xf32>,
    %slice3A_291 = vector.extract_strided_slice %dot_general3A_5 {offsets = [0, 1216], sizes = [256, 32], strides = [1, 1]} : vector<256x2048xf32> to vector<256x32xf32>
    %slice3A_292 = vector.extract_strided_slice %dot_general3A_5 {offsets = [0, 1248], sizes = [256, 32], strides = [1, 1]} : vector<256x2048xf32> to vector<256x32xf32>
    %mul3A_293 = arith.mulf %slice3A_291, %get3A_8 : vector<256x32xf32>
    %mul3A_294 = arith.mulf %slice3A_292, %get3A_11 : vector<256x32xf32>
    %sub3A_295 = arith.subf %mul3A_293, %mul3A_294 : vector<256x32xf32>
    %mul3A_296 = arith.mulf %slice3A_292, %get3A_8 : vector<256x32xf32>
    %mul3A_297 = arith.mulf %slice3A_291, %get3A_11 : vector<256x32xf32>
    %add3A_298 = arith.addf %mul3A_296, %mul3A_297 : vector<256x32xf32>
    %concatenate3A_299 = tpu.concatenate %sub3A_295, %add3A_298 in 1 : vector<256x32xf32>, vector<256x32xf32> -> vector<256x64xf32>
    %swap3A_300 = arith.constant 3 : index
    %swap3A_301 = arith.constant 0 : index
    %swap3A_302 = arith.constant 0 : index
    %swap3A_303 = vector.load %arg6[%swap3A_300, %swap3A_301, %swap3A_302] : memref<8x256x64xf32, #tpu.memory_space<vmem>>, vector<1x256x64xf32>
    %swap3A_304 = vector.shape_cast %swap3A_303 : vector<1x256x64xf32> to vector<256x64xf32>
    %swap3A_305 = vector.shape_cast %concatenate3A_299 : vector<256x64xf32> to vector<1x256x64xf32>
    tpu.vector_store %arg6[%swap3A_300, %swap3A_301, %swap3A_302], %swap3A_305 {strides = array<i32>} : memref<8x256x64xf32, #tpu.memory_space<vmem>>, vector<1x256x64xf32>,
    %slice3A_306 = vector.extract_strided_slice %dot_general3A_5 {offsets = [0, 1280], sizes = [256, 32], strides = [1, 1]} : vector<256x2048xf32> to vector<256x32xf32>
    %slice3A_307 = vector.extract_strided_slice %dot_general3A_5 {offsets = [0, 1312], sizes = [256, 32], strides = [1, 1]} : vector<256x2048xf32> to vector<256x32xf32>
    %mul3A_308 = arith.mulf %slice3A_306, %get3A_8 : vector<256x32xf32>
    %mul3A_309 = arith.mulf %slice3A_307, %get3A_11 : vector<256x32xf32>
    %sub3A_310 = arith.subf %mul3A_308, %mul3A_309 : vector<256x32xf32>
    %mul3A_311 = arith.mulf %slice3A_307, %get3A_8 : vector<256x32xf32>
    %mul3A_312 = arith.mulf %slice3A_306, %get3A_11 : vector<256x32xf32>
    %add3A_313 = arith.addf %mul3A_311, %mul3A_312 : vector<256x32xf32>
    %concatenate3A_314 = tpu.concatenate %sub3A_310, %add3A_313 in 1 : vector<256x32xf32>, vector<256x32xf32> -> vector<256x64xf32>
    %swap3A_315 = arith.constant 4 : index
    %swap3A_316 = arith.constant 0 : index
    %swap3A_317 = arith.constant 0 : index
    %swap3A_318 = vector.load %arg6[%swap3A_315, %swap3A_316, %swap3A_317] : memref<8x256x64xf32, #tpu.memory_space<vmem>>, vector<1x256x64xf32>
    %swap3A_319 = vector.shape_cast %swap3A_318 : vector<1x256x64xf32> to vector<256x64xf32>
    %swap3A_320 = vector.shape_cast %concatenate3A_314 : vector<256x64xf32> to vector<1x256x64xf32>
    tpu.vector_store %arg6[%swap3A_315, %swap3A_316, %swap3A_317], %swap3A_320 {strides = array<i32>} : memref<8x256x64xf32, #tpu.memory_space<vmem>>, vector<1x256x64xf32>,
    %slice3A_321 = vector.extract_strided_slice %dot_general3A_5 {offsets = [0, 1344], sizes = [256, 32], strides = [1, 1]} : vector<256x2048xf32> to vector<256x32xf32>
    %slice3A_322 = vector.extract_strided_slice %dot_general3A_5 {offsets = [0, 1376], sizes = [256, 32], strides = [1, 1]} : vector<256x2048xf32> to vector<256x32xf32>
    %mul3A_323 = arith.mulf %slice3A_321, %get3A_8 : vector<256x32xf32>
    %mul3A_324 = arith.mulf %slice3A_322, %get3A_11 : vector<256x32xf32>
    %sub3A_325 = arith.subf %mul3A_323, %mul3A_324 : vector<256x32xf32>
    %mul3A_326 = arith.mulf %slice3A_322, %get3A_8 : vector<256x32xf32>
    %mul3A_327 = arith.mulf %slice3A_321, %get3A_11 : vector<256x32xf32>
    %add3A_328 = arith.addf %mul3A_326, %mul3A_327 : vector<256x32xf32>
    %concatenate3A_329 = tpu.concatenate %sub3A_325, %add3A_328 in 1 : vector<256x32xf32>, vector<256x32xf32> -> vector<256x64xf32>
    %swap3A_330 = arith.constant 5 : index
    %swap3A_331 = arith.constant 0 : index
    %swap3A_332 = arith.constant 0 : index
    %swap3A_333 = vector.load %arg6[%swap3A_330, %swap3A_331, %swap3A_332] : memref<8x256x64xf32, #tpu.memory_space<vmem>>, vector<1x256x64xf32>
    %swap3A_334 = vector.shape_cast %swap3A_333 : vector<1x256x64xf32> to vector<256x64xf32>
    %swap3A_335 = vector.shape_cast %concatenate3A_329 : vector<256x64xf32> to vector<1x256x64xf32>
    tpu.vector_store %arg6[%swap3A_330, %swap3A_331, %swap3A_332], %swap3A_335 {strides = array<i32>} : memref<8x256x64xf32, #tpu.memory_space<vmem>>, vector<1x256x64xf32>,
    %slice3A_336 = vector.extract_strided_slice %dot_general3A_5 {offsets = [0, 1408], sizes = [256, 32], strides = [1, 1]} : vector<256x2048xf32> to vector<256x32xf32>
    %slice3A_337 = vector.extract_strided_slice %dot_general3A_5 {offsets = [0, 1440], sizes = [256, 32], strides = [1, 1]} : vector<256x2048xf32> to vector<256x32xf32>
    %mul3A_338 = arith.mulf %slice3A_336, %get3A_8 : vector<256x32xf32>
    %mul3A_339 = arith.mulf %slice3A_337, %get3A_11 : vector<256x32xf32>
    %sub3A_340 = arith.subf %mul3A_338, %mul3A_339 : vector<256x32xf32>
    %mul3A_341 = arith.mulf %slice3A_337, %get3A_8 : vector<256x32xf32>
    %mul3A_342 = arith.mulf %slice3A_336, %get3A_11 : vector<256x32xf32>
    %add3A_343 = arith.addf %mul3A_341, %mul3A_342 : vector<256x32xf32>
    %concatenate3A_344 = tpu.concatenate %sub3A_340, %add3A_343 in 1 : vector<256x32xf32>, vector<256x32xf32> -> vector<256x64xf32>
    %swap3A_345 = arith.constant 6 : index
    %swap3A_346 = arith.constant 0 : index
    %swap3A_347 = arith.constant 0 : index
    %swap3A_348 = vector.load %arg6[%swap3A_345, %swap3A_346, %swap3A_347] : memref<8x256x64xf32, #tpu.memory_space<vmem>>, vector<1x256x64xf32>
    %swap3A_349 = vector.shape_cast %swap3A_348 : vector<1x256x64xf32> to vector<256x64xf32>
    %swap3A_350 = vector.shape_cast %concatenate3A_344 : vector<256x64xf32> to vector<1x256x64xf32>
    tpu.vector_store %arg6[%swap3A_345, %swap3A_346, %swap3A_347], %swap3A_350 {strides = array<i32>} : memref<8x256x64xf32, #tpu.memory_space<vmem>>, vector<1x256x64xf32>,
    %slice3A_351 = vector.extract_strided_slice %dot_general3A_5 {offsets = [0, 1472], sizes = [256, 32], strides = [1, 1]} : vector<256x2048xf32> to vector<256x32xf32>
    %slice3A_352 = vector.extract_strided_slice %dot_general3A_5 {offsets = [0, 1504], sizes = [256, 32], strides = [1, 1]} : vector<256x2048xf32> to vector<256x32xf32>
    %mul3A_353 = arith.mulf %slice3A_351, %get3A_8 : vector<256x32xf32>
    %mul3A_354 = arith.mulf %slice3A_352, %get3A_11 : vector<256x32xf32>
    %sub3A_355 = arith.subf %mul3A_353, %mul3A_354 : vector<256x32xf32>
    %mul3A_356 = arith.mulf %slice3A_352, %get3A_8 : vector<256x32xf32>
    %mul3A_357 = arith.mulf %slice3A_351, %get3A_11 : vector<256x32xf32>
    %add3A_358 = arith.addf %mul3A_356, %mul3A_357 : vector<256x32xf32>
    %concatenate3A_359 = tpu.concatenate %sub3A_355, %add3A_358 in 1 : vector<256x32xf32>, vector<256x32xf32> -> vector<256x64xf32>
    %swap3A_360 = arith.constant 7 : index
    %swap3A_361 = arith.constant 0 : index
    %swap3A_362 = arith.constant 0 : index
    %swap3A_363 = vector.load %arg6[%swap3A_360, %swap3A_361, %swap3A_362] : memref<8x256x64xf32, #tpu.memory_space<vmem>>, vector<1x256x64xf32>
    %swap3A_364 = vector.shape_cast %swap3A_363 : vector<1x256x64xf32> to vector<256x64xf32>
    %swap3A_365 = vector.shape_cast %concatenate3A_359 : vector<256x64xf32> to vector<1x256x64xf32>
    tpu.vector_store %arg6[%swap3A_360, %swap3A_361, %swap3A_362], %swap3A_365 {strides = array<i32>} : memref<8x256x64xf32, #tpu.memory_space<vmem>>, vector<1x256x64xf32>,
    %slice3A_366 = vector.extract_strided_slice %dot_general3A_5 {offsets = [0, 1536], sizes = [256, 64], strides = [1, 1]} : vector<256x2048xf32> to vector<256x64xf32>
    %swap3A_367 = arith.constant 0 : index
    %swap3A_368 = arith.constant 0 : index
    %swap3A_369 = arith.constant 0 : index
    %swap3A_370 = vector.load %arg7[%swap3A_367, %swap3A_368, %swap3A_369] : memref<8x256x64xf32, #tpu.memory_space<vmem>>, vector<1x256x64xf32>
    %swap3A_371 = vector.shape_cast %swap3A_370 : vector<1x256x64xf32> to vector<256x64xf32>
    %swap3A_372 = vector.shape_cast %slice3A_366 : vector<256x64xf32> to vector<1x256x64xf32>
    tpu.vector_store %arg7[%swap3A_367, %swap3A_368, %swap3A_369], %swap3A_372 {strides = array<i32>} : memref<8x256x64xf32, #tpu.memory_space<vmem>>, vector<1x256x64xf32>,
    %slice3A_373 = vector.extract_strided_slice %dot_general3A_5 {offsets = [0, 1600], sizes = [256, 64], strides = [1, 1]} : vector<256x2048xf32> to vector<256x64xf32>
    %swap3A_374 = arith.constant 1 : index
    %swap3A_375 = arith.constant 0 : index
    %swap3A_376 = arith.constant 0 : index
    %swap3A_377 = vector.load %arg7[%swap3A_374, %swap3A_375, %swap3A_376] : memref<8x256x64xf32, #tpu.memory_space<vmem>>, vector<1x256x64xf32>
    %swap3A_378 = vector.shape_cast %swap3A_377 : vector<1x256x64xf32> to vector<256x64xf32>
    %swap3A_379 = vector.shape_cast %slice3A_373 : vector<256x64xf32> to vector<1x256x64xf32>
    tpu.vector_store %arg7[%swap3A_374, %swap3A_375, %swap3A_376], %swap3A_379 {strides = array<i32>} : memref<8x256x64xf32, #tpu.memory_space<vmem>>, vector<1x256x64xf32>,
    %slice3A_380 = vector.extract_strided_slice %dot_general3A_5 {offsets = [0, 1664], sizes = [256, 64], strides = [1, 1]} : vector<256x2048xf32> to vector<256x64xf32>
    %swap3A_381 = arith.constant 2 : index
    %swap3A_382 = arith.constant 0 : index
    %swap3A_383 = arith.constant 0 : index
    %swap3A_384 = vector.load %arg7[%swap3A_381, %swap3A_382, %swap3A_383] : memref<8x256x64xf32, #tpu.memory_space<vmem>>, vector<1x256x64xf32>
    %swap3A_385 = vector.shape_cast %swap3A_384 : vector<1x256x64xf32> to vector<256x64xf32>
    %swap3A_386 = vector.shape_cast %slice3A_380 : vector<256x64xf32> to vector<1x256x64xf32>
    tpu.vector_store %arg7[%swap3A_381, %swap3A_382, %swap3A_383], %swap3A_386 {strides = array<i32>} : memref<8x256x64xf32, #tpu.memory_space<vmem>>, vector<1x256x64xf32>,
    %slice3A_387 = vector.extract_strided_slice %dot_general3A_5 {offsets = [0, 1728], sizes = [256, 64], strides = [1, 1]} : vector<256x2048xf32> to vector<256x64xf32>
    %swap3A_388 = arith.constant 3 : index
    %swap3A_389 = arith.constant 0 : index
    %swap3A_390 = arith.constant 0 : index
    %swap3A_391 = vector.load %arg7[%swap3A_388, %swap3A_389, %swap3A_390] : memref<8x256x64xf32, #tpu.memory_space<vmem>>, vector<1x256x64xf32>
    %swap3A_392 = vector.shape_cast %swap3A_391 : vector<1x256x64xf32> to vector<256x64xf32>
    %swap3A_393 = vector.shape_cast %slice3A_387 : vector<256x64xf32> to vector<1x256x64xf32>
    tpu.vector_store %arg7[%swap3A_388, %swap3A_389, %swap3A_390], %swap3A_393 {strides = array<i32>} : memref<8x256x64xf32, #tpu.memory_space<vmem>>, vector<1x256x64xf32>,
    %slice3A_394 = vector.extract_strided_slice %dot_general3A_5 {offsets = [0, 1792], sizes = [256, 64], strides = [1, 1]} : vector<256x2048xf32> to vector<256x64xf32>
    %swap3A_395 = arith.constant 4 : index
    %swap3A_396 = arith.constant 0 : index
    %swap3A_397 = arith.constant 0 : index
    %swap3A_398 = vector.load %arg7[%swap3A_395, %swap3A_396, %swap3A_397] : memref<8x256x64xf32, #tpu.memory_space<vmem>>, vector<1x256x64xf32>
    %swap3A_399 = vector.shape_cast %swap3A_398 : vector<1x256x64xf32> to vector<256x64xf32>
    %swap3A_400 = vector.shape_cast %slice3A_394 : vector<256x64xf32> to vector<1x256x64xf32>
    tpu.vector_store %arg7[%swap3A_395, %swap3A_396, %swap3A_397], %swap3A_400 {strides = array<i32>} : memref<8x256x64xf32, #tpu.memory_space<vmem>>, vector<1x256x64xf32>,
    %slice3A_401 = vector.extract_strided_slice %dot_general3A_5 {offsets = [0, 1856], sizes = [256, 64], strides = [1, 1]} : vector<256x2048xf32> to vector<256x64xf32>
    %swap3A_402 = arith.constant 5 : index
    %swap3A_403 = arith.constant 0 : index
    %swap3A_404 = arith.constant 0 : index
    %swap3A_405 = vector.load %arg7[%swap3A_402, %swap3A_403, %swap3A_404] : memref<8x256x64xf32, #tpu.memory_space<vmem>>, vector<1x256x64xf32>
    %swap3A_406 = vector.shape_cast %swap3A_405 : vector<1x256x64xf32> to vector<256x64xf32>
    %swap3A_407 = vector.shape_cast %slice3A_401 : vector<256x64xf32> to vector<1x256x64xf32>
    tpu.vector_store %arg7[%swap3A_402, %swap3A_403, %swap3A_404], %swap3A_407 {strides = array<i32>} : memref<8x256x64xf32, #tpu.memory_space<vmem>>, vector<1x256x64xf32>,
    %slice3A_408 = vector.extract_strided_slice %dot_general3A_5 {offsets = [0, 1920], sizes = [256, 64], strides = [1, 1]} : vector<256x2048xf32> to vector<256x64xf32>
    %swap3A_409 = arith.constant 6 : index
    %swap3A_410 = arith.constant 0 : index
    %swap3A_411 = arith.constant 0 : index
    %swap3A_412 = vector.load %arg7[%swap3A_409, %swap3A_410, %swap3A_411] : memref<8x256x64xf32, #tpu.memory_space<vmem>>, vector<1x256x64xf32>
    %swap3A_413 = vector.shape_cast %swap3A_412 : vector<1x256x64xf32> to vector<256x64xf32>
    %swap3A_414 = vector.shape_cast %slice3A_408 : vector<256x64xf32> to vector<1x256x64xf32>
    tpu.vector_store %arg7[%swap3A_409, %swap3A_410, %swap3A_411], %swap3A_414 {strides = array<i32>} : memref<8x256x64xf32, #tpu.memory_space<vmem>>, vector<1x256x64xf32>,
    %slice3A_415 = vector.extract_strided_slice %dot_general3A_5 {offsets = [0, 1984], sizes = [256, 64], strides = [1, 1]} : vector<256x2048xf32> to vector<256x64xf32>
    %swap3A_416 = arith.constant 7 : index
    %swap3A_417 = arith.constant 0 : index
    %swap3A_418 = arith.constant 0 : index
    %swap3A_419 = vector.load %arg7[%swap3A_416, %swap3A_417, %swap3A_418] : memref<8x256x64xf32, #tpu.memory_space<vmem>>, vector<1x256x64xf32>
    %swap3A_420 = vector.shape_cast %swap3A_419 : vector<1x256x64xf32> to vector<256x64xf32>
    %swap3A_421 = vector.shape_cast %slice3A_415 : vector<256x64xf32> to vector<1x256x64xf32>
    tpu.vector_store %arg7[%swap3A_416, %swap3A_417, %swap3A_418], %swap3A_421 {strides = array<i32>} : memref<8x256x64xf32, #tpu.memory_space<vmem>>, vector<1x256x64xf32>,
    return
  }
  func.func @transform_0(%arg0: i32) -> (i32, i32) {
    %c0_i32 = arith.constant 0 : i32
    %c0_i32_0 = arith.constant 0 : i32
    return %arg0, %c0_i32 : i32, i32
  }
  func.func @transform_1(%arg0: i32) -> (i32, i32) {
    %c0_i32 = arith.constant 0 : i32
    %c0_i32_0 = arith.constant 0 : i32
    return %arg0, %c0_i32 : i32, i32
  }
  func.func @transform_2(%arg0: i32) -> (i32, i32) {
    %c0_i32 = arith.constant 0 : i32
    %c0_i32_0 = arith.constant 0 : i32
    return %arg0, %c0_i32 : i32, i32
  }
  func.func @transform_3(%arg0: i32) -> (i32, i32) {
    %c0_i32 = arith.constant 0 : i32
    %c0_i32_0 = arith.constant 0 : i32
    %c0_i32_1 = arith.constant 0 : i32
    return %c0_i32, %c0_i32_0 : i32, i32
  }
  func.func @transform_4(%arg0: i32) -> (i32, i32, i32) {
    %c0_i32 = arith.constant 0 : i32
    %c0_i32_0 = arith.constant 0 : i32
    %c0_i32_1 = arith.constant 0 : i32
    return %c0_i32, %arg0, %c0_i32_0 : i32, i32, i32
  }
  func.func @transform_5(%arg0: i32) -> (i32, i32, i32) {
    %c0_i32 = arith.constant 0 : i32
    %c0_i32_0 = arith.constant 0 : i32
    %c0_i32_1 = arith.constant 0 : i32
    return %c0_i32, %arg0, %c0_i32_0 : i32, i32, i32
  }
  func.func @transform_6(%arg0: i32) -> (i32, i32, i32) {
    %c0_i32 = arith.constant 0 : i32
    %c0_i32_0 = arith.constant 0 : i32
    %c0_i32_1 = arith.constant 0 : i32
    return %c0_i32, %arg0, %c0_i32_0 : i32, i32, i32
  }
}

module attributes {stable_mosaic.version = 14 : i64} {
  func.func @_k2_body(%arg0: i32, %arg1: i32, %arg2: memref<1x256x64xf32, #tpu.memory_space<vmem>>, %arg3: memref<1x2048x64xf32, #tpu.memory_space<vmem>>, %arg4: memref<1x2048x64xf32, #tpu.memory_space<vmem>>, %arg5: memref<1x256x64xf32, #tpu.memory_space<vmem>>) attributes {dimension_semantics = [#tpu.dimension_semantics<arbitrary>, #tpu.dimension_semantics<arbitrary>], iteration_bounds = array<i64: 16, 8>, scalar_prefetch = 0 : i64, scratch_operands = 0 : i64, tpu.core_type = #tpu.core_type<tc>, window_params = [{transform_indices = @transform_0, window_bounds = array<i64: 1, 256, 64>}, {transform_indices = @transform_1, window_bounds = array<i64: 1, 2048, 64>}, {transform_indices = @transform_2, window_bounds = array<i64: 1, 2048, 64>}, {transform_indices = @transform_3, window_bounds = array<i64: 1, 256, 64>}]} {
    %get3A = arith.constant 0 : index
    %get3A_0 = arith.constant 0 : index
    %get3A_1 = arith.constant 0 : index
    %get3A_2 = vector.load %arg2[%get3A, %get3A_0, %get3A_1] : memref<1x256x64xf32, #tpu.memory_space<vmem>>, vector<1x256x64xf32>
    %get3A_3 = vector.shape_cast %get3A_2 : vector<1x256x64xf32> to vector<256x64xf32>
    %get3A_4 = arith.constant 0 : index
    %get3A_5 = arith.constant 0 : index
    %get3A_6 = arith.constant 0 : index
    %get3A_7 = vector.load %arg3[%get3A_4, %get3A_5, %get3A_6] : memref<1x2048x64xf32, #tpu.memory_space<vmem>>, vector<1x2048x64xf32>
    %get3A_8 = vector.shape_cast %get3A_7 : vector<1x2048x64xf32> to vector<2048x64xf32>
    %get3A_9 = arith.constant 0 : index
    %get3A_10 = arith.constant 0 : index
    %get3A_11 = arith.constant 0 : index
    %get3A_12 = vector.load %arg4[%get3A_9, %get3A_10, %get3A_11] : memref<1x2048x64xf32, #tpu.memory_space<vmem>>, vector<1x2048x64xf32>
    %get3A_13 = vector.shape_cast %get3A_12 : vector<1x2048x64xf32> to vector<2048x64xf32>
    %dot_general3A = arith.constant dense<0.000000e+00> : vector<256x2048xf32>
    %dot_general3A_14 = tpu.matmul %get3A_3, %get3A_8, %dot_general3A {dimension_numbers = #tpu.dot_dimension_numbers<[1], [1], [0], [0], [0, 0, 1, 0], [], []>, transpose_lhs_hint = false} : vector<256x64xf32>, vector<2048x64xf32>, vector<256x2048xf32> -> vector<256x2048xf32>
    %mul3A = arith.constant 1.250000e-01 : f32
    %mul3A_15 = vector.broadcast %mul3A : f32 to vector<256x2048xf32>
    %mul3A_16 = arith.mulf %dot_general3A_14, %mul3A_15 : vector<256x2048xf32>
    %div3A = arith.constant 3.000000e+01 : f32
    %div3A_17 = vector.broadcast %div3A : f32 to vector<256x2048xf32>
    %div3A_18 = arith.divf %mul3A_16, %div3A_17 : vector<256x2048xf32>
    %tanh3A = math.tanh %div3A_18 : vector<256x2048xf32>
    %mul3A_19 = arith.constant 3.000000e+01 : f32
    %mul3A_20 = vector.broadcast %mul3A_19 : f32 to vector<256x2048xf32>
    %mul3A_21 = arith.mulf %mul3A_20, %tanh3A : vector<256x2048xf32>
    %mul3A_22 = arith.constant 256 : i32
    %mul3A_23 = arith.muli %arg1, %mul3A_22 : i32
    %iota3A = tpu.iota {dimensions = array<i32: 0>} : vector<256x2048xi32>
    %add3A = vector.broadcast %mul3A_23 : i32 to vector<256x2048xi32>
    %add3A_24 = arith.addi %add3A, %iota3A : vector<256x2048xi32>
    %iota3A_25 = tpu.iota {dimensions = array<i32: 1>} : vector<256x2048xi32>
    %le3A = arith.cmpi sle, %iota3A_25, %add3A_24 : vector<256x2048xi32>
    %jit3A = arith.constant -1.000000e+30 : f32
    %broadcast_in_dim3A = vector.broadcast %jit3A : f32 to vector<256x2048xf32>
    %select_n3A = arith.select %le3A, %mul3A_21, %broadcast_in_dim3A : vector<256x2048xi1>, vector<256x2048xf32>
    %reduce_max3A = arith.constant dense<0xFF800000> : vector<256xf32>
    %reduce_max3A_26 = vector.multi_reduction <maximumf>, %select_n3A, %reduce_max3A [1] : vector<256x2048xf32> to vector<256xf32>
    %broadcast_in_dim3A_27 = vector.shape_cast %reduce_max3A_26 : vector<256xf32> to vector<256x1xf32>
    %sub3A = vector.broadcast %broadcast_in_dim3A_27 : vector<256x1xf32> to vector<256x2048xf32>
    %sub3A_28 = arith.subf %select_n3A, %sub3A : vector<256x2048xf32>
    %exp3A = math.exp %sub3A_28 : vector<256x2048xf32>
    %slice3A = vector.extract_strided_slice %exp3A {offsets = [0, 0], sizes = [256, 128], strides = [1, 1]} : vector<256x2048xf32> to vector<256x128xf32>
    %slice3A_29 = vector.extract_strided_slice %exp3A {offsets = [0, 128], sizes = [256, 128], strides = [1, 1]} : vector<256x2048xf32> to vector<256x128xf32>
    %add3A_30 = arith.addf %slice3A, %slice3A_29 : vector<256x128xf32>
    %slice3A_31 = vector.extract_strided_slice %exp3A {offsets = [0, 256], sizes = [256, 128], strides = [1, 1]} : vector<256x2048xf32> to vector<256x128xf32>
    %add3A_32 = arith.addf %add3A_30, %slice3A_31 : vector<256x128xf32>
    %slice3A_33 = vector.extract_strided_slice %exp3A {offsets = [0, 384], sizes = [256, 128], strides = [1, 1]} : vector<256x2048xf32> to vector<256x128xf32>
    %add3A_34 = arith.addf %add3A_32, %slice3A_33 : vector<256x128xf32>
    %slice3A_35 = vector.extract_strided_slice %exp3A {offsets = [0, 512], sizes = [256, 128], strides = [1, 1]} : vector<256x2048xf32> to vector<256x128xf32>
    %add3A_36 = arith.addf %add3A_34, %slice3A_35 : vector<256x128xf32>
    %slice3A_37 = vector.extract_strided_slice %exp3A {offsets = [0, 640], sizes = [256, 128], strides = [1, 1]} : vector<256x2048xf32> to vector<256x128xf32>
    %add3A_38 = arith.addf %add3A_36, %slice3A_37 : vector<256x128xf32>
    %slice3A_39 = vector.extract_strided_slice %exp3A {offsets = [0, 768], sizes = [256, 128], strides = [1, 1]} : vector<256x2048xf32> to vector<256x128xf32>
    %add3A_40 = arith.addf %add3A_38, %slice3A_39 : vector<256x128xf32>
    %slice3A_41 = vector.extract_strided_slice %exp3A {offsets = [0, 896], sizes = [256, 128], strides = [1, 1]} : vector<256x2048xf32> to vector<256x128xf32>
    %add3A_42 = arith.addf %add3A_40, %slice3A_41 : vector<256x128xf32>
    %slice3A_43 = vector.extract_strided_slice %exp3A {offsets = [0, 1024], sizes = [256, 128], strides = [1, 1]} : vector<256x2048xf32> to vector<256x128xf32>
    %add3A_44 = arith.addf %add3A_42, %slice3A_43 : vector<256x128xf32>
    %slice3A_45 = vector.extract_strided_slice %exp3A {offsets = [0, 1152], sizes = [256, 128], strides = [1, 1]} : vector<256x2048xf32> to vector<256x128xf32>
    %add3A_46 = arith.addf %add3A_44, %slice3A_45 : vector<256x128xf32>
    %slice3A_47 = vector.extract_strided_slice %exp3A {offsets = [0, 1280], sizes = [256, 128], strides = [1, 1]} : vector<256x2048xf32> to vector<256x128xf32>
    %add3A_48 = arith.addf %add3A_46, %slice3A_47 : vector<256x128xf32>
    %slice3A_49 = vector.extract_strided_slice %exp3A {offsets = [0, 1408], sizes = [256, 128], strides = [1, 1]} : vector<256x2048xf32> to vector<256x128xf32>
    %add3A_50 = arith.addf %add3A_48, %slice3A_49 : vector<256x128xf32>
    %slice3A_51 = vector.extract_strided_slice %exp3A {offsets = [0, 1536], sizes = [256, 128], strides = [1, 1]} : vector<256x2048xf32> to vector<256x128xf32>
    %add3A_52 = arith.addf %add3A_50, %slice3A_51 : vector<256x128xf32>
    %slice3A_53 = vector.extract_strided_slice %exp3A {offsets = [0, 1664], sizes = [256, 128], strides = [1, 1]} : vector<256x2048xf32> to vector<256x128xf32>
    %add3A_54 = arith.addf %add3A_52, %slice3A_53 : vector<256x128xf32>
    %slice3A_55 = vector.extract_strided_slice %exp3A {offsets = [0, 1792], sizes = [256, 128], strides = [1, 1]} : vector<256x2048xf32> to vector<256x128xf32>
    %add3A_56 = arith.addf %add3A_54, %slice3A_55 : vector<256x128xf32>
    %slice3A_57 = vector.extract_strided_slice %exp3A {offsets = [0, 1920], sizes = [256, 128], strides = [1, 1]} : vector<256x2048xf32> to vector<256x128xf32>
    %add3A_58 = arith.addf %add3A_56, %slice3A_57 : vector<256x128xf32>
    %slice3A_59 = vector.extract_strided_slice %add3A_58 {offsets = [0, 0], sizes = [256, 64], strides = [1, 1]} : vector<256x128xf32> to vector<256x64xf32>
    %slice3A_60 = vector.extract_strided_slice %add3A_58 {offsets = [0, 64], sizes = [256, 64], strides = [1, 1]} : vector<256x128xf32> to vector<256x64xf32>
    %add3A_61 = arith.addf %slice3A_59, %slice3A_60 : vector<256x64xf32>
    %slice3A_62 = vector.extract_strided_slice %add3A_61 {offsets = [0, 0], sizes = [256, 32], strides = [1, 1]} : vector<256x64xf32> to vector<256x32xf32>
    %slice3A_63 = vector.extract_strided_slice %add3A_61 {offsets = [0, 32], sizes = [256, 32], strides = [1, 1]} : vector<256x64xf32> to vector<256x32xf32>
    %add3A_64 = arith.addf %slice3A_62, %slice3A_63 : vector<256x32xf32>
    %slice3A_65 = vector.extract_strided_slice %add3A_64 {offsets = [0, 0], sizes = [256, 16], strides = [1, 1]} : vector<256x32xf32> to vector<256x16xf32>
    %slice3A_66 = vector.extract_strided_slice %add3A_64 {offsets = [0, 16], sizes = [256, 16], strides = [1, 1]} : vector<256x32xf32> to vector<256x16xf32>
    %add3A_67 = arith.addf %slice3A_65, %slice3A_66 : vector<256x16xf32>
    %slice3A_68 = vector.extract_strided_slice %add3A_67 {offsets = [0, 0], sizes = [256, 8], strides = [1, 1]} : vector<256x16xf32> to vector<256x8xf32>
    %slice3A_69 = vector.extract_strided_slice %add3A_67 {offsets = [0, 8], sizes = [256, 8], strides = [1, 1]} : vector<256x16xf32> to vector<256x8xf32>
    %add3A_70 = arith.addf %slice3A_68, %slice3A_69 : vector<256x8xf32>
    %slice3A_71 = vector.extract_strided_slice %add3A_70 {offsets = [0, 0], sizes = [256, 4], strides = [1, 1]} : vector<256x8xf32> to vector<256x4xf32>
    %slice3A_72 = vector.extract_strided_slice %add3A_70 {offsets = [0, 4], sizes = [256, 4], strides = [1, 1]} : vector<256x8xf32> to vector<256x4xf32>
    %add3A_73 = arith.addf %slice3A_71, %slice3A_72 : vector<256x4xf32>
    %slice3A_74 = vector.extract_strided_slice %add3A_73 {offsets = [0, 0], sizes = [256, 2], strides = [1, 1]} : vector<256x4xf32> to vector<256x2xf32>
    %slice3A_75 = vector.extract_strided_slice %add3A_73 {offsets = [0, 2], sizes = [256, 2], strides = [1, 1]} : vector<256x4xf32> to vector<256x2xf32>
    %add3A_76 = arith.addf %slice3A_74, %slice3A_75 : vector<256x2xf32>
    %slice3A_77 = vector.extract_strided_slice %add3A_76 {offsets = [0, 0], sizes = [256, 1], strides = [1, 1]} : vector<256x2xf32> to vector<256x1xf32>
    %slice3A_78 = vector.extract_strided_slice %add3A_76 {offsets = [0, 1], sizes = [256, 1], strides = [1, 1]} : vector<256x2xf32> to vector<256x1xf32>
    %add3A_79 = arith.addf %slice3A_77, %slice3A_78 : vector<256x1xf32>
    %div3A_80 = vector.broadcast %add3A_79 : vector<256x1xf32> to vector<256x2048xf32>
    %div3A_81 = arith.divf %exp3A, %div3A_80 : vector<256x2048xf32>
    %dot_general3A_82 = arith.constant dense<0.000000e+00> : vector<256x64xf32>
    %dot_general3A_83 = tpu.matmul %div3A_81, %get3A_13, %dot_general3A_82 {dimension_numbers = #tpu.dot_dimension_numbers<[1], [0], [0], [1], [0, 0, 1, 1], [], []>, transpose_lhs_hint = false} : vector<256x2048xf32>, vector<2048x64xf32>, vector<256x64xf32> -> vector<256x64xf32>
    %swap3A = arith.constant 0 : index
    %swap3A_84 = arith.constant 0 : index
    %swap3A_85 = arith.constant 0 : index
    %swap3A_86 = vector.load %arg5[%swap3A, %swap3A_84, %swap3A_85] : memref<1x256x64xf32, #tpu.memory_space<vmem>>, vector<1x256x64xf32>
    %swap3A_87 = vector.shape_cast %swap3A_86 : vector<1x256x64xf32> to vector<256x64xf32>
    %swap3A_88 = vector.shape_cast %dot_general3A_83 : vector<256x64xf32> to vector<1x256x64xf32>
    tpu.vector_store %arg5[%swap3A, %swap3A_84, %swap3A_85], %swap3A_88 {strides = array<i32>} : memref<1x256x64xf32, #tpu.memory_space<vmem>>, vector<1x256x64xf32>,
    return
  }
  func.func @transform_0(%arg0: i32, %arg1: i32) -> (i32, i32, i32) {
    %c0_i32 = arith.constant 0 : i32
    %c0_i32_0 = arith.constant 0 : i32
    return %arg0, %arg1, %c0_i32 : i32, i32, i32
  }
  func.func @transform_1(%arg0: i32, %arg1: i32) -> (i32, i32, i32) {
    %jit3A = arith.constant 2 : i32
    %div3A = arith.divsi %arg0, %jit3A : i32
    %sign3A = arith.constant 0 : i32
    %sign3A_0 = arith.cmpi sgt, %arg0, %sign3A : i32
    %sign3A_1 = arith.extui %sign3A_0 : i1 to i32
    %sign3A_2 = arith.constant 0 : i32
    %sign3A_3 = arith.cmpi slt, %arg0, %sign3A_2 : i32
    %sign3A_4 = arith.extui %sign3A_3 : i1 to i32
    %sign3A_5 = arith.subi %sign3A_1, %sign3A_4 : i32
    %sign3A_6 = arith.constant 0 : i32
    %sign3A_7 = arith.cmpi sgt, %jit3A, %sign3A_6 : i32
    %sign3A_8 = arith.extui %sign3A_7 : i1 to i32
    %sign3A_9 = arith.constant 0 : i32
    %sign3A_10 = arith.cmpi slt, %jit3A, %sign3A_9 : i32
    %sign3A_11 = arith.extui %sign3A_10 : i1 to i32
    %sign3A_12 = arith.subi %sign3A_8, %sign3A_11 : i32
    %ne3A = arith.cmpi ne, %sign3A_5, %sign3A_12 : i32
    %rem3A = arith.remsi %arg0, %jit3A : i32
    %ne3A_13 = arith.constant 0 : i32
    %ne3A_14 = arith.cmpi ne, %rem3A, %ne3A_13 : i32
    %and3A = arith.andi %ne3A, %ne3A_14 : i1
    %sub3A = arith.constant 1 : i32
    %sub3A_15 = arith.subi %div3A, %sub3A : i32
    %select_n3A = arith.select %and3A, %sub3A_15, %div3A : i32
    %c0_i32 = arith.constant 0 : i32
    %c0_i32_16 = arith.constant 0 : i32
    %c0_i32_17 = arith.constant 0 : i32
    return %select_n3A, %c0_i32, %c0_i32_16 : i32, i32, i32
  }
  func.func @transform_2(%arg0: i32, %arg1: i32) -> (i32, i32, i32) {
    %jit3A = arith.constant 2 : i32
    %div3A = arith.divsi %arg0, %jit3A : i32
    %sign3A = arith.constant 0 : i32
    %sign3A_0 = arith.cmpi sgt, %arg0, %sign3A : i32
    %sign3A_1 = arith.extui %sign3A_0 : i1 to i32
    %sign3A_2 = arith.constant 0 : i32
    %sign3A_3 = arith.cmpi slt, %arg0, %sign3A_2 : i32
    %sign3A_4 = arith.extui %sign3A_3 : i1 to i32
    %sign3A_5 = arith.subi %sign3A_1, %sign3A_4 : i32
    %sign3A_6 = arith.constant 0 : i32
    %sign3A_7 = arith.cmpi sgt, %jit3A, %sign3A_6 : i32
    %sign3A_8 = arith.extui %sign3A_7 : i1 to i32
    %sign3A_9 = arith.constant 0 : i32
    %sign3A_10 = arith.cmpi slt, %jit3A, %sign3A_9 : i32
    %sign3A_11 = arith.extui %sign3A_10 : i1 to i32
    %sign3A_12 = arith.subi %sign3A_8, %sign3A_11 : i32
    %ne3A = arith.cmpi ne, %sign3A_5, %sign3A_12 : i32
    %rem3A = arith.remsi %arg0, %jit3A : i32
    %ne3A_13 = arith.constant 0 : i32
    %ne3A_14 = arith.cmpi ne, %rem3A, %ne3A_13 : i32
    %and3A = arith.andi %ne3A, %ne3A_14 : i1
    %sub3A = arith.constant 1 : i32
    %sub3A_15 = arith.subi %div3A, %sub3A : i32
    %select_n3A = arith.select %and3A, %sub3A_15, %div3A : i32
    %c0_i32 = arith.constant 0 : i32
    %c0_i32_16 = arith.constant 0 : i32
    %c0_i32_17 = arith.constant 0 : i32
    return %select_n3A, %c0_i32, %c0_i32_16 : i32, i32, i32
  }
  func.func @transform_3(%arg0: i32, %arg1: i32) -> (i32, i32, i32) {
    %c0_i32 = arith.constant 0 : i32
    %c0_i32_0 = arith.constant 0 : i32
    return %arg0, %arg1, %c0_i32 : i32, i32, i32
  }
}

module attributes {stable_mosaic.version = 14 : i64} {
  func.func @_k3_body(%arg0: i32, %arg1: memref<256x1024xf32, #tpu.memory_space<vmem>>, %arg2: memref<1024x1024xf32, #tpu.memory_space<vmem>>, %arg3: memref<256x1024xf32, #tpu.memory_space<vmem>>) attributes {dimension_semantics = [#tpu.dimension_semantics<arbitrary>], iteration_bounds = array<i64: 8>, scalar_prefetch = 0 : i64, scratch_operands = 0 : i64, tpu.core_type = #tpu.core_type<tc>, window_params = [{transform_indices = @transform_0, window_bounds = array<i64: 256, 1024>}, {pipeline_mode = #tpu.pipeline_mode<synchronous>, transform_indices = @transform_1, window_bounds = array<i64: 1024, 1024>}, {transform_indices = @transform_2, window_bounds = array<i64: 256, 1024>}]} {
    %get3A = arith.constant 0 : index
    %get3A_0 = arith.constant 0 : index
    %get3A_1 = vector.load %arg1[%get3A, %get3A_0] : memref<256x1024xf32, #tpu.memory_space<vmem>>, vector<256x1024xf32>
    %get3A_2 = arith.constant 0 : index
    %get3A_3 = arith.constant 0 : index
    %get3A_4 = vector.load %arg2[%get3A_2, %get3A_3] : memref<1024x1024xf32, #tpu.memory_space<vmem>>, vector<1024x1024xf32>
    %dot_general3A = arith.constant dense<0.000000e+00> : vector<256x1024xf32>
    %dot_general3A_5 = tpu.matmul %get3A_1, %get3A_4, %dot_general3A {dimension_numbers = #tpu.dot_dimension_numbers<[1], [0], [0], [1], [0, 0, 1, 1], [], []>, transpose_lhs_hint = false} : vector<256x1024xf32>, vector<1024x1024xf32>, vector<256x1024xf32> -> vector<256x1024xf32>
    %swap3A = arith.constant 0 : index
    %swap3A_6 = arith.constant 0 : index
    %swap3A_7 = vector.load %arg3[%swap3A, %swap3A_6] : memref<256x1024xf32, #tpu.memory_space<vmem>>, vector<256x1024xf32>
    tpu.vector_store %arg3[%swap3A, %swap3A_6], %dot_general3A_5 {strides = array<i32>} : memref<256x1024xf32, #tpu.memory_space<vmem>>, vector<256x1024xf32>,
    return
  }
  func.func @transform_0(%arg0: i32) -> (i32, i32) {
    %c0_i32 = arith.constant 0 : i32
    %c0_i32_0 = arith.constant 0 : i32
    return %arg0, %c0_i32 : i32, i32
  }
  func.func @transform_1(%arg0: i32) -> (i32, i32) {
    %c0_i32 = arith.constant 0 : i32
    %c0_i32_0 = arith.constant 0 : i32
    %c0_i32_1 = arith.constant 0 : i32
    return %c0_i32, %c0_i32_0 : i32, i32
  }
  func.func @transform_2(%arg0: i32) -> (i32, i32) {
    %c0_i32 = arith.constant 0 : i32
    %c0_i32_0 = arith.constant 0 : i32
    return %arg0, %c0_i32 : i32, i32
  }
}

module attributes {stable_mosaic.version = 14 : i64} {
  func.func @_route_body(%arg0: i32, %arg1: memref<2048x2xi32, #tpu.memory_space<vmem>>, %arg2: memref<4096x1xi32, #tpu.memory_space<vmem>>, %arg3: memref<1x39xi32, #tpu.memory_space<vmem>>) attributes {dimension_semantics = [#tpu.dimension_semantics<arbitrary>], iteration_bounds = array<i64: 1>, scalar_prefetch = 0 : i64, scratch_operands = 0 : i64, tpu.core_type = #tpu.core_type<tc>, window_params = [{pipeline_mode = #tpu.pipeline_mode<synchronous>, transform_indices = @transform_0, window_bounds = array<i64: 2048, 2>}, {pipeline_mode = #tpu.pipeline_mode<synchronous>, transform_indices = @transform_1, window_bounds = array<i64: 4096, 1>}, {pipeline_mode = #tpu.pipeline_mode<synchronous>, transform_indices = @transform_2, window_bounds = array<i64: 1, 39>}]} {
    %iota3A = tpu.iota {dimensions = array<i32: 1>} : vector<1x8xi32>
    %get3A = arith.constant 0 : index
    %get3A_0 = arith.constant 0 : index
    %get3A_1 = vector.load %arg1[%get3A, %get3A_0] : memref<2048x2xi32, #tpu.memory_space<vmem>>, vector<2048x1xi32>
    %eq3A = vector.broadcast %get3A_1 : vector<2048x1xi32> to vector<2048x8xi32>
    %eq3A_2 = vector.broadcast %iota3A : vector<1x8xi32> to vector<2048x8xi32>
    %eq3A_3 = arith.cmpi eq, %eq3A, %eq3A_2 : vector<2048x8xi32>
    %convert_element_type3A = arith.extui %eq3A_3 : vector<2048x8xi1> to vector<2048x8xi32>
    %convert_element_type3A_4 = arith.sitofp %convert_element_type3A : vector<2048x8xi32> to vector<2048x8xf32>
    %get3A_5 = arith.constant 0 : index
    %get3A_6 = arith.constant 1 : index
    %get3A_7 = vector.load %arg1[%get3A_5, %get3A_6] : memref<2048x2xi32, #tpu.memory_space<vmem>>, vector<2048x1xi32>
    %eq3A_8 = vector.broadcast %get3A_7 : vector<2048x1xi32> to vector<2048x8xi32>
    %eq3A_9 = vector.broadcast %iota3A : vector<1x8xi32> to vector<2048x8xi32>
    %eq3A_10 = arith.cmpi eq, %eq3A_8, %eq3A_9 : vector<2048x8xi32>
    %convert_element_type3A_11 = arith.extui %eq3A_10 : vector<2048x8xi1> to vector<2048x8xi32>
    %convert_element_type3A_12 = arith.sitofp %convert_element_type3A_11 : vector<2048x8xi32> to vector<2048x8xf32>
    %concatenate3A = tpu.concatenate %convert_element_type3A_4, %convert_element_type3A_12 in 0 : vector<2048x8xf32>, vector<2048x8xf32> -> vector<4096x8xf32>
    %iota3A_13 = tpu.iota {dimensions = array<i32: 0>} : vector<512x512xi32>
    %iota3A_14 = tpu.iota {dimensions = array<i32: 1>} : vector<512x512xi32>
    %ge3A = arith.cmpi sge, %iota3A_13, %iota3A_14 : vector<512x512xi32>
    %convert_element_type3A_15 = arith.extui %ge3A : vector<512x512xi1> to vector<512x512xi32>
    %convert_element_type3A_16 = arith.sitofp %convert_element_type3A_15 : vector<512x512xi32> to vector<512x512xf32>
    %broadcast_in_dim3A = arith.constant 0.000000e+00 : f32
    %broadcast_in_dim3A_17 = vector.broadcast %broadcast_in_dim3A : f32 to vector<1x8xf32>
    %slice3A = vector.extract_strided_slice %concatenate3A {offsets = [0, 0], sizes = [512, 8], strides = [1, 1]} : vector<4096x8xf32> to vector<512x8xf32>
    %dot_general3A = arith.constant dense<0.000000e+00> : vector<512x8xf32>
    %dot_general3A_18 = tpu.matmul %convert_element_type3A_16, %slice3A, %dot_general3A {dimension_numbers = #tpu.dot_dimension_numbers<[1], [0], [0], [1], [0, 0, 1, 1], [], []>, transpose_lhs_hint = false} : vector<512x512xf32>, vector<512x8xf32>, vector<512x8xf32> -> vector<512x8xf32>
    %add3A = vector.broadcast %broadcast_in_dim3A_17 : vector<1x8xf32> to vector<512x8xf32>
    %add3A_19 = arith.addf %dot_general3A_18, %add3A : vector<512x8xf32>
    %mul3A = arith.mulf %add3A_19, %slice3A : vector<512x8xf32>
    %reduce_sum3A = arith.constant dense<0.000000e+00> : vector<512xf32>
    %reduce_sum3A_20 = vector.multi_reduction <add>, %mul3A, %reduce_sum3A [1] : vector<512x8xf32> to vector<512xf32>
    %broadcast_in_dim3A_21 = vector.shape_cast %reduce_sum3A_20 : vector<512xf32> to vector<512x1xf32>
    %reduce_sum3A_22 = arith.constant dense<0.000000e+00> : vector<8xf32>
    %reduce_sum3A_23 = vector.multi_reduction <add>, %slice3A, %reduce_sum3A_22 [0] : vector<512x8xf32> to vector<8xf32>
    %broadcast_in_dim3A_24 = vector.shape_cast %reduce_sum3A_23 : vector<8xf32> to vector<1x8xf32>
    %add3A_25 = arith.addf %broadcast_in_dim3A_17, %broadcast_in_dim3A_24 : vector<1x8xf32>
    %slice3A_26 = vector.extract_strided_slice %concatenate3A {offsets = [512, 0], sizes = [512, 8], strides = [1, 1]} : vector<4096x8xf32> to vector<512x8xf32>
    %dot_general3A_27 = arith.constant dense<0.000000e+00> : vector<512x8xf32>
    %dot_general3A_28 = tpu.matmul %convert_element_type3A_16, %slice3A_26, %dot_general3A_27 {dimension_numbers = #tpu.dot_dimension_numbers<[1], [0], [0], [1], [0, 0, 1, 1], [], []>, transpose_lhs_hint = false} : vector<512x512xf32>, vector<512x8xf32>, vector<512x8xf32> -> vector<512x8xf32>
    %add3A_29 = vector.broadcast %add3A_25 : vector<1x8xf32> to vector<512x8xf32>
    %add3A_30 = arith.addf %dot_general3A_28, %add3A_29 : vector<512x8xf32>
    %mul3A_31 = arith.mulf %add3A_30, %slice3A_26 : vector<512x8xf32>
    %reduce_sum3A_32 = arith.constant dense<0.000000e+00> : vector<512xf32>
    %reduce_sum3A_33 = vector.multi_reduction <add>, %mul3A_31, %reduce_sum3A_32 [1] : vector<512x8xf32> to vector<512xf32>
    %broadcast_in_dim3A_34 = vector.shape_cast %reduce_sum3A_33 : vector<512xf32> to vector<512x1xf32>
    %reduce_sum3A_35 = arith.constant dense<0.000000e+00> : vector<8xf32>
    %reduce_sum3A_36 = vector.multi_reduction <add>, %slice3A_26, %reduce_sum3A_35 [0] : vector<512x8xf32> to vector<8xf32>
    %broadcast_in_dim3A_37 = vector.shape_cast %reduce_sum3A_36 : vector<8xf32> to vector<1x8xf32>
    %add3A_38 = arith.addf %add3A_25, %broadcast_in_dim3A_37 : vector<1x8xf32>
    %slice3A_39 = vector.extract_strided_slice %concatenate3A {offsets = [1024, 0], sizes = [512, 8], strides = [1, 1]} : vector<4096x8xf32> to vector<512x8xf32>
    %dot_general3A_40 = arith.constant dense<0.000000e+00> : vector<512x8xf32>
    %dot_general3A_41 = tpu.matmul %convert_element_type3A_16, %slice3A_39, %dot_general3A_40 {dimension_numbers = #tpu.dot_dimension_numbers<[1], [0], [0], [1], [0, 0, 1, 1], [], []>, transpose_lhs_hint = false} : vector<512x512xf32>, vector<512x8xf32>, vector<512x8xf32> -> vector<512x8xf32>
    %add3A_42 = vector.broadcast %add3A_38 : vector<1x8xf32> to vector<512x8xf32>
    %add3A_43 = arith.addf %dot_general3A_41, %add3A_42 : vector<512x8xf32>
    %mul3A_44 = arith.mulf %add3A_43, %slice3A_39 : vector<512x8xf32>
    %reduce_sum3A_45 = arith.constant dense<0.000000e+00> : vector<512xf32>
    %reduce_sum3A_46 = vector.multi_reduction <add>, %mul3A_44, %reduce_sum3A_45 [1] : vector<512x8xf32> to vector<512xf32>
    %broadcast_in_dim3A_47 = vector.shape_cast %reduce_sum3A_46 : vector<512xf32> to vector<512x1xf32>
    %reduce_sum3A_48 = arith.constant dense<0.000000e+00> : vector<8xf32>
    %reduce_sum3A_49 = vector.multi_reduction <add>, %slice3A_39, %reduce_sum3A_48 [0] : vector<512x8xf32> to vector<8xf32>
    %broadcast_in_dim3A_50 = vector.shape_cast %reduce_sum3A_49 : vector<8xf32> to vector<1x8xf32>
    %add3A_51 = arith.addf %add3A_38, %broadcast_in_dim3A_50 : vector<1x8xf32>
    %slice3A_52 = vector.extract_strided_slice %concatenate3A {offsets = [1536, 0], sizes = [512, 8], strides = [1, 1]} : vector<4096x8xf32> to vector<512x8xf32>
    %dot_general3A_53 = arith.constant dense<0.000000e+00> : vector<512x8xf32>
    %dot_general3A_54 = tpu.matmul %convert_element_type3A_16, %slice3A_52, %dot_general3A_53 {dimension_numbers = #tpu.dot_dimension_numbers<[1], [0], [0], [1], [0, 0, 1, 1], [], []>, transpose_lhs_hint = false} : vector<512x512xf32>, vector<512x8xf32>, vector<512x8xf32> -> vector<512x8xf32>
    %add3A_55 = vector.broadcast %add3A_51 : vector<1x8xf32> to vector<512x8xf32>
    %add3A_56 = arith.addf %dot_general3A_54, %add3A_55 : vector<512x8xf32>
    %mul3A_57 = arith.mulf %add3A_56, %slice3A_52 : vector<512x8xf32>
    %reduce_sum3A_58 = arith.constant dense<0.000000e+00> : vector<512xf32>
    %reduce_sum3A_59 = vector.multi_reduction <add>, %mul3A_57, %reduce_sum3A_58 [1] : vector<512x8xf32> to vector<512xf32>
    %broadcast_in_dim3A_60 = vector.shape_cast %reduce_sum3A_59 : vector<512xf32> to vector<512x1xf32>
    %reduce_sum3A_61 = arith.constant dense<0.000000e+00> : vector<8xf32>
    %reduce_sum3A_62 = vector.multi_reduction <add>, %slice3A_52, %reduce_sum3A_61 [0] : vector<512x8xf32> to vector<8xf32>
    %broadcast_in_dim3A_63 = vector.shape_cast %reduce_sum3A_62 : vector<8xf32> to vector<1x8xf32>
    %add3A_64 = arith.addf %add3A_51, %broadcast_in_dim3A_63 : vector<1x8xf32>
    %slice3A_65 = vector.extract_strided_slice %concatenate3A {offsets = [2048, 0], sizes = [512, 8], strides = [1, 1]} : vector<4096x8xf32> to vector<512x8xf32>
    %dot_general3A_66 = arith.constant dense<0.000000e+00> : vector<512x8xf32>
    %dot_general3A_67 = tpu.matmul %convert_element_type3A_16, %slice3A_65, %dot_general3A_66 {dimension_numbers = #tpu.dot_dimension_numbers<[1], [0], [0], [1], [0, 0, 1, 1], [], []>, transpose_lhs_hint = false} : vector<512x512xf32>, vector<512x8xf32>, vector<512x8xf32> -> vector<512x8xf32>
    %add3A_68 = vector.broadcast %add3A_64 : vector<1x8xf32> to vector<512x8xf32>
    %add3A_69 = arith.addf %dot_general3A_67, %add3A_68 : vector<512x8xf32>
    %mul3A_70 = arith.mulf %add3A_69, %slice3A_65 : vector<512x8xf32>
    %reduce_sum3A_71 = arith.constant dense<0.000000e+00> : vector<512xf32>
    %reduce_sum3A_72 = vector.multi_reduction <add>, %mul3A_70, %reduce_sum3A_71 [1] : vector<512x8xf32> to vector<512xf32>
    %broadcast_in_dim3A_73 = vector.shape_cast %reduce_sum3A_72 : vector<512xf32> to vector<512x1xf32>
    %reduce_sum3A_74 = arith.constant dense<0.000000e+00> : vector<8xf32>
    %reduce_sum3A_75 = vector.multi_reduction <add>, %slice3A_65, %reduce_sum3A_74 [0] : vector<512x8xf32> to vector<8xf32>
    %broadcast_in_dim3A_76 = vector.shape_cast %reduce_sum3A_75 : vector<8xf32> to vector<1x8xf32>
    %add3A_77 = arith.addf %add3A_64, %broadcast_in_dim3A_76 : vector<1x8xf32>
    %slice3A_78 = vector.extract_strided_slice %concatenate3A {offsets = [2560, 0], sizes = [512, 8], strides = [1, 1]} : vector<4096x8xf32> to vector<512x8xf32>
    %dot_general3A_79 = arith.constant dense<0.000000e+00> : vector<512x8xf32>
    %dot_general3A_80 = tpu.matmul %convert_element_type3A_16, %slice3A_78, %dot_general3A_79 {dimension_numbers = #tpu.dot_dimension_numbers<[1], [0], [0], [1], [0, 0, 1, 1], [], []>, transpose_lhs_hint = false} : vector<512x512xf32>, vector<512x8xf32>, vector<512x8xf32> -> vector<512x8xf32>
    %add3A_81 = vector.broadcast %add3A_77 : vector<1x8xf32> to vector<512x8xf32>
    %add3A_82 = arith.addf %dot_general3A_80, %add3A_81 : vector<512x8xf32>
    %mul3A_83 = arith.mulf %add3A_82, %slice3A_78 : vector<512x8xf32>
    %reduce_sum3A_84 = arith.constant dense<0.000000e+00> : vector<512xf32>
    %reduce_sum3A_85 = vector.multi_reduction <add>, %mul3A_83, %reduce_sum3A_84 [1] : vector<512x8xf32> to vector<512xf32>
    %broadcast_in_dim3A_86 = vector.shape_cast %reduce_sum3A_85 : vector<512xf32> to vector<512x1xf32>
    %reduce_sum3A_87 = arith.constant dense<0.000000e+00> : vector<8xf32>
    %reduce_sum3A_88 = vector.multi_reduction <add>, %slice3A_78, %reduce_sum3A_87 [0] : vector<512x8xf32> to vector<8xf32>
    %broadcast_in_dim3A_89 = vector.shape_cast %reduce_sum3A_88 : vector<8xf32> to vector<1x8xf32>
    %add3A_90 = arith.addf %add3A_77, %broadcast_in_dim3A_89 : vector<1x8xf32>
    %slice3A_91 = vector.extract_strided_slice %concatenate3A {offsets = [3072, 0], sizes = [512, 8], strides = [1, 1]} : vector<4096x8xf32> to vector<512x8xf32>
    %dot_general3A_92 = arith.constant dense<0.000000e+00> : vector<512x8xf32>
    %dot_general3A_93 = tpu.matmul %convert_element_type3A_16, %slice3A_91, %dot_general3A_92 {dimension_numbers = #tpu.dot_dimension_numbers<[1], [0], [0], [1], [0, 0, 1, 1], [], []>, transpose_lhs_hint = false} : vector<512x512xf32>, vector<512x8xf32>, vector<512x8xf32> -> vector<512x8xf32>
    %add3A_94 = vector.broadcast %add3A_90 : vector<1x8xf32> to vector<512x8xf32>
    %add3A_95 = arith.addf %dot_general3A_93, %add3A_94 : vector<512x8xf32>
    %mul3A_96 = arith.mulf %add3A_95, %slice3A_91 : vector<512x8xf32>
    %reduce_sum3A_97 = arith.constant dense<0.000000e+00> : vector<512xf32>
    %reduce_sum3A_98 = vector.multi_reduction <add>, %mul3A_96, %reduce_sum3A_97 [1] : vector<512x8xf32> to vector<512xf32>
    %broadcast_in_dim3A_99 = vector.shape_cast %reduce_sum3A_98 : vector<512xf32> to vector<512x1xf32>
    %reduce_sum3A_100 = arith.constant dense<0.000000e+00> : vector<8xf32>
    %reduce_sum3A_101 = vector.multi_reduction <add>, %slice3A_91, %reduce_sum3A_100 [0] : vector<512x8xf32> to vector<8xf32>
    %broadcast_in_dim3A_102 = vector.shape_cast %reduce_sum3A_101 : vector<8xf32> to vector<1x8xf32>
    %add3A_103 = arith.addf %add3A_90, %broadcast_in_dim3A_102 : vector<1x8xf32>
    %slice3A_104 = vector.extract_strided_slice %concatenate3A {offsets = [3584, 0], sizes = [512, 8], strides = [1, 1]} : vector<4096x8xf32> to vector<512x8xf32>
    %dot_general3A_105 = arith.constant dense<0.000000e+00> : vector<512x8xf32>
    %dot_general3A_106 = tpu.matmul %convert_element_type3A_16, %slice3A_104, %dot_general3A_105 {dimension_numbers = #tpu.dot_dimension_numbers<[1], [0], [0], [1], [0, 0, 1, 1], [], []>, transpose_lhs_hint = false} : vector<512x512xf32>, vector<512x8xf32>, vector<512x8xf32> -> vector<512x8xf32>
    %add3A_107 = vector.broadcast %add3A_103 : vector<1x8xf32> to vector<512x8xf32>
    %add3A_108 = arith.addf %dot_general3A_106, %add3A_107 : vector<512x8xf32>
    %mul3A_109 = arith.mulf %add3A_108, %slice3A_104 : vector<512x8xf32>
    %reduce_sum3A_110 = arith.constant dense<0.000000e+00> : vector<512xf32>
    %reduce_sum3A_111 = vector.multi_reduction <add>, %mul3A_109, %reduce_sum3A_110 [1] : vector<512x8xf32> to vector<512xf32>
    %broadcast_in_dim3A_112 = vector.shape_cast %reduce_sum3A_111 : vector<512xf32> to vector<512x1xf32>
    %reduce_sum3A_113 = arith.constant dense<0.000000e+00> : vector<8xf32>
    %reduce_sum3A_114 = vector.multi_reduction <add>, %slice3A_104, %reduce_sum3A_113 [0] : vector<512x8xf32> to vector<8xf32>
    %broadcast_in_dim3A_115 = vector.shape_cast %reduce_sum3A_114 : vector<8xf32> to vector<1x8xf32>
    %add3A_116 = arith.addf %add3A_103, %broadcast_in_dim3A_115 : vector<1x8xf32>
    %concatenate3A_117 = tpu.concatenate %broadcast_in_dim3A_21, %broadcast_in_dim3A_34, %broadcast_in_dim3A_47, %broadcast_in_dim3A_60, %broadcast_in_dim3A_73, %broadcast_in_dim3A_86, %broadcast_in_dim3A_99, %broadcast_in_dim3A_112 in 0 : vector<512x1xf32>, vector<512x1xf32>, vector<512x1xf32>, vector<512x1xf32>, vector<512x1xf32>, vector<512x1xf32>, vector<512x1xf32>, vector<512x1xf32> -> vector<4096x1xf32>
    %add3A_118 = arith.constant 1.270000e+02 : f32
    %add3A_119 = vector.broadcast %add3A_118 : f32 to vector<1x8xf32>
    %add3A_120 = arith.addf %add3A_116, %add3A_119 : vector<1x8xf32>
    %div3A = arith.constant 1.280000e+02 : f32
    %div3A_121 = vector.broadcast %div3A : f32 to vector<1x8xf32>
    %div3A_122 = arith.divf %add3A_120, %div3A_121 : vector<1x8xf32>
    %floor3A = math.floor %div3A_122 : vector<1x8xf32>
    %iota3A_123 = tpu.iota {dimensions = array<i32: 0>} : vector<8x8xi32>
    %iota3A_124 = tpu.iota {dimensions = array<i32: 1>} : vector<8x8xi32>
    %le3A = arith.cmpi sle, %iota3A_123, %iota3A_124 : vector<8x8xi32>
    %convert_element_type3A_125 = arith.extui %le3A : vector<8x8xi1> to vector<8x8xi32>
    %convert_element_type3A_126 = arith.sitofp %convert_element_type3A_125 : vector<8x8xi32> to vector<8x8xf32>
    %dot_general3A_127 = arith.constant dense<0.000000e+00> : vector<1x8xf32>
    %dot_general3A_128 = tpu.matmul %floor3A, %convert_element_type3A_126, %dot_general3A_127 {dimension_numbers = #tpu.dot_dimension_numbers<[1], [0], [0], [1], [0, 0, 1, 1], [], []>, transpose_lhs_hint = false} : vector<1x8xf32>, vector<8x8xf32>, vector<1x8xf32> -> vector<1x8xf32>
    %sub3A = arith.subf %dot_general3A_128, %floor3A : vector<1x8xf32>
    %mul3A_129 = arith.constant 1.280000e+02 : f32
    %mul3A_130 = vector.broadcast %mul3A_129 : f32 to vector<1x8xf32>
    %mul3A_131 = arith.mulf %sub3A, %mul3A_130 : vector<1x8xf32>
    %iota3A_132 = tpu.iota {dimensions = array<i32: 0>} : vector<8x8xi32>
    %iota3A_133 = tpu.iota {dimensions = array<i32: 1>} : vector<8x8xi32>
    %eq3A_134 = arith.cmpi eq, %iota3A_132, %iota3A_133 : vector<8x8xi32>
    %convert_element_type3A_135 = arith.extui %eq3A_134 : vector<8x8xi1> to vector<8x8xi32>
    %convert_element_type3A_136 = arith.sitofp %convert_element_type3A_135 : vector<8x8xi32> to vector<8x8xf32>
    %dot_general3A_137 = arith.constant dense<0.000000e+00> : vector<8x1xf32>
    %dot_general3A_138 = tpu.matmul %convert_element_type3A_136, %mul3A_131, %dot_general3A_137 {dimension_numbers = #tpu.dot_dimension_numbers<[1], [1], [0], [0], [0, 0, 1, 0], [], []>, transpose_lhs_hint = false} : vector<8x8xf32>, vector<1x8xf32>, vector<8x1xf32> -> vector<8x1xf32>
    %dot_general3A_139 = arith.constant dense<0.000000e+00> : vector<4096x1xf32>
    %dot_general3A_140 = tpu.matmul %concatenate3A, %dot_general3A_138, %dot_general3A_139 {dimension_numbers = #tpu.dot_dimension_numbers<[1], [0], [0], [1], [0, 0, 1, 1], [], []>, transpose_lhs_hint = false} : vector<4096x8xf32>, vector<8x1xf32>, vector<4096x1xf32> -> vector<4096x1xf32>
    %add3A_141 = arith.addf %dot_general3A_140, %concatenate3A_117 : vector<4096x1xf32>
    %sub3A_142 = arith.constant 1.000000e+00 : f32
    %sub3A_143 = vector.broadcast %sub3A_142 : f32 to vector<4096x1xf32>
    %sub3A_144 = arith.subf %add3A_141, %sub3A_143 : vector<4096x1xf32>
    %convert_element_type3A_145 = arith.fptosi %sub3A_144 : vector<4096x1xf32> to vector<4096x1xi32>
    %swap3A = arith.constant 0 : index
    %swap3A_146 = arith.constant 0 : index
    %swap3A_147 = vector.load %arg2[%swap3A, %swap3A_146] : memref<4096x1xi32, #tpu.memory_space<vmem>>, vector<4096x1xi32>
    tpu.vector_store %arg2[%swap3A, %swap3A_146], %convert_element_type3A_145 {strides = array<i32>} : memref<4096x1xi32, #tpu.memory_space<vmem>>, vector<4096x1xi32>,
    %iota3A_148 = tpu.iota {dimensions = array<i32: 0>} : vector<8x8xi32>
    %iota3A_149 = tpu.iota {dimensions = array<i32: 1>} : vector<8x8xi32>
    %eq3A_150 = arith.cmpi eq, %iota3A_148, %iota3A_149 : vector<8x8xi32>
    %convert_element_type3A_151 = arith.extui %eq3A_150 : vector<8x8xi1> to vector<8x8xi32>
    %convert_element_type3A_152 = arith.sitofp %convert_element_type3A_151 : vector<8x8xi32> to vector<8x8xf32>
    %dot_general3A_153 = arith.constant dense<0.000000e+00> : vector<8x1xf32>
    %dot_general3A_154 = tpu.matmul %convert_element_type3A_152, %dot_general3A_128, %dot_general3A_153 {dimension_numbers = #tpu.dot_dimension_numbers<[1], [1], [0], [0], [0, 0, 1, 0], [], []>, transpose_lhs_hint = false} : vector<8x8xf32>, vector<1x8xf32>, vector<8x1xf32> -> vector<8x1xf32>
    %iota3A_155 = tpu.iota {dimensions = array<i32: 1>} : vector<1x39xi32>
    %convert_element_type3A_156 = arith.sitofp %iota3A_155 : vector<1x39xi32> to vector<1x39xf32>
    %ge3A_157 = vector.broadcast %convert_element_type3A_156 : vector<1x39xf32> to vector<8x39xf32>
    %ge3A_158 = vector.broadcast %dot_general3A_154 : vector<8x1xf32> to vector<8x39xf32>
    %ge3A_159 = arith.cmpf oge, %ge3A_157, %ge3A_158 : vector<8x39xf32>
    %convert_element_type3A_160 = arith.extui %ge3A_159 : vector<8x39xi1> to vector<8x39xi32>
    %convert_element_type3A_161 = arith.sitofp %convert_element_type3A_160 : vector<8x39xi32> to vector<8x39xf32>
    %reduce_sum3A_162 = arith.constant dense<0.000000e+00> : vector<39xf32>
    %reduce_sum3A_163 = vector.multi_reduction <add>, %convert_element_type3A_161, %reduce_sum3A_162 [0] : vector<8x39xf32> to vector<39xf32>
    %broadcast_in_dim3A_164 = vector.shape_cast %reduce_sum3A_163 : vector<39xf32> to vector<1x39xf32>
    %convert_element_type3A_165 = arith.fptosi %broadcast_in_dim3A_164 : vector<1x39xf32> to vector<1x39xi32>
    %swap3A_166 = arith.constant 0 : index
    %swap3A_167 = arith.constant 0 : index
    %swap3A_168 = vector.load %arg3[%swap3A_166, %swap3A_167] : memref<1x39xi32, #tpu.memory_space<vmem>>, vector<1x39xi32>
    tpu.vector_store %arg3[%swap3A_166, %swap3A_167], %convert_element_type3A_165 {strides = array<i32>} : memref<1x39xi32, #tpu.memory_space<vmem>>, vector<1x39xi32>,
    return
  }
  func.func @transform_0(%arg0: i32) -> (i32, i32) {
    %c0_i32 = arith.constant 0 : i32
    %c0_i32_0 = arith.constant 0 : i32
    %c0_i32_1 = arith.constant 0 : i32
    return %c0_i32, %c0_i32_0 : i32, i32
  }
  func.func @transform_1(%arg0: i32) -> (i32, i32) {
    %c0_i32 = arith.constant 0 : i32
    %c0_i32_0 = arith.constant 0 : i32
    %c0_i32_1 = arith.constant 0 : i32
    return %c0_i32, %c0_i32_0 : i32, i32
  }
  func.func @transform_2(%arg0: i32) -> (i32, i32) {
    %c0_i32 = arith.constant 0 : i32
    %c0_i32_0 = arith.constant 0 : i32
    %c0_i32_1 = arith.constant 0 : i32
    return %c0_i32, %c0_i32_0 : i32, i32
  }
}

module attributes {stable_mosaic.version = 14 : i64} {
  func.func @_gmm_body(%arg0: i32, %arg1: i32, %arg2: memref<39xi32, #tpu.memory_space<smem>>, %arg3: memref<128x1024xf32, #tpu.memory_space<vmem>>, %arg4: memref<1x1024x1024xf32, #tpu.memory_space<vmem>>, %arg5: memref<1x1024x1024xf32, #tpu.memory_space<vmem>>, %arg6: memref<1x1024x1024xf32, #tpu.memory_space<vmem>>, %arg7: memref<128x1024xf32, #tpu.memory_space<vmem>>) attributes {dimension_semantics = [#tpu.dimension_semantics<arbitrary>, #tpu.dimension_semantics<arbitrary>], iteration_bounds = array<i64: 39, 2>, scalar_prefetch = 1 : i64, scratch_operands = 0 : i64, tpu.core_type = #tpu.core_type<tc>, window_params = [{transform_indices = @transform_0, window_bounds = array<i64: 128, 1024>}, {transform_indices = @transform_1, window_bounds = array<i64: 1, 1024, 1024>}, {transform_indices = @transform_2, window_bounds = array<i64: 1, 1024, 1024>}, {transform_indices = @transform_3, window_bounds = array<i64: 1, 1024, 1024>}, {transform_indices = @transform_4, window_bounds = array<i64: 128, 1024>}]} {
    %get3A = arith.constant 0 : index
    %get3A_0 = arith.constant 0 : index
    %get3A_1 = vector.load %arg3[%get3A, %get3A_0] : memref<128x1024xf32, #tpu.memory_space<vmem>>, vector<128x1024xf32>
    %get3A_2 = arith.constant 0 : index
    %get3A_3 = arith.constant 0 : index
    %get3A_4 = arith.constant 0 : index
    %get3A_5 = vector.load %arg4[%get3A_2, %get3A_3, %get3A_4] : memref<1x1024x1024xf32, #tpu.memory_space<vmem>>, vector<1x1024x1024xf32>
    %get3A_6 = vector.shape_cast %get3A_5 : vector<1x1024x1024xf32> to vector<1024x1024xf32>
    %dot_general3A = arith.constant dense<0.000000e+00> : vector<128x1024xf32>
    %dot_general3A_7 = tpu.matmul %get3A_1, %get3A_6, %dot_general3A {dimension_numbers = #tpu.dot_dimension_numbers<[1], [0], [0], [1], [0, 0, 1, 1], [], []>, transpose_lhs_hint = false} : vector<128x1024xf32>, vector<1024x1024xf32>, vector<128x1024xf32> -> vector<128x1024xf32>
    %get3A_8 = arith.constant 0 : index
    %get3A_9 = arith.constant 0 : index
    %get3A_10 = arith.constant 0 : index
    %get3A_11 = vector.load %arg5[%get3A_8, %get3A_9, %get3A_10] : memref<1x1024x1024xf32, #tpu.memory_space<vmem>>, vector<1x1024x1024xf32>
    %get3A_12 = vector.shape_cast %get3A_11 : vector<1x1024x1024xf32> to vector<1024x1024xf32>
    %dot_general3A_13 = arith.constant dense<0.000000e+00> : vector<128x1024xf32>
    %dot_general3A_14 = tpu.matmul %get3A_1, %get3A_12, %dot_general3A_13 {dimension_numbers = #tpu.dot_dimension_numbers<[1], [0], [0], [1], [0, 0, 1, 1], [], []>, transpose_lhs_hint = false} : vector<128x1024xf32>, vector<1024x1024xf32>, vector<128x1024xf32> -> vector<128x1024xf32>
    %integer_pow3A = arith.mulf %dot_general3A_7, %dot_general3A_7 : vector<128x1024xf32>
    %integer_pow3A_15 = arith.mulf %dot_general3A_7, %integer_pow3A : vector<128x1024xf32>
    %mul3A = arith.constant 4.471500e-02 : f32
    %mul3A_16 = vector.broadcast %mul3A : f32 to vector<128x1024xf32>
    %mul3A_17 = arith.mulf %mul3A_16, %integer_pow3A_15 : vector<128x1024xf32>
    %add3A = arith.addf %dot_general3A_7, %mul3A_17 : vector<128x1024xf32>
    %mul3A_18 = arith.constant 0.797884583 : f32
    %mul3A_19 = vector.broadcast %mul3A_18 : f32 to vector<128x1024xf32>
    %mul3A_20 = arith.mulf %mul3A_19, %add3A : vector<128x1024xf32>
    %tanh3A = math.tanh %mul3A_20 : vector<128x1024xf32>
    %add3A_21 = arith.constant 1.000000e+00 : f32
    %add3A_22 = vector.broadcast %add3A_21 : f32 to vector<128x1024xf32>
    %add3A_23 = arith.addf %add3A_22, %tanh3A : vector<128x1024xf32>
    %mul3A_24 = arith.constant 5.000000e-01 : f32
    %mul3A_25 = vector.broadcast %mul3A_24 : f32 to vector<128x1024xf32>
    %mul3A_26 = arith.mulf %mul3A_25, %add3A_23 : vector<128x1024xf32>
    %mul3A_27 = arith.mulf %dot_general3A_7, %mul3A_26 : vector<128x1024xf32>
    %mul3A_28 = arith.mulf %mul3A_27, %dot_general3A_14 : vector<128x1024xf32>
    %get3A_29 = arith.constant 0 : index
    %get3A_30 = arith.constant 0 : index
    %get3A_31 = arith.constant 0 : index
    %get3A_32 = vector.load %arg6[%get3A_29, %get3A_30, %get3A_31] : memref<1x1024x1024xf32, #tpu.memory_space<vmem>>, vector<1x1024x1024xf32>
    %get3A_33 = vector.shape_cast %get3A_32 : vector<1x1024x1024xf32> to vector<1024x1024xf32>
    %dot_general3A_34 = arith.constant dense<0.000000e+00> : vector<128x1024xf32>
    %dot_general3A_35 = tpu.matmul %mul3A_28, %get3A_33, %dot_general3A_34 {dimension_numbers = #tpu.dot_dimension_numbers<[1], [0], [0], [1], [0, 0, 1, 1], [], []>, transpose_lhs_hint = false} : vector<128x1024xf32>, vector<1024x1024xf32>, vector<128x1024xf32> -> vector<128x1024xf32>
    %eq3A = arith.constant 0 : i32
    %eq3A_36 = arith.cmpi eq, %arg1, %eq3A : i32
    %convert_element_type3A = arith.extui %eq3A_36 : i1 to i32
    %cond3A = arith.constant 0 : i32
    %cond3A_37 = arith.cmpi ne, %convert_element_type3A, %cond3A : i32
    scf.if %cond3A_37 {
      %swap3A = arith.constant 0 : index
      %swap3A_42 = arith.constant 0 : index
      %swap3A_43 = vector.load %arg7[%swap3A, %swap3A_42] : memref<128x1024xf32, #tpu.memory_space<vmem>>, vector<128x1024xf32>
      tpu.vector_store %arg7[%swap3A, %swap3A_42], %dot_general3A_35 {strides = array<i32>} : memref<128x1024xf32, #tpu.memory_space<vmem>>, vector<128x1024xf32>,
    } else {
    }
    %gt3A = arith.constant 0 : i32
    %gt3A_38 = arith.cmpi sgt, %arg1, %gt3A : i32
    %convert_element_type3A_39 = arith.extui %gt3A_38 : i1 to i32
    %cond3A_40 = arith.constant 0 : i32
    %cond3A_41 = arith.cmpi ne, %convert_element_type3A_39, %cond3A_40 : i32
    scf.if %cond3A_41 {
      %get3A_42 = arith.constant 0 : index
      %get3A_43 = arith.constant 0 : index
      %get3A_44 = vector.load %arg7[%get3A_42, %get3A_43] : memref<128x1024xf32, #tpu.memory_space<vmem>>, vector<128x1024xf32>
      %add3A_45 = arith.addf %get3A_44, %dot_general3A_35 : vector<128x1024xf32>
      %swap3A = arith.constant 0 : index
      %swap3A_46 = arith.constant 0 : index
      %swap3A_47 = vector.load %arg7[%swap3A, %swap3A_46] : memref<128x1024xf32, #tpu.memory_space<vmem>>, vector<128x1024xf32>
      tpu.vector_store %arg7[%swap3A, %swap3A_46], %add3A_45 {strides = array<i32>} : memref<128x1024xf32, #tpu.memory_space<vmem>>, vector<128x1024xf32>,
    } else {
    }
    return
  }
  func.func @transform_0(%arg0: i32, %arg1: i32, %arg2: memref<39xi32, #tpu.memory_space<smem>>) -> (i32, i32) {
    %c0_i32 = arith.constant 0 : i32
    %c0_i32_0 = arith.constant 0 : i32
    return %arg0, %c0_i32 : i32, i32
  }
  func.func @transform_1(%arg0: i32, %arg1: i32, %arg2: memref<39xi32, #tpu.memory_space<smem>>) -> (i32, i32, i32) {
    %get3A = arith.index_cast %arg0 : i32 to index
    %get3A_0 = memref.load %arg2[%get3A] : memref<39xi32, #tpu.memory_space<smem>>
    %c0_i32 = arith.constant 0 : i32
    %c0_i32_1 = arith.constant 0 : i32
    return %get3A_0, %c0_i32, %arg1 : i32, i32, i32
  }
  func.func @transform_2(%arg0: i32, %arg1: i32, %arg2: memref<39xi32, #tpu.memory_space<smem>>) -> (i32, i32, i32) {
    %get3A = arith.index_cast %arg0 : i32 to index
    %get3A_0 = memref.load %arg2[%get3A] : memref<39xi32, #tpu.memory_space<smem>>
    %add3A = arith.constant 2 : i32
    %add3A_1 = arith.addi %arg1, %add3A : i32
    %c0_i32 = arith.constant 0 : i32
    %c0_i32_2 = arith.constant 0 : i32
    return %get3A_0, %c0_i32, %add3A_1 : i32, i32, i32
  }
  func.func @transform_3(%arg0: i32, %arg1: i32, %arg2: memref<39xi32, #tpu.memory_space<smem>>) -> (i32, i32, i32) {
    %get3A = arith.index_cast %arg0 : i32 to index
    %get3A_0 = memref.load %arg2[%get3A] : memref<39xi32, #tpu.memory_space<smem>>
    %c0_i32 = arith.constant 0 : i32
    %c0_i32_1 = arith.constant 0 : i32
    return %get3A_0, %arg1, %c0_i32 : i32, i32, i32
  }
  func.func @transform_4(%arg0: i32, %arg1: i32, %arg2: memref<39xi32, #tpu.memory_space<smem>>) -> (i32, i32) {
    %c0_i32 = arith.constant 0 : i32
    %c0_i32_0 = arith.constant 0 : i32
    return %arg0, %c0_i32 : i32, i32
  }
}

module attributes {stable_mosaic.version = 14 : i64} {
  func.func @_k5_body(%arg0: i32, %arg1: memref<256x1024xf32, #tpu.memory_space<vmem>>, %arg2: memref<256x1024xf32, #tpu.memory_space<vmem>>, %arg3: memref<256x1024xf32, #tpu.memory_space<vmem>>, %arg4: memref<256x2xf32, #tpu.memory_space<vmem>>, %arg5: memref<1x1024xf32, #tpu.memory_space<vmem>>, %arg6: memref<256x1024xf32, #tpu.memory_space<vmem>>) attributes {dimension_semantics = [#tpu.dimension_semantics<arbitrary>], iteration_bounds = array<i64: 8>, scalar_prefetch = 0 : i64, scratch_operands = 0 : i64, tpu.core_type = #tpu.core_type<tc>, window_params = [{transform_indices = @transform_0, window_bounds = array<i64: 256, 1024>}, {transform_indices = @transform_1, window_bounds = array<i64: 256, 1024>}, {transform_indices = @transform_2, window_bounds = array<i64: 256, 1024>}, {transform_indices = @transform_3, window_bounds = array<i64: 256, 2>}, {pipeline_mode = #tpu.pipeline_mode<synchronous>, transform_indices = @transform_4, window_bounds = array<i64: 1, 1024>}, {transform_indices = @transform_5, window_bounds = array<i64: 256, 1024>}]} {
    %get3A = arith.constant 0 : index
    %get3A_0 = arith.constant 0 : index
    %get3A_1 = vector.load %arg4[%get3A, %get3A_0] : memref<256x2xf32, #tpu.memory_space<vmem>>, vector<256x1xf32>
    %get3A_2 = arith.constant 0 : index
    %get3A_3 = arith.constant 1 : index
    %get3A_4 = vector.load %arg4[%get3A_2, %get3A_3] : memref<256x2xf32, #tpu.memory_space<vmem>>, vector<256x1xf32>
    %get3A_5 = arith.constant 0 : index
    %get3A_6 = arith.constant 0 : index
    %get3A_7 = vector.load %arg2[%get3A_5, %get3A_6] : memref<256x1024xf32, #tpu.memory_space<vmem>>, vector<256x1024xf32>
    %mul3A = vector.broadcast %get3A_1 : vector<256x1xf32> to vector<256x1024xf32>
    %mul3A_8 = arith.mulf %mul3A, %get3A_7 : vector<256x1024xf32>
    %get3A_9 = arith.constant 0 : index
    %get3A_10 = arith.constant 0 : index
    %get3A_11 = vector.load %arg3[%get3A_9, %get3A_10] : memref<256x1024xf32, #tpu.memory_space<vmem>>, vector<256x1024xf32>
    %mul3A_12 = vector.broadcast %get3A_4 : vector<256x1xf32> to vector<256x1024xf32>
    %mul3A_13 = arith.mulf %mul3A_12, %get3A_11 : vector<256x1024xf32>
    %add3A = arith.addf %mul3A_8, %mul3A_13 : vector<256x1024xf32>
    %get3A_14 = arith.constant 0 : index
    %get3A_15 = arith.constant 0 : index
    %get3A_16 = vector.load %arg1[%get3A_14, %get3A_15] : memref<256x1024xf32, #tpu.memory_space<vmem>>, vector<256x1024xf32>
    %get3A_17 = arith.constant 0 : index
    %get3A_18 = arith.constant 0 : index
    %get3A_19 = vector.load %arg5[%get3A_17, %get3A_18] : memref<1x1024xf32, #tpu.memory_space<vmem>>, vector<1x1024xf32>
    %square3A = arith.mulf %add3A, %add3A : vector<256x1024xf32>
    %reduce_sum3A = arith.constant dense<0.000000e+00> : vector<256xf32>
    %reduce_sum3A_20 = vector.multi_reduction <add>, %square3A, %reduce_sum3A [1] : vector<256x1024xf32> to vector<256xf32>
    %broadcast_in_dim3A = vector.shape_cast %reduce_sum3A_20 : vector<256xf32> to vector<256x1xf32>
    %div3A = arith.constant 1.024000e+03 : f32
    %div3A_21 = vector.broadcast %div3A : f32 to vector<256x1xf32>
    %div3A_22 = arith.divf %broadcast_in_dim3A, %div3A_21 : vector<256x1xf32>
    %add3A_23 = arith.constant 9.99999974E-6 : f32
    %add3A_24 = vector.broadcast %add3A_23 : f32 to vector<256x1xf32>
    %add3A_25 = arith.addf %div3A_22, %add3A_24 : vector<256x1xf32>
    %rsqrt3A = math.rsqrt %add3A_25 : vector<256x1xf32>
    %mul3A_26 = vector.broadcast %rsqrt3A : vector<256x1xf32> to vector<256x1024xf32>
    %mul3A_27 = arith.mulf %add3A, %mul3A_26 : vector<256x1024xf32>
    %mul3A_28 = vector.broadcast %get3A_19 : vector<1x1024xf32> to vector<256x1024xf32>
    %mul3A_29 = arith.mulf %mul3A_27, %mul3A_28 : vector<256x1024xf32>
    %add3A_30 = arith.addf %get3A_16, %mul3A_29 : vector<256x1024xf32>
    %swap3A = arith.constant 0 : index
    %swap3A_31 = arith.constant 0 : index
    %swap3A_32 = vector.load %arg6[%swap3A, %swap3A_31] : memref<256x1024xf32, #tpu.memory_space<vmem>>, vector<256x1024xf32>
    tpu.vector_store %arg6[%swap3A, %swap3A_31], %add3A_30 {strides = array<i32>} : memref<256x1024xf32, #tpu.memory_space<vmem>>, vector<256x1024xf32>,
    return
  }
  func.func @transform_0(%arg0: i32) -> (i32, i32) {
    %c0_i32 = arith.constant 0 : i32
    %c0_i32_0 = arith.constant 0 : i32
    return %arg0, %c0_i32 : i32, i32
  }
  func.func @transform_1(%arg0: i32) -> (i32, i32) {
    %c0_i32 = arith.constant 0 : i32
    %c0_i32_0 = arith.constant 0 : i32
    return %arg0, %c0_i32 : i32, i32
  }
  func.func @transform_2(%arg0: i32) -> (i32, i32) {
    %c0_i32 = arith.constant 0 : i32
    %c0_i32_0 = arith.constant 0 : i32
    return %arg0, %c0_i32 : i32, i32
  }
  func.func @transform_3(%arg0: i32) -> (i32, i32) {
    %c0_i32 = arith.constant 0 : i32
    %c0_i32_0 = arith.constant 0 : i32
    return %arg0, %c0_i32 : i32, i32
  }
  func.func @transform_4(%arg0: i32) -> (i32, i32) {
    %c0_i32 = arith.constant 0 : i32
    %c0_i32_0 = arith.constant 0 : i32
    %c0_i32_1 = arith.constant 0 : i32
    return %c0_i32, %c0_i32_0 : i32, i32
  }
  func.func @transform_5(%arg0: i32) -> (i32, i32) {
    %c0_i32 = arith.constant 0 : i32
    %c0_i32_0 = arith.constant 0 : i32
    return %arg0, %c0_i32 : i32, i32
  }
}

</mosaic_0001>

<sc_bundles>
// kernel: kernel.10.cloned.1.call-start
scs
__scs_entry_jumppad:
0x0: {  	(pc) =	sbr.rel $0x88, $3  }
0x1: {  	(tag) =	ssettag $0x0;
	lr =	simm.s32 $0x1  }
0x2: {  	[smem:$0x3F96] =	sst lr;
	_ =	strace $0xD0000000  }
0x3: {  	_ = 	snop  }
0x4: {  	_ = 	snop  }
0x5: {  	_ = 	snop  }
0x6: {  	_ = 	snop  }
0x7: {  	_ = 	snop  }
__scs_overlays_trampoline_lowered:
0x8: {  	[smem:$0x3FA5] =	sst s0  }
0x9: {  	[smem:$0x3FA6] =	sst s1  }
0xa: {  	[smem:$0x3FA7] =	sst s2  }
0xb: {  	[smem:$0x3FA8] =	sst s3  }
0xc: {  	[smem:$0x3FA9] =	sst s4  }
0xd: {  	[smem:$0x3FAA] =	sst s5  }
0xe: {  	[smem:$0x3FAB] =	sst s6  }
0xf: {  	[smem:$0x3FAC] =	sst s7  }
0x10: {  	[smem:$0x3FAD] =	sst s8  }
0x11: {  	[smem:$0x3FAE] =	sst s9;
	s0 =	simm.s32 @!p0 $0x0  }
0x12: {  	s1 =	sld [smem:$0x3F94];
	s0 =	simm.s32 @p0 $0x1  }
0x13: {  	[smem:$0x3FAF] =	sst s0;
	s0 =	simm.s32 @!p1 $0x0  }
0x14: {  	s2 =	sld [smem:$0x3F93];
	s0 =	simm.s32 @p1 $0x1  }
0x15: {  	[smem:$0x3FB0] =	sst s0;
	s0 =	simm.s32 @!p2 $0x0  }
0x16: {  	s3 =	sld [smem:$0x3FDB];
	s0 =	simm.s32 @p2 $0x1  }
0x17: {  	s4 =	simm.s32 $0x1BF5;
	[smem:$0x3FB2] =	sst s0  }
0x18: {  	s0 =	sld [smem:$0x3F95];
	_ =	swait.ge [sflag:s4], $0x0  }
0x19: {  	s7 =	sld [smem:$0x3F96]  }
0x1a: {  	s8 =	sadd.s32 $0xFFFFE003, lr  }
0x1b: {  	s9 =	sadd.s32 $0xFFFFFEF7, lr;
	s5 =	simm.s32 $0xFFFFFFFF;
	p2 =	slt.u32 s8, $0xFFFFF086  }
0x1c: {  	p1 =	slt.u32 s9, $0xF7A;
	s5 =	simm.s32 @!p2 $0x0  }
0x1d: {  	s5 =	simm.s32 @p1 $0x1;
	p0 =	seq.s32 s7, s2  }
0x1e: {  	s7 =	smul.u32 @!p0 $0xF7A, s2;
	p2 =	seq.s32 @!p0 s5, $0x0  }
0x1f: {  	s9 =	smul.u32 $0xF7A, s1;
	s8 =	simm.s32 @!p0 $0x1BF5;
	p2 =	por !p2, p0  }
0x20: {  	[sflag:s8] =	ssyncset.s32 @!p0 $0xFFFFF086;
	s6 =	sadd.s32 @!p0 s3, s7;
	s7 =	simm.s32 @!p0 $0x108  }
0x21: {  	s3 =	sadd.s32 s3, s9;
	s6 =	sadd.s32 @!p0 $0x88, s6;
	s7 =	simm.s32 @p2 $0x1082  }
0x22: {  	[simem:s7], [sflag:s8] =	dma.local @!p0 [hbm:s6], $0xF7A  }
0x23: {  	s9 =	sor.u32 $0xD0000000, s2;
	s6 =	simm.s32 $0x108;
	_ =	swait.ge @!p0 [sflag:s8], $0x0  }
0x24: {  	s3 =	sadd.s32 $0x88, s3;
	s6 =	simm.s32 @!p1 $0x1082;
	[sflag:s4] =	ssyncset.s32 $0xFFFFF086  }
0x25: {  	[simem:s6], [sflag:s4] =	dma.local [hbm:s3], $0xF7A  }
0x26: {  	[smem:$0x3F96] =	sst s1;
	(tag) =	ssettag s2;
	_ =	strace s9  }
0x27: {  	s1 =	sld [smem:$0x3FA6]  }
0x28: {  	s2 =	sld [smem:$0x3FA7]  }
0x29: {  	s4 =	sld [smem:$0x3FA9]  }
0x2a: {  	p0 =	seq.s32 s5, $0x0;
	s5 =	sld [smem:$0x3FAA]  }
0x2b: {  	s6 =	sld [smem:$0x3FAB]  }
0x2c: {  	s7 =	sld [smem:$0x3FAC]  }
0x2d: {  	s3 =	simm.s32 $0x108;
	s8 =	sld [smem:$0x3FAD]  }
0x2e: {  	s3 =	simm.s32 @!p0 $0x1082;
	s9 =	sld [smem:$0x3FAE]  }
0x2f: {  	lr =	sadd.s32 s0, s3;
	s0 =	sld [smem:$0x3FA5]  }
0x30: {  	s3 =	sld [smem:$0x3FA8]  }
0x31: {  	[smem:$0x3FB1] =	sst s10  }
0x32: {  	s10 =	sld [smem:$0x3FAF];
	_ =	sdelay $0x3  }
0x33: {  	p0 =	seq.s32 s10, $0x1;
	s10 =	sld [smem:$0x3FB1];
	_ =	sdelay $0x3  }
0x34: {  	[smem:$0x3FB1] =	sst s10  }
0x35: {  	s10 =	sld [smem:$0x3FB0];
	_ =	sdelay $0x3  }
0x36: {  	p1 =	seq.s32 s10, $0x1;
	s10 =	sld [smem:$0x3FB1];
	_ =	sdelay $0x3  }
0x37: {  	[smem:$0x3FB1] =	sst s10  }
0x38: {  	s10 =	sld [smem:$0x3FB2]  }
0x39: {  	_ = 	snop;
	(pc) =	sbr.ind lr, $3  }
0x3a: {  	_ = 	snop  }
0x3b: {  	_ = 	snop  }
0x3c: {  	p2 =	seq.s32 s10, $0x1;
	s10 =	sld [smem:$0x3FB1]  }
0x3d: {  	_ =	shalt  }
0x3e: {  	_ =	shalt  }
0x3f: {  	_ =	shalt  }
0x40: {  	_ =	shalt  }
0x41: {  	_ =	shalt  }
0x42: {  	_ =	shalt  }
0x43: {  	_ =	shalt  }
0x44: {  	_ =	shalt  }
0x45: {  	_ =	shalt  }
0x46: {  	_ =	shalt  }
0x47: {  	_ =	shalt  }
0x48: {  	_ =	shalt  }
0x49: {  	_ =	shalt  }
0x4a: {  	_ =	shalt  }
0x4b: {  	_ =	shalt  }
0x4c: {  	_ =	shalt  }
0x4d: {  	_ =	shalt  }
0x4e: {  	_ =	shalt  }
0x4f: {  	_ =	shalt  }
0x50: {  	_ =	shalt  }
0x51: {  	_ =	shalt  }
0x52: {  	_ =	shalt  }
0x53: {  	_ =	shalt  }
0x54: {  	_ =	shalt  }
0x55: {  	_ =	shalt  }
0x56: {  	_ =	shalt  }
0x57: {  	_ =	shalt  }
0x58: {  	_ =	shalt  }
0x59: {  	_ =	shalt  }
0x5a: {  	_ =	shalt  }
0x5b: {  	_ =	shalt  }
0x5c: {  	_ =	shalt  }
0x5d: {  	_ =	shalt  }
0x5e: {  	_ =	shalt  }
0x5f: {  	_ =	shalt  }
0x60: {  	_ =	shalt  }
0x61: {  	_ =	shalt  }
0x62: {  	_ =	shalt  }
0x63: {  	_ =	shalt  }
0x64: {  	_ =	shalt  }
0x65: {  	_ =	shalt  }
0x66: {  	_ =	shalt  }
0x67: {  	_ =	shalt  }
0x68: {  	_ =	shalt  }
0x69: {  	_ =	shalt  }
0x6a: {  	_ =	shalt  }
0x6b: {  	_ =	shalt  }
0x6c: {  	_ =	shalt  }
0x6d: {  	_ =	shalt  }
0x6e: {  	_ =	shalt  }
0x6f: {  	_ =	shalt  }
0x70: {  	_ =	shalt  }
0x71: {  	_ =	shalt  }
0x72: {  	_ =	shalt  }
0x73: {  	_ =	shalt  }
0x74: {  	_ =	shalt  }
0x75: {  	_ =	shalt  }
0x76: {  	_ =	shalt  }
0x77: {  	_ =	shalt  }
0x78: {  	_ =	shalt  }
0x79: {  	_ =	shalt  }
0x7a: {  	_ =	shalt  }
0x7b: {  	_ =	shalt  }
0x7c: {  	_ =	shalt  }
0x7d: {  	_ =	shalt  }
0x7e: {  	_ =	shalt  }
0x7f: {  	_ =	shalt  }
0x80: {  	_ =	shalt  }
0x81: {  	_ =	shalt  }
0x82: {  	_ =	shalt  }
0x83: {  	_ =	shalt  }
0x84: {  	_ =	shalt  }
0x85: {  	_ =	shalt  }
0x86: {  	_ =	shalt  }
0x87: {  	_ =	shalt  }
.Lfunc_end0:
.L_simem_size_0:
called_computation_lowered:
.L_overlay_start_0:
0x88: {  	s2 =	sld [smem:$0x3FD9]  }
0x89: {  	s3 =	sld [smem:$0x3FFE];
	_ =	sdelay $0x1  }
0x8a: {  	s1 =	srdreg.scid  }
0x8b: {  	s0 =	sand.u32 $0x1, s1  }
0x8c: {  	s16 =	sshll.u32 s0, $0xA;
	s2 =	sadd.s32 s3, s2  }
0x8d: {  	s2 =	sadd.s32 s2, s16  }
0x8e: {  	[smem:$0x3FBD] =	sst s2  }
0x8f: {  	_ = 	snop  }
0x90: {  	(tm) =	ssettm $0x1  }
0x91: {  	s17 =	sld [smem:$0x3FFB];
	_ =	sdelay $0x3  }
0x92: {  	_ =	strace s17  }
0x93: {  	s2 =	sld [smem:$0x3FFC];
	_ =	sdelay $0x3  }
0x94: {  	_ =	strace s2  }
0x95: {  	s2 =	sld [smem:$0x3FFD];
	_ =	sdelay $0x3  }
0x96: {  	_ =	strace s2  }
0x97: {  	_ =	strace $0x8FFFFFFF  }
0x98: {  	s18 =	sld [smem:$0x3FDB];
	_ =	sdelay $0x1  }
0x99: {  	s19 =	simm.s32 $_scs_section_size  }
0x9a: {  	s4 =	simm.s32 $_size__tile_overlayer_lowered;
	s5 =	simm.s32 $_tile_overlayer_lowered  }
0x9b: {  	s22 =	simm.s32 $0x1BFF;
	s21 =	sshll.u32 s5, $0x1;
	s2 =	sadd.s32 s19, s18  }
0x9c: {  	s6 =	simm.s32 $0x0;
	s20 =	sshll.u32 s4, $0x1;
	s4 =	sadd.s32 s21, s2  }
0x9d: {  	[timem:s6], [sflag:s22] =	dma.local [hbm:s4], s20  }
0x9e: {  	_ =	swait.ge [sflag:s22], s20  }
0x9f: {  	s3 =	ssub.s32 $0x0, s20;
	[sflag:s22] =	ssyncset.done $0x0  }
0xa0: {  	[sflag:s22] =	ssyncadd.s32 s3;
	_ =	sdelay $0x1  }
0xa1: {  	s23 =	simm.s32 $0x1B8B  }
0xa2: {  	_ =	swait.ge [sflag:s23], $0x1  }
0xa3: {  	[sflag:s23] =	ssyncset.done $0x0  }
0xa4: {  	s25 =	simm.s32 $0x1B8E;
	s24 =	sld [smem:$0x3FFE];
	[sflag:s23] =	ssyncadd.s32 $0xFFFFFFFF  }
0xa5: {  	s26 =	simm.s32 $execute0_lowered;
	[smem:$0x3FD2] =	sst s25  }
0xa6: {  	s4 =	sshll.u32 s26, $0x1;
	_ =	strace $0x80000046;
	[dreg:$0x1] =	wrdreg $0xFFFFFFFF  }
0xa7: {  	s28 =	simm.s32 $_size_execute0_lowered;
	s2 =	sadd.s32 s2, s4;
	[dreg:$0x0] =	wrdreg $0x0  }
0xa8: {  	s4 =	sshll.u32 s28, $0x1;
	[dreg:$0x2] =	wrdreg s2  }
0xa9: {  	[dreg:$0x3] =	wrdreg s4  }
0xaa: {  	[dreg:$0x4] =	wrdreg $0xC0  }
0xab: {  	_ =	task [dreg:s6], $0x5FFFF  }
0xac: {  	[dreg:$0x1] =	wrdreg $0xFFFFFFFF  }
0xad: {  	[dreg:$0x0] =	wrdreg $0x60  }
0xae: {  	[dreg:$0x2] =	wrdreg s24  }
0xaf: {  	[dreg:$0x3] =	wrdreg $0x9  }
0xb0: {  	_ =	task.clear_ibuf [dreg:s6], $0x4FFFF;
	_ =	strace $0x90000046  }
0xb1: {  	s29 =	simm.s32 $0x9;
	_ =	strace $0x80000048  }
0xb2: {  	_ =	swait.ge [sflag:s29], $0x1  }
0xb3: {  	[sflag:s29] =	ssyncadd.s32 $0xFFFFFFFF  }
0xb4: {  	_ =	strace $0x90000048  }
0xb5: {  	_ =	sfence  }
0xb6: {  	s30 =	sld [smem:$0x0];
	_ =	sdelay $0x2  }
0xb7: {  	s31 =	sshll.u32 s1, $0xD;
	s1 =	sshrl.u32 s1, $0x2  }
0xb8: {  	s3 =	sand.u32 $0x4000, s31;
	s1 =	sadd.s32 s1, s30  }
0xb9: {  	s0 =	sor.u32 s3, s0;
	s1 =	sshll.u32 s1, $0x11  }
0xba: {  	s0 =	sor.u32 s1, s0  }
0xbb: {  	s0 =	sadd.s32 $0x8F2B, s0  }
0xbc: {  	[sflag:s0] =	ssyncadd.remote.s32 $0x1  }
0xbd: {  	_ =	sfence.sel $0xFFFF  }
0xbe: {  	[dreg:$0x0] =	wrdreg $0xFFFFFFFF;
	(pc) =	sbr.abs _section_cstart, $3  }
0xbf: {  	[dreg:$0x1] =	wrdreg $0xFFFFFFFF  }
0xc0: {  	_ =	task.clear_ibuf [dreg:s6], $0x2FFFF;
	_ =	strace $0x9FFFFFFF  }
0xc1: {  	(tm) =	ssettm $0x7FFFFFFF  }
tec
execute0_lowered:
.L_overlay_start_1:
0x0: {  	(tag) =	ssettag $0x1  }
0x1: {  	s8 =	rddreg [dreg:$0x0]  }
0x2: {  	s0 =	rddreg [dreg:$0x1];
	s3 =	srdreg.scid  }
0x3: {  	s1 =	stileid.u32;
	s2 =	simm.s32 $0x0;
	s13 =	simm.s32 $0x2  }
0x4: {  	s14 =	simm.s32 $0x200;
	s15 =	simm.s32 $0xA00;
	s16 =	simm.s32 $0x1200  }
0x5: {  	s17 =	simm.s32 $0x1A00;
	s18 =	simm.s32 $0x2200;
	s19 =	simm.s32 $0x2A00  }
0x6: {  	s20 =	simm.s32 $0x3200;
	s21 =	simm.s32 $0x3A00;
	s22 =	simm.s32 $0x4200  }
0x7: {  	s23 =	simm.s32 $0x4A00;
	s24 =	simm.s32 $0x5200;
	s25 =	simm.s32 $0x5A00  }
0x8: {  	s28 =	simm.s32 $0x6A00;
	s29 =	simm.s32 $0x7200;
	s30 =	simm.s32 $0x7A00  }
0x9: {  	s3 =	sand.u32 $0x1, s3;
	s4 =	sshll.u32 s1, $0x1;
	[smem:$0x7FF] =	sst s2  }
0xa: {  	s31 =	simm.s32 $0x1;
	s4 =	sor.u32 s3, s4;
	_ =	strace $0x80000047  }
0xb: {  	s6 =	ssub.s32 $0x2, s3;
	s3 =	sadd.s32 $0x41000, s8;
	s5 =	sshll.u32 s4, $0x6  }
0xc: {  	s7 =	sshrl.u32 s6, $0x1;
	s4 =	sshll.u32 s4, $0xE;
	s5 =	sadd.s32 s5, s8  }
0xd: {  	s12 =	ssub.s32 s6, s7;
	s26 =	sand.u32 $0x3C000, s4;
	s6 =	sadd.s32 $0x41100, s8  }
0xe: {  	v2 =	vlaneseq.u32;
	s7 =	sadd.s32 $0x41200, s8;
	s4 =	sadd.s32 $0x40800, s5;
	s5 =	sadd.s32 s8, s26  }
0xf: {  	vm0 =	vmmov $0xffff;
	v1 =	vshrl.u32 v2, $0x3;
	s8 =	sadd.s32 $0x41300, s8;
	s12 =	smax.u32 s12, $0x1;
	s26 =	simm.s32 $0x6200  }
0x10: {  	v0 =	vand.u32 $0x7, v2;
	v2 =	vor.u32 $0x8, v2;
	v1 =	vmul.u32 $0x8, v1;
	s9 =	sadd.s32 $0x1000, s5;
	s10 =	sadd.s32 $0x2000, s5;
	s11 =	sadd.s32 $0x3000, s5  }
.LBB2_1:
0x11: {  	[tilespmem:s2], [sflag:$0x2] =	stream.linear.gather [hbm4b:s4+s2], $0x200, $0x38;
	[tilespmem:$0x8200] =	vst v63  }
0x12: {  	_ =	swait.ge [sflag:s13], $0x200  }
0x13: {  	[sflag:s13] =	ssyncset.done $0x0  }
0x14: {  	[sflag:s13] =	ssyncadd.s32 $0xFFFFFE00  }
0x15: {  	[tilespmem:s14], [sflag:$0x2] =	stream.linear.gather [hbm4b:s5+s2], $0x8000, $0x38;
	[tilespmem:$0x8200] =	vst v63  }
0x16: {  	_ =	swait.ge [sflag:s13], $0x8000  }
0x17: {  	[sflag:s13] =	ssyncset.done $0x0  }
0x18: {  	[sflag:s13] =	ssyncadd.s32 $0xFFFF8000  }
0x19: {  	v3 =	vld [tilespmem:$0x0];
	_ =	sdelay $0x4  }
0x1a: {  	v4 =	vshll.u32 v3, $0x3  }
0x1b: {  	v3 =	vand.u32 $0x7, v3;
	v4 =	vand.u32 $0xFFFFFFC0, v4  }
0x1c: {  	v3 =	vor.u32 v3, v4  }
0x1d: {  	v4 =	vperm.xlane v3, v0;
	_ =	sdelay $0x1  }
0x1e: {  	v4 =	vadd.s32 v1, v4;
	_ =	sdelay $0x4  }
0x1f: {  	[hbm4b:s3+s2] =	stream.indirect_vreg.scatter [tilespmem:s14], [sflag:$0x1], $0x80, v4, vm0, $0xb8;
	[tilespmem:$0x8200] =	vst v63  }
0x20: {  	v3 =	vperm.xlane v3, v2  }
0x21: {  	[hbm4b:s6+s2] =	stream.indirect_vreg.scatter [tilespmem:s15], [sflag:$0x1], $0x80, v4, vm0, $0xb8;
	[tilespmem:$0x8200] =	vst v63  }
0x22: {  	v3 =	vadd.s32 v1, v3  }
0x23: {  	[hbm4b:s7+s2] =	stream.indirect_vreg.scatter [tilespmem:s16], [sflag:$0x1], $0x80, v4, vm0, $0xb8;
	[tilespmem:$0x8200] =	vst v63  }
0x24: {  	_ = 	snop  }
0x25: {  	[hbm4b:s8+s2] =	stream.indirect_vreg.scatter [tilespmem:s17], [sflag:$0x1], $0x80, v4, vm0, $0xb8;
	[tilespmem:$0x8200] =	vst v63  }
0x26: {  	_ = 	snop  }
0x27: {  	[hbm4b:s3+s2] =	stream.indirect_vreg.scatter [tilespmem:s18], [sflag:$0x1], $0x80, v3, vm0, $0xb8;
	[tilespmem:$0x8200] =	vst v63  }
0x28: {  	_ = 	snop  }
0x29: {  	[hbm4b:s6+s2] =	stream.indirect_vreg.scatter [tilespmem:s19], [sflag:$0x1], $0x80, v3, vm0, $0xb8;
	[tilespmem:$0x8200] =	vst v63  }
0x2a: {  	_ = 	snop  }
0x2b: {  	[hbm4b:s7+s2] =	stream.indirect_vreg.scatter [tilespmem:s20], [sflag:$0x1], $0x80, v3, vm0, $0xb8;
	[tilespmem:$0x8200] =	vst v63  }
0x2c: {  	_ = 	snop  }
0x2d: {  	[hbm4b:s8+s2] =	stream.indirect_vreg.scatter [tilespmem:s21], [sflag:$0x1], $0x80, v3, vm0, $0xb8;
	[tilespmem:$0x8200] =	vst v63  }
0x2e: {  	v3 =	vld [tilespmem:$0x10];
	_ =	sdelay $0x4  }
0x2f: {  	v57 =	vshll.u32 v3, $0x3  }
0x30: {  	v3 =	vand.u32 $0x7, v3;
	v4 =	vand.u32 $0xFFFFFFC0, v57  }
0x31: {  	v3 =	vor.u32 v3, v4  }
0x32: {  	v4 =	vperm.xlane v3, v0;
	_ =	sdelay $0x1  }
0x33: {  	v4 =	vadd.s32 v1, v4;
	_ =	sdelay $0x4  }
0x34: {  	[hbm4b:s3+s2] =	stream.indirect_vreg.scatter [tilespmem:s22], [sflag:$0x1], $0x80, v4, vm0, $0xb8;
	[tilespmem:$0x8200] =	vst v63  }
0x35: {  	v3 =	vperm.xlane v3, v2  }
0x36: {  	[hbm4b:s6+s2] =	stream.indirect_vreg.scatter [tilespmem:s23], [sflag:$0x1], $0x80, v4, vm0, $0xb8;
	[tilespmem:$0x8200] =	vst v63  }
0x37: {  	v3 =	vadd.s32 v1, v3  }
0x38: {  	[hbm4b:s7+s2] =	stream.indirect_vreg.scatter [tilespmem:s24], [sflag:$0x1], $0x80, v4, vm0, $0xb8;
	[tilespmem:$0x8200] =	vst v63  }
0x39: {  	_ = 	snop  }
0x3a: {  	[hbm4b:s8+s2] =	stream.indirect_vreg.scatter [tilespmem:s25], [sflag:$0x1], $0x80, v4, vm0, $0xb8;
	[tilespmem:$0x8200] =	vst v63  }
0x3b: {  	_ = 	snop  }
0x3c: {  	[hbm4b:s3+s2] =	stream.indirect_vreg.scatter [tilespmem:s26], [sflag:$0x1], $0x80, v3, vm0, $0xb8;
	[tilespmem:$0x8200] =	vst v63  }
0x3d: {  	_ = 	snop  }
0x3e: {  	[hbm4b:s6+s2] =	stream.indirect_vreg.scatter [tilespmem:s28], [sflag:$0x1], $0x80, v3, vm0, $0xb8;
	[tilespmem:$0x8200] =	vst v63  }
0x3f: {  	_ = 	snop  }
0x40: {  	[hbm4b:s7+s2] =	stream.indirect_vreg.scatter [tilespmem:s29], [sflag:$0x1], $0x80, v3, vm0, $0xb8;
	[tilespmem:$0x8200] =	vst v63  }
0x41: {  	_ = 	snop  }
0x42: {  	[hbm4b:s8+s2] =	stream.indirect_vreg.scatter [tilespmem:s30], [sflag:$0x1], $0x80, v3, vm0, $0xb8;
	[tilespmem:$0x8200] =	vst v63  }
0x43: {  	_ =	swait.ge [sflag:s31], $0x8000  }
0x44: {  	[sflag:s31] =	ssyncset.done $0x0  }
0x45: {  	[sflag:s31] =	ssyncadd.s32 $0xFFFF8000  }
0x46: {  	[tilespmem:s14], [sflag:$0x2] =	stream.linear.gather [hbm4b:s9+s2], $0x8000, $0x38;
	[tilespmem:$0x8200] =	vst v63  }
0x47: {  	_ =	swait.ge [sflag:s13], $0x8000  }
0x48: {  	[sflag:s13] =	ssyncset.done $0x0  }
0x49: {  	[sflag:s13] =	ssyncadd.s32 $0xFFFF8000  }
0x4a: {  	v3 =	vld [tilespmem:$0x80];
	_ =	sdelay $0x4  }
0x4b: {  	v58 =	vshll.u32 v3, $0x3  }
0x4c: {  	v3 =	vand.u32 $0x7, v3;
	v4 =	vand.u32 $0xFFFFFFC0, v58  }
0x4d: {  	v3 =	vor.u32 v3, v4  }
0x4e: {  	v4 =	vperm.xlane v3, v0;
	_ =	sdelay $0x1  }
0x4f: {  	v4 =	vadd.s32 v1, v4;
	_ =	sdelay $0x4  }
0x50: {  	[hbm4b:s3+s2] =	stream.indirect_vreg.scatter [tilespmem:s14], [sflag:$0x1], $0x80, v4, vm0, $0xb8;
	[tilespmem:$0x8200] =	vst v63  }
0x51: {  	v3 =	vperm.xlane v3, v2  }
0x52: {  	[hbm4b:s6+s2] =	stream.indirect_vreg.scatter [tilespmem:s15], [sflag:$0x1], $0x80, v4, vm0, $0xb8;
	[tilespmem:$0x8200] =	vst v63  }
0x53: {  	v3 =	vadd.s32 v1, v3  }
0x54: {  	[hbm4b:s7+s2] =	stream.indirect_vreg.scatter [tilespmem:s16], [sflag:$0x1], $0x80, v4, vm0, $0xb8;
	[tilespmem:$0x8200] =	vst v63  }
0x55: {  	_ = 	snop  }
0x56: {  	[hbm4b:s8+s2] =	stream.indirect_vreg.scatter [tilespmem:s17], [sflag:$0x1], $0x80, v4, vm0, $0xb8;
	[tilespmem:$0x8200] =	vst v63  }
0x57: {  	_ = 	snop  }
0x58: {  	[hbm4b:s3+s2] =	stream.indirect_vreg.scatter [tilespmem:s18], [sflag:$0x1], $0x80, v3, vm0, $0xb8;
	[tilespmem:$0x8200] =	vst v63  }
0x59: {  	_ = 	snop  }
0x5a: {  	[hbm4b:s6+s2] =	stream.indirect_vreg.scatter [tilespmem:s19], [sflag:$0x1], $0x80, v3, vm0, $0xb8;
	[tilespmem:$0x8200] =	vst v63  }
0x5b: {  	_ = 	snop  }
0x5c: {  	[hbm4b:s7+s2] =	stream.indirect_vreg.scatter [tilespmem:s20], [sflag:$0x1], $0x80, v3, vm0, $0xb8;
	[tilespmem:$0x8200] =	vst v63  }
0x5d: {  	_ = 	snop  }
0x5e: {  	[hbm4b:s8+s2] =	stream.indirect_vreg.scatter [tilespmem:s21], [sflag:$0x1], $0x80, v3, vm0, $0xb8;
	[tilespmem:$0x8200] =	vst v63  }
0x5f: {  	v3 =	vld [tilespmem:$0x90];
	_ =	sdelay $0x4  }
0x60: {  	v59 =	vshll.u32 v3, $0x3  }
0x61: {  	v3 =	vand.u32 $0x7, v3;
	v4 =	vand.u32 $0xFFFFFFC0, v59  }
0x62: {  	v3 =	vor.u32 v3, v4  }
0x63: {  	v4 =	vperm.xlane v3, v0;
	_ =	sdelay $0x1  }
0x64: {  	v4 =	vadd.s32 v1, v4;
	_ =	sdelay $0x4  }
0x65: {  	[hbm4b:s3+s2] =	stream.indirect_vreg.scatter [tilespmem:s22], [sflag:$0x1], $0x80, v4, vm0, $0xb8;
	[tilespmem:$0x8200] =	vst v63  }
0x66: {  	v3 =	vperm.xlane v3, v2  }
0x67: {  	[hbm4b:s6+s2] =	stream.indirect_vreg.scatter [tilespmem:s23], [sflag:$0x1], $0x80, v4, vm0, $0xb8;
	[tilespmem:$0x8200] =	vst v63  }
0x68: {  	v3 =	vadd.s32 v1, v3  }
0x69: {  	[hbm4b:s7+s2] =	stream.indirect_vreg.scatter [tilespmem:s24], [sflag:$0x1], $0x80, v4, vm0, $0xb8;
	[tilespmem:$0x8200] =	vst v63  }
0x6a: {  	_ = 	snop  }
0x6b: {  	[hbm4b:s8+s2] =	stream.indirect_vreg.scatter [tilespmem:s25], [sflag:$0x1], $0x80, v4, vm0, $0xb8;
	[tilespmem:$0x8200] =	vst v63  }
0x6c: {  	_ = 	snop  }
0x6d: {  	[hbm4b:s3+s2] =	stream.indirect_vreg.scatter [tilespmem:s26], [sflag:$0x1], $0x80, v3, vm0, $0xb8;
	[tilespmem:$0x8200] =	vst v63  }
0x6e: {  	_ = 	snop  }
0x6f: {  	[hbm4b:s6+s2] =	stream.indirect_vreg.scatter [tilespmem:s28], [sflag:$0x1], $0x80, v3, vm0, $0xb8;
	[tilespmem:$0x8200] =	vst v63  }
0x70: {  	_ = 	snop  }
0x71: {  	[hbm4b:s7+s2] =	stream.indirect_vreg.scatter [tilespmem:s29], [sflag:$0x1], $0x80, v3, vm0, $0xb8;
	[tilespmem:$0x8200] =	vst v63  }
0x72: {  	_ = 	snop  }
0x73: {  	[hbm4b:s8+s2] =	stream.indirect_vreg.scatter [tilespmem:s30], [sflag:$0x1], $0x80, v3, vm0, $0xb8;
	[tilespmem:$0x8200] =	vst v63  }
0x74: {  	_ =	swait.ge [sflag:s31], $0x8000  }
0x75: {  	[sflag:s31] =	ssyncset.done $0x0  }
0x76: {  	[sflag:s31] =	ssyncadd.s32 $0xFFFF8000  }
0x77: {  	[tilespmem:s14], [sflag:$0x2] =	stream.linear.gather [hbm4b:s10+s2], $0x8000, $0x38;
	[tilespmem:$0x8200] =	vst v63  }
0x78: {  	_ =	swait.ge [sflag:s13], $0x8000  }
0x79: {  	[sflag:s13] =	ssyncset.done $0x0  }
0x7a: {  	[sflag:s13] =	ssyncadd.s32 $0xFFFF8000  }
0x7b: {  	v3 =	vld [tilespmem:$0x100];
	_ =	sdelay $0x4  }
0x7c: {  	v60 =	vshll.u32 v3, $0x3  }
0x7d: {  	v3 =	vand.u32 $0x7, v3;
	v4 =	vand.u32 $0xFFFFFFC0, v60  }
0x7e: {  	v3 =	vor.u32 v3, v4  }
0x7f: {  	v4 =	vperm.xlane v3, v0;
	_ =	sdelay $0x1  }
0x80: {  	v4 =	vadd.s32 v1, v4;
	_ =	sdelay $0x4  }
0x81: {  	[hbm4b:s3+s2] =	stream.indirect_vreg.scatter [tilespmem:s14], [sflag:$0x1], $0x80, v4, vm0, $0xb8;
	[tilespmem:$0x8200] =	vst v63  }
0x82: {  	v3 =	vperm.xlane v3, v2  }
0x83: {  	[hbm4b:s6+s2] =	stream.indirect_vreg.scatter [tilespmem:s15], [sflag:$0x1], $0x80, v4, vm0, $0xb8;
	[tilespmem:$0x8200] =	vst v63  }
0x84: {  	v3 =	vadd.s32 v1, v3  }
0x85: {  	[hbm4b:s7+s2] =	stream.indirect_vreg.scatter [tilespmem:s16], [sflag:$0x1], $0x80, v4, vm0, $0xb8;
	[tilespmem:$0x8200] =	vst v63  }
0x86: {  	_ = 	snop  }
0x87: {  	[hbm4b:s8+s2] =	stream.indirect_vreg.scatter [tilespmem:s17], [sflag:$0x1], $0x80, v4, vm0, $0xb8;
	[tilespmem:$0x8200] =	vst v63  }
0x88: {  	_ = 	snop  }
0x89: {  	[hbm4b:s3+s2] =	stream.indirect_vreg.scatter [tilespmem:s18], [sflag:$0x1], $0x80, v3, vm0, $0xb8;
	[tilespmem:$0x8200] =	vst v63  }
0x8a: {  	_ = 	snop  }
0x8b: {  	[hbm4b:s6+s2] =	stream.indirect_vreg.scatter [tilespmem:s19], [sflag:$0x1], $0x80, v3, vm0, $0xb8;
	[tilespmem:$0x8200] =	vst v63  }
0x8c: {  	_ = 	snop  }
0x8d: {  	[hbm4b:s7+s2] =	stream.indirect_vreg.scatter [tilespmem:s20], [sflag:$0x1], $0x80, v3, vm0, $0xb8;
	[tilespmem:$0x8200] =	vst v63  }
0x8e: {  	_ = 	snop  }
0x8f: {  	[hbm4b:s8+s2] =	stream.indirect_vreg.scatter [tilespmem:s21], [sflag:$0x1], $0x80, v3, vm0, $0xb8;
	[tilespmem:$0x8200] =	vst v63  }
0x90: {  	v3 =	vld [tilespmem:$0x110];
	_ =	sdelay $0x4  }
0x91: {  	v61 =	vshll.u32 v3, $0x3  }
0x92: {  	v3 =	vand.u32 $0x7, v3;
	v4 =	vand.u32 $0xFFFFFFC0, v61  }
0x93: {  	v3 =	vor.u32 v3, v4  }
0x94: {  	v4 =	vperm.xlane v3, v0;
	_ =	sdelay $0x1  }
0x95: {  	v4 =	vadd.s32 v1, v4;
	_ =	sdelay $0x4  }
0x96: {  	[hbm4b:s3+s2] =	stream.indirect_vreg.scatter [tilespmem:s22], [sflag:$0x1], $0x80, v4, vm0, $0xb8;
	[tilespmem:$0x8200] =	vst v63  }
0x97: {  	v3 =	vperm.xlane v3, v2  }
0x98: {  	[hbm4b:s6+s2] =	stream.indirect_vreg.scatter [tilespmem:s23], [sflag:$0x1], $0x80, v4, vm0, $0xb8;
	[tilespmem:$0x8200] =	vst v63  }
0x99: {  	v3 =	vadd.s32 v1, v3  }
0x9a: {  	[hbm4b:s7+s2] =	stream.indirect_vreg.scatter [tilespmem:s24], [sflag:$0x1], $0x80, v4, vm0, $0xb8;
	[tilespmem:$0x8200] =	vst v63  }
0x9b: {  	_ = 	snop  }
0x9c: {  	[hbm4b:s8+s2] =	stream.indirect_vreg.scatter [tilespmem:s25], [sflag:$0x1], $0x80, v4, vm0, $0xb8;
	[tilespmem:$0x8200] =	vst v63  }
0x9d: {  	_ = 	snop  }
0x9e: {  	[hbm4b:s3+s2] =	stream.indirect_vreg.scatter [tilespmem:s26], [sflag:$0x1], $0x80, v3, vm0, $0xb8;
	[tilespmem:$0x8200] =	vst v63  }
0x9f: {  	_ = 	snop  }
0xa0: {  	[hbm4b:s6+s2] =	stream.indirect_vreg.scatter [tilespmem:s28], [sflag:$0x1], $0x80, v3, vm0, $0xb8;
	[tilespmem:$0x8200] =	vst v63  }
0xa1: {  	_ = 	snop  }
0xa2: {  	[hbm4b:s7+s2] =	stream.indirect_vreg.scatter [tilespmem:s29], [sflag:$0x1], $0x80, v3, vm0, $0xb8;
	[tilespmem:$0x8200] =	vst v63  }
0xa3: {  	_ = 	snop  }
0xa4: {  	[hbm4b:s8+s2] =	stream.indirect_vreg.scatter [tilespmem:s30], [sflag:$0x1], $0x80, v3, vm0, $0xb8;
	[tilespmem:$0x8200] =	vst v63  }
0xa5: {  	_ =	swait.ge [sflag:s31], $0x8000  }
0xa6: {  	[sflag:s31] =	ssyncset.done $0x0  }
0xa7: {  	[sflag:s31] =	ssyncadd.s32 $0xFFFF8000  }
0xa8: {  	[tilespmem:s14], [sflag:$0x2] =	stream.linear.gather [hbm4b:s11+s2], $0x8000, $0x38;
	[tilespmem:$0x8200] =	vst v63  }
0xa9: {  	_ =	swait.ge [sflag:s13], $0x8000  }
0xaa: {  	[sflag:s13] =	ssyncset.done $0x0  }
0xab: {  	[sflag:s13] =	ssyncadd.s32 $0xFFFF8000  }
0xac: {  	v3 =	vld [tilespmem:$0x180];
	_ =	sdelay $0x4  }
0xad: {  	v62 =	vshll.u32 v3, $0x3  }
0xae: {  	v3 =	vand.u32 $0x7, v3;
	v4 =	vand.u32 $0xFFFFFFC0, v62  }
0xaf: {  	v3 =	vor.u32 v3, v4  }
0xb0: {  	v4 =	vperm.xlane v3, v0;
	_ =	sdelay $0x1  }
0xb1: {  	v4 =	vadd.s32 v1, v4;
	_ =	sdelay $0x4  }
0xb2: {  	[hbm4b:s3+s2] =	stream.indirect_vreg.scatter [tilespmem:s14], [sflag:$0x1], $0x80, v4, vm0, $0xb8;
	[tilespmem:$0x8200] =	vst v63  }
0xb3: {  	v3 =	vperm.xlane v3, v2  }
0xb4: {  	[hbm4b:s6+s2] =	stream.indirect_vreg.scatter [tilespmem:s15], [sflag:$0x1], $0x80, v4, vm0, $0xb8;
	[tilespmem:$0x8200] =	vst v63  }
0xb5: {  	v3 =	vadd.s32 v1, v3  }
0xb6: {  	[hbm4b:s7+s2] =	stream.indirect_vreg.scatter [tilespmem:s16], [sflag:$0x1], $0x80, v4, vm0, $0xb8;
	[tilespmem:$0x8200] =	vst v63  }
0xb7: {  	_ = 	snop  }
0xb8: {  	[hbm4b:s8+s2] =	stream.indirect_vreg.scatter [tilespmem:s17], [sflag:$0x1], $0x80, v4, vm0, $0xb8;
	[tilespmem:$0x8200] =	vst v63  }
0xb9: {  	_ = 	snop  }
0xba: {  	[hbm4b:s3+s2] =	stream.indirect_vreg.scatter [tilespmem:s18], [sflag:$0x1], $0x80, v3, vm0, $0xb8;
	[tilespmem:$0x8200] =	vst v63  }
0xbb: {  	_ = 	snop  }
0xbc: {  	[hbm4b:s6+s2] =	stream.indirect_vreg.scatter [tilespmem:s19], [sflag:$0x1], $0x80, v3, vm0, $0xb8;
	[tilespmem:$0x8200] =	vst v63  }
0xbd: {  	_ = 	snop  }
0xbe: {  	[hbm4b:s7+s2] =	stream.indirect_vreg.scatter [tilespmem:s20], [sflag:$0x1], $0x80, v3, vm0, $0xb8;
	[tilespmem:$0x8200] =	vst v63  }
0xbf: {  	_ = 	snop  }
0xc0: {  	[hbm4b:s8+s2] =	stream.indirect_vreg.scatter [tilespmem:s21], [sflag:$0x1], $0x80, v3, vm0, $0xb8;
	[tilespmem:$0x8200] =	vst v63  }
0xc1: {  	v3 =	vld [tilespmem:$0x190];
	_ =	sdelay $0x4  }
0xc2: {  	v63 =	vshll.u32 v3, $0x3  }
0xc3: {  	v3 =	vand.u32 $0x7, v3;
	v4 =	vand.u32 $0xFFFFFFC0, v63  }
0xc4: {  	v3 =	vor.u32 v3, v4  }
0xc5: {  	v4 =	vperm.xlane v3, v0;
	_ =	sdelay $0x1  }
0xc6: {  	v4 =	vadd.s32 v1, v4;
	_ =	sdelay $0x4  }
0xc7: {  	[hbm4b:s3+s2] =	stream.indirect_vreg.scatter [tilespmem:s22], [sflag:$0x1], $0x80, v4, vm0, $0xb8;
	[tilespmem:$0x8200] =	vst v63  }
0xc8: {  	v3 =	vperm.xlane v3, v2  }
0xc9: {  	[hbm4b:s6+s2] =	stream.indirect_vreg.scatter [tilespmem:s23], [sflag:$0x1], $0x80, v4, vm0, $0xb8;
	[tilespmem:$0x8200] =	vst v63  }
0xca: {  	v3 =	vadd.s32 v1, v3  }
0xcb: {  	[hbm4b:s7+s2] =	stream.indirect_vreg.scatter [tilespmem:s24], [sflag:$0x1], $0x80, v4, vm0, $0xb8;
	[tilespmem:$0x8200] =	vst v63  }
0xcc: {  	_ = 	snop  }
0xcd: {  	[hbm4b:s8+s2] =	stream.indirect_vreg.scatter [tilespmem:s25], [sflag:$0x1], $0x80, v4, vm0, $0xb8;
	[tilespmem:$0x8200] =	vst v63  }
0xce: {  	_ = 	snop  }
0xcf: {  	[hbm4b:s3+s2] =	stream.indirect_vreg.scatter [tilespmem:s26], [sflag:$0x1], $0x80, v3, vm0, $0xb8;
	[tilespmem:$0x8200] =	vst v63  }
0xd0: {  	_ = 	snop  }
0xd1: {  	[hbm4b:s6+s2] =	stream.indirect_vreg.scatter [tilespmem:s28], [sflag:$0x1], $0x80, v3, vm0, $0xb8;
	[tilespmem:$0x8200] =	vst v63  }
0xd2: {  	p0 =	sne.s32 s12, $0x1  }
0xd3: {  	[hbm4b:s7+s2] =	stream.indirect_vreg.scatter [tilespmem:s29], [sflag:$0x1], $0x80, v3, vm0, $0xb8;
	[tilespmem:$0x8200] =	vst v63  }
.Ltmp0:
0xd4: {  	_ = 	snop;
	(pc) =	sbr.rel @p0 .LBB2_1-.Ltmp0, $4  }
0xd5: {  	[hbm4b:s8+s2] =	stream.indirect_vreg.scatter [tilespmem:s30], [sflag:$0x1], $0x80, v3, vm0, $0xb8;
	[tilespmem:$0x8200] =	vst v63  }
0xd6: {  	_ =	swait.ge [sflag:s31], $0x8000  }
0xd7: {  	[sflag:s31] =	ssyncset.done $0x0  }
0xd8: {  	s12 =	sadd.s32 $0xFFFFFFFF, s12;
	[sflag:s31] =	ssyncadd.s32 $0xFFFF8000  }
0xd9: {  	_ =	sfence.sel $0x180000  }
0xda: {  	[bflag:$0x0] =	sbarrier.arrive $0xFFFF  }
0xdb: {  	p0 =	sne.s32 s1, $0x0;
	_ =	strace $0x90000047  }
0xdc: {  	s0 =	sadd.s32 @!p0 $0x100000, s0;
	[bflag:$0x2] =	sbarrier.arrive $0xFFFF  }
0xdd: {  	[sflag:s0] =	ssyncadd.tile.s32 @!p0 $0x1;
	_ =	shalt  }
.Lfunc_end2:
_tile_overlayer_lowered:
.L_overlay_start_2:
0xde: {  	(tag) =	ssettag $0x2  }
0xdf: {  	s0 =	rddreg [dreg:$0x0];
	s2 =	stileid.u32  }
0xe0: {  	s1 =	rddreg [dreg:$0x1];
	p0 =	sne.s32 s2, $0x0  }
0xe1: {  	s3 =	rddreg [dreg:$0x2];
	[bflag:$0x3] =	sbarrier.arrive $0xFFFF;
	s2 =	simm.s32 @!p0 $0x1C02  }
0xe2: {  	[timem:s3], [sflag:s2] =	dma.local @!p0 [hbm:s0], s1  }
0xe3: {  	s0 =	simm.s32 @!p0 $0x2  }
0xe4: {  	_ =	swait.ge @!p0 [sflag:s0], s1  }
0xe5: {  	s1 =	ssub.s32 @!p0 $0x0, s1;
	[sflag:s0] =	ssyncset.done @!p0 $0x0  }
0xe6: {  	[sflag:s0] =	ssyncadd.s32 @!p0 s1  }
0xe7: {  	[bflag:$0x3] =	sbarrier.arrive $0xFFFF  }
0xe8: {  	_ =	shalt  }

// kernel: kernel.13.cloned.1.call-start
scs
__scs_entry_jumppad:
0x0: {  	(pc) =	sbr.rel $0x88, $3  }
0x1: {  	(tag) =	ssettag $0x0;
	lr =	simm.s32 $0x1  }
0x2: {  	[smem:$0x3F96] =	sst lr;
	_ =	strace $0xD0000000  }
0x3: {  	_ = 	snop  }
0x4: {  	_ = 	snop  }
0x5: {  	_ = 	snop  }
0x6: {  	_ = 	snop  }
0x7: {  	_ = 	snop  }
__scs_overlays_trampoline_lowered:
0x8: {  	[smem:$0x3FA5] =	sst s0  }
0x9: {  	[smem:$0x3FA6] =	sst s1  }
0xa: {  	[smem:$0x3FA7] =	sst s2  }
0xb: {  	[smem:$0x3FA8] =	sst s3  }
0xc: {  	[smem:$0x3FA9] =	sst s4  }
0xd: {  	[smem:$0x3FAA] =	sst s5  }
0xe: {  	[smem:$0x3FAB] =	sst s6  }
0xf: {  	[smem:$0x3FAC] =	sst s7  }
0x10: {  	[smem:$0x3FAD] =	sst s8  }
0x11: {  	[smem:$0x3FAE] =	sst s9;
	s0 =	simm.s32 @!p0 $0x0  }
0x12: {  	s1 =	sld [smem:$0x3F94];
	s0 =	simm.s32 @p0 $0x1  }
0x13: {  	[smem:$0x3FAF] =	sst s0;
	s0 =	simm.s32 @!p1 $0x0  }
0x14: {  	s2 =	sld [smem:$0x3F93];
	s0 =	simm.s32 @p1 $0x1  }
0x15: {  	[smem:$0x3FB0] =	sst s0;
	s0 =	simm.s32 @!p2 $0x0  }
0x16: {  	s3 =	sld [smem:$0x3FDB];
	s0 =	simm.s32 @p2 $0x1  }
0x17: {  	s4 =	simm.s32 $0x1BF5;
	[smem:$0x3FB2] =	sst s0  }
0x18: {  	s0 =	sld [smem:$0x3F95];
	_ =	swait.ge [sflag:s4], $0x0  }
0x19: {  	s7 =	sld [smem:$0x3F96]  }
0x1a: {  	s8 =	sadd.s32 $0xFFFFE003, lr  }
0x1b: {  	s9 =	sadd.s32 $0xFFFFFEF7, lr;
	s5 =	simm.s32 $0xFFFFFFFF;
	p2 =	slt.u32 s8, $0xFFFFF086  }
0x1c: {  	p1 =	slt.u32 s9, $0xF7A;
	s5 =	simm.s32 @!p2 $0x0  }
0x1d: {  	s5 =	simm.s32 @p1 $0x1;
	p0 =	seq.s32 s7, s2  }
0x1e: {  	s7 =	smul.u32 @!p0 $0xF7A, s2;
	p2 =	seq.s32 @!p0 s5, $0x0  }
0x1f: {  	s9 =	smul.u32 $0xF7A, s1;
	s8 =	simm.s32 @!p0 $0x1BF5;
	p2 =	por !p2, p0  }
0x20: {  	[sflag:s8] =	ssyncset.s32 @!p0 $0xFFFFF086;
	s6 =	sadd.s32 @!p0 s3, s7;
	s7 =	simm.s32 @!p0 $0x108  }
0x21: {  	s3 =	sadd.s32 s3, s9;
	s6 =	sadd.s32 @!p0 $0x88, s6;
	s7 =	simm.s32 @p2 $0x1082  }
0x22: {  	[simem:s7], [sflag:s8] =	dma.local @!p0 [hbm:s6], $0xF7A  }
0x23: {  	s9 =	sor.u32 $0xD0000000, s2;
	s6 =	simm.s32 $0x108;
	_ =	swait.ge @!p0 [sflag:s8], $0x0  }
0x24: {  	s3 =	sadd.s32 $0x88, s3;
	s6 =	simm.s32 @!p1 $0x1082;
	[sflag:s4] =	ssyncset.s32 $0xFFFFF086  }
0x25: {  	[simem:s6], [sflag:s4] =	dma.local [hbm:s3], $0xF7A  }
0x26: {  	[smem:$0x3F96] =	sst s1;
	(tag) =	ssettag s2;
	_ =	strace s9  }
0x27: {  	s1 =	sld [smem:$0x3FA6]  }
0x28: {  	s2 =	sld [smem:$0x3FA7]  }
0x29: {  	s4 =	sld [smem:$0x3FA9]  }
0x2a: {  	p0 =	seq.s32 s5, $0x0;
	s5 =	sld [smem:$0x3FAA]  }
0x2b: {  	s6 =	sld [smem:$0x3FAB]  }
0x2c: {  	s7 =	sld [smem:$0x3FAC]  }
0x2d: {  	s3 =	simm.s32 $0x108;
	s8 =	sld [smem:$0x3FAD]  }
0x2e: {  	s3 =	simm.s32 @!p0 $0x1082;
	s9 =	sld [smem:$0x3FAE]  }
0x2f: {  	lr =	sadd.s32 s0, s3;
	s0 =	sld [smem:$0x3FA5]  }
0x30: {  	s3 =	sld [smem:$0x3FA8]  }
0x31: {  	[smem:$0x3FB1] =	sst s10  }
0x32: {  	s10 =	sld [smem:$0x3FAF];
	_ =	sdelay $0x3  }
0x33: {  	p0 =	seq.s32 s10, $0x1;
	s10 =	sld [smem:$0x3FB1];
	_ =	sdelay $0x3  }
0x34: {  	[smem:$0x3FB1] =	sst s10  }
0x35: {  	s10 =	sld [smem:$0x3FB0];
	_ =	sdelay $0x3  }
0x36: {  	p1 =	seq.s32 s10, $0x1;
	s10 =	sld [smem:$0x3FB1];
	_ =	sdelay $0x3  }
0x37: {  	[smem:$0x3FB1] =	sst s10  }
0x38: {  	s10 =	sld [smem:$0x3FB2]  }
0x39: {  	_ = 	snop;
	(pc) =	sbr.ind lr, $3  }
0x3a: {  	_ = 	snop  }
0x3b: {  	_ = 	snop  }
0x3c: {  	p2 =	seq.s32 s10, $0x1;
	s10 =	sld [smem:$0x3FB1]  }
0x3d: {  	_ =	shalt  }
0x3e: {  	_ =	shalt  }
0x3f: {  	_ =	shalt  }
0x40: {  	_ =	shalt  }
0x41: {  	_ =	shalt  }
0x42: {  	_ =	shalt  }
0x43: {  	_ =	shalt  }
0x44: {  	_ =	shalt  }
0x45: {  	_ =	shalt  }
0x46: {  	_ =	shalt  }
0x47: {  	_ =	shalt  }
0x48: {  	_ =	shalt  }
0x49: {  	_ =	shalt  }
0x4a: {  	_ =	shalt  }
0x4b: {  	_ =	shalt  }
0x4c: {  	_ =	shalt  }
0x4d: {  	_ =	shalt  }
0x4e: {  	_ =	shalt  }
0x4f: {  	_ =	shalt  }
0x50: {  	_ =	shalt  }
0x51: {  	_ =	shalt  }
0x52: {  	_ =	shalt  }
0x53: {  	_ =	shalt  }
0x54: {  	_ =	shalt  }
0x55: {  	_ =	shalt  }
0x56: {  	_ =	shalt  }
0x57: {  	_ =	shalt  }
0x58: {  	_ =	shalt  }
0x59: {  	_ =	shalt  }
0x5a: {  	_ =	shalt  }
0x5b: {  	_ =	shalt  }
0x5c: {  	_ =	shalt  }
0x5d: {  	_ =	shalt  }
0x5e: {  	_ =	shalt  }
0x5f: {  	_ =	shalt  }
0x60: {  	_ =	shalt  }
0x61: {  	_ =	shalt  }
0x62: {  	_ =	shalt  }
0x63: {  	_ =	shalt  }
0x64: {  	_ =	shalt  }
0x65: {  	_ =	shalt  }
0x66: {  	_ =	shalt  }
0x67: {  	_ =	shalt  }
0x68: {  	_ =	shalt  }
0x69: {  	_ =	shalt  }
0x6a: {  	_ =	shalt  }
0x6b: {  	_ =	shalt  }
0x6c: {  	_ =	shalt  }
0x6d: {  	_ =	shalt  }
0x6e: {  	_ =	shalt  }
0x6f: {  	_ =	shalt  }
0x70: {  	_ =	shalt  }
0x71: {  	_ =	shalt  }
0x72: {  	_ =	shalt  }
0x73: {  	_ =	shalt  }
0x74: {  	_ =	shalt  }
0x75: {  	_ =	shalt  }
0x76: {  	_ =	shalt  }
0x77: {  	_ =	shalt  }
0x78: {  	_ =	shalt  }
0x79: {  	_ =	shalt  }
0x7a: {  	_ =	shalt  }
0x7b: {  	_ =	shalt  }
0x7c: {  	_ =	shalt  }
0x7d: {  	_ =	shalt  }
0x7e: {  	_ =	shalt  }
0x7f: {  	_ =	shalt  }
0x80: {  	_ =	shalt  }
0x81: {  	_ =	shalt  }
0x82: {  	_ =	shalt  }
0x83: {  	_ =	shalt  }
0x84: {  	_ =	shalt  }
0x85: {  	_ =	shalt  }
0x86: {  	_ =	shalt  }
0x87: {  	_ =	shalt  }
.Lfunc_end0:
.L_simem_size_0:
called_computation.1_lowered:
.L_overlay_start_0:
0x88: {  	s2 =	sld [smem:$0x3FD9]  }
0x89: {  	s3 =	sld [smem:$0x3FFE];
	_ =	sdelay $0x1  }
0x8a: {  	s1 =	srdreg.scid  }
0x8b: {  	s0 =	sand.u32 $0x1, s1  }
0x8c: {  	s16 =	sshll.u32 s0, $0xA;
	s2 =	sadd.s32 s3, s2  }
0x8d: {  	s2 =	sadd.s32 s2, s16  }
0x8e: {  	[smem:$0x3FBD] =	sst s2  }
0x8f: {  	_ = 	snop  }
0x90: {  	(tm) =	ssettm $0x1  }
0x91: {  	s17 =	sld [smem:$0x3FFB];
	_ =	sdelay $0x3  }
0x92: {  	_ =	strace s17  }
0x93: {  	s2 =	sld [smem:$0x3FFC];
	_ =	sdelay $0x3  }
0x94: {  	_ =	strace s2  }
0x95: {  	s2 =	sld [smem:$0x3FFD];
	_ =	sdelay $0x3  }
0x96: {  	_ =	strace s2  }
0x97: {  	_ =	strace $0x8FFFFFFF  }
0x98: {  	s18 =	sld [smem:$0x3FDB];
	_ =	sdelay $0x1  }
0x99: {  	s19 =	simm.s32 $_scs_section_size  }
0x9a: {  	s4 =	simm.s32 $_size__tile_overlayer_lowered;
	s5 =	simm.s32 $_tile_overlayer_lowered  }
0x9b: {  	s22 =	simm.s32 $0x1BFF;
	s21 =	sshll.u32 s5, $0x1;
	s2 =	sadd.s32 s19, s18  }
0x9c: {  	s6 =	simm.s32 $0x0;
	s20 =	sshll.u32 s4, $0x1;
	s4 =	sadd.s32 s21, s2  }
0x9d: {  	[timem:s6], [sflag:s22] =	dma.local [hbm:s4], s20  }
0x9e: {  	_ =	swait.ge [sflag:s22], s20  }
0x9f: {  	s3 =	ssub.s32 $0x0, s20;
	[sflag:s22] =	ssyncset.done $0x0  }
0xa0: {  	[sflag:s22] =	ssyncadd.s32 s3;
	_ =	sdelay $0x1  }
0xa1: {  	s23 =	simm.s32 $0x1B8B  }
0xa2: {  	_ =	swait.ge [sflag:s23], $0x1  }
0xa3: {  	[sflag:s23] =	ssyncset.done $0x0  }
0xa4: {  	s25 =	simm.s32 $0x1B8E;
	s24 =	sld [smem:$0x3FFE];
	[sflag:s23] =	ssyncadd.s32 $0xFFFFFFFF  }
0xa5: {  	s26 =	simm.s32 $execute0_lowered;
	[smem:$0x3FD2] =	sst s25  }
0xa6: {  	s4 =	sshll.u32 s26, $0x1;
	_ =	strace $0x80000049;
	[dreg:$0x1] =	wrdreg $0xFFFFFFFF  }
0xa7: {  	s28 =	simm.s32 $_size_execute0_lowered;
	s2 =	sadd.s32 s2, s4;
	[dreg:$0x0] =	wrdreg $0x0  }
0xa8: {  	s4 =	sshll.u32 s28, $0x1;
	[dreg:$0x2] =	wrdreg s2  }
0xa9: {  	[dreg:$0x3] =	wrdreg s4  }
0xaa: {  	[dreg:$0x4] =	wrdreg $0xC0  }
0xab: {  	_ =	task [dreg:s6], $0x5FFFF  }
0xac: {  	[dreg:$0x1] =	wrdreg $0xFFFFFFFF  }
0xad: {  	[dreg:$0x0] =	wrdreg $0x60  }
0xae: {  	[dreg:$0x2] =	wrdreg s24  }
0xaf: {  	[dreg:$0x3] =	wrdreg $0x9  }
0xb0: {  	_ =	task.clear_ibuf [dreg:s6], $0x4FFFF;
	_ =	strace $0x90000049  }
0xb1: {  	s29 =	simm.s32 $0x9;
	_ =	strace $0x8000004B  }
0xb2: {  	_ =	swait.ge [sflag:s29], $0x1  }
0xb3: {  	[sflag:s29] =	ssyncadd.s32 $0xFFFFFFFF  }
0xb4: {  	_ =	strace $0x9000004B  }
0xb5: {  	_ =	sfence  }
0xb6: {  	s30 =	sld [smem:$0x0];
	_ =	sdelay $0x2  }
0xb7: {  	s31 =	sshll.u32 s1, $0xD;
	s1 =	sshrl.u32 s1, $0x2  }
0xb8: {  	s3 =	sand.u32 $0x4000, s31;
	s1 =	sadd.s32 s1, s30  }
0xb9: {  	s0 =	sor.u32 s3, s0;
	s1 =	sshll.u32 s1, $0x11  }
0xba: {  	s0 =	sor.u32 s1, s0  }
0xbb: {  	s0 =	sadd.s32 $0x8F2B, s0  }
0xbc: {  	[sflag:s0] =	ssyncadd.remote.s32 $0x1  }
0xbd: {  	_ =	sfence.sel $0xFFFF  }
0xbe: {  	[dreg:$0x0] =	wrdreg $0xFFFFFFFF;
	(pc) =	sbr.abs _section_cstart, $3  }
0xbf: {  	[dreg:$0x1] =	wrdreg $0xFFFFFFFF  }
0xc0: {  	_ =	task.clear_ibuf [dreg:s6], $0x2FFFF;
	_ =	strace $0x9FFFFFFF  }
0xc1: {  	(tm) =	ssettm $0x7FFFFFFF  }
tec
execute0_lowered:
.L_overlay_start_1:
0x0: {  	(tag) =	ssettag $0x1  }
0x1: {  	s7 =	rddreg [dreg:$0x0]  }
0x2: {  	s0 =	rddreg [dreg:$0x1];
	s2 =	simm.s32 $0x0  }
0x3: {  	s3 =	srdreg.scid;
	s1 =	stileid.u32;
	s13 =	simm.s32 $0x2  }
0x4: {  	s14 =	simm.s32 $0x200;
	s15 =	simm.s32 $0xA00;
	s16 =	simm.s32 $0x1200  }
0x5: {  	s17 =	simm.s32 $0x1A00;
	s18 =	simm.s32 $0x2200;
	s19 =	simm.s32 $0x2A00  }
0x6: {  	s20 =	simm.s32 $0x3200;
	s21 =	simm.s32 $0x3A00;
	s22 =	simm.s32 $0x4200  }
0x7: {  	s23 =	simm.s32 $0x4A00;
	s24 =	simm.s32 $0x5200;
	s25 =	simm.s32 $0x5A00  }
0x8: {  	s26 =	simm.s32 $0x6200;
	s28 =	simm.s32 $0x6A00;
	s29 =	simm.s32 $0x7200  }
0x9: {  	s30 =	simm.s32 $0x7A00;
	s31 =	simm.s32 $0x1;
	[smem:$0x7FF] =	sst s2  }
0xa: {  	s4 =	sand.u32 $0x1, s3;
	s5 =	sshll.u32 s1, $0x1;
	s3 =	sadd.s32 $0x41000, s7  }
0xb: {  	_ =	strace $0x8000004A;
	s5 =	sor.u32 s4, s5;
	s4 =	ssub.s32 $0x2, s4  }
0xc: {  	s6 =	sshll.u32 s5, $0x6;
	s5 =	sshll.u32 s5, $0xE;
	s8 =	sshrl.u32 s4, $0x1  }
0xd: {  	s6 =	sadd.s32 s6, s7;
	s11 =	sadd.s32 s5, s7;
	s12 =	ssub.s32 s4, s8  }
0xe: {  	v2 =	vlaneseq.u32;
	s5 =	sadd.s32 $0x41100, s7;
	s4 =	sadd.s32 $0x40800, s6;
	s6 =	sadd.s32 $0x41200, s7  }
0xf: {  	vm0 =	vmmov $0xffff;
	v1 =	vshrl.u32 v2, $0x3;
	s7 =	sadd.s32 $0x41300, s7;
	s8 =	sadd.s32 $0xDD000, s11;
	s9 =	sadd.s32 $0xDE000, s11  }
0x10: {  	v0 =	vand.u32 $0x7, v2;
	v2 =	vor.u32 $0x8, v2;
	v1 =	vmul.u32 $0x8, v1;
	s10 =	sadd.s32 $0xDF000, s11;
	s11 =	sadd.s32 $0xE0000, s11;
	s12 =	smax.u32 s12, $0x1  }
.LBB2_1:
0x11: {  	[tilespmem:s2], [sflag:$0x2] =	stream.linear.gather [hbm4b:s4+s2], $0x200, $0x38;
	[tilespmem:$0x8200] =	vst v63  }
0x12: {  	_ =	swait.ge [sflag:s13], $0x200  }
0x13: {  	[sflag:s13] =	ssyncset.done $0x0  }
0x14: {  	[sflag:s13] =	ssyncadd.s32 $0xFFFFFE00  }
0x15: {  	v3 =	vld [tilespmem:$0x0];
	_ =	sdelay $0x4  }
0x16: {  	v4 =	vshll.u32 v3, $0x3  }
0x17: {  	v3 =	vand.u32 $0x7, v3;
	v4 =	vand.u32 $0xFFFFFFC0, v4  }
0x18: {  	v3 =	vor.u32 v3, v4  }
0x19: {  	v4 =	vperm.xlane v3, v0;
	_ =	sdelay $0x1  }
0x1a: {  	v4 =	vadd.s32 v1, v4;
	_ =	sdelay $0x4  }
0x1b: {  	[tilespmem:s14], [sflag:$0x1] =	stream.indirect_vreg.gather [hbm4b:s3+s2], $0x80, v4, vm0, $0xb8;
	[tilespmem:$0x8200] =	vst v63  }
0x1c: {  	v3 =	vperm.xlane v3, v2  }
0x1d: {  	[tilespmem:s15], [sflag:$0x1] =	stream.indirect_vreg.gather [hbm4b:s5+s2], $0x80, v4, vm0, $0xb8;
	[tilespmem:$0x8200] =	vst v63  }
0x1e: {  	v3 =	vadd.s32 v1, v3  }
0x1f: {  	[tilespmem:s16], [sflag:$0x1] =	stream.indirect_vreg.gather [hbm4b:s6+s2], $0x80, v4, vm0, $0xb8;
	[tilespmem:$0x8200] =	vst v63  }
0x20: {  	_ = 	snop  }
0x21: {  	[tilespmem:s17], [sflag:$0x1] =	stream.indirect_vreg.gather [hbm4b:s7+s2], $0x80, v4, vm0, $0xb8;
	[tilespmem:$0x8200] =	vst v63  }
0x22: {  	_ = 	snop  }
0x23: {  	[tilespmem:s18], [sflag:$0x1] =	stream.indirect_vreg.gather [hbm4b:s3+s2], $0x80, v3, vm0, $0xb8;
	[tilespmem:$0x8200] =	vst v63  }
0x24: {  	_ = 	snop  }
0x25: {  	[tilespmem:s19], [sflag:$0x1] =	stream.indirect_vreg.gather [hbm4b:s5+s2], $0x80, v3, vm0, $0xb8;
	[tilespmem:$0x8200] =	vst v63  }
0x26: {  	_ = 	snop  }
0x27: {  	[tilespmem:s20], [sflag:$0x1] =	stream.indirect_vreg.gather [hbm4b:s6+s2], $0x80, v3, vm0, $0xb8;
	[tilespmem:$0x8200] =	vst v63  }
0x28: {  	_ = 	snop  }
0x29: {  	[tilespmem:s21], [sflag:$0x1] =	stream.indirect_vreg.gather [hbm4b:s7+s2], $0x80, v3, vm0, $0xb8;
	[tilespmem:$0x8200] =	vst v63  }
0x2a: {  	v3 =	vld [tilespmem:$0x10];
	_ =	sdelay $0x4  }
0x2b: {  	v57 =	vshll.u32 v3, $0x3  }
0x2c: {  	v3 =	vand.u32 $0x7, v3;
	v4 =	vand.u32 $0xFFFFFFC0, v57  }
0x2d: {  	v3 =	vor.u32 v3, v4  }
0x2e: {  	v4 =	vperm.xlane v3, v0;
	_ =	sdelay $0x1  }
0x2f: {  	v4 =	vadd.s32 v1, v4;
	_ =	sdelay $0x4  }
0x30: {  	[tilespmem:s22], [sflag:$0x1] =	stream.indirect_vreg.gather [hbm4b:s3+s2], $0x80, v4, vm0, $0xb8;
	[tilespmem:$0x8200] =	vst v63  }
0x31: {  	v3 =	vperm.xlane v3, v2  }
0x32: {  	[tilespmem:s23], [sflag:$0x1] =	stream.indirect_vreg.gather [hbm4b:s5+s2], $0x80, v4, vm0, $0xb8;
	[tilespmem:$0x8200] =	vst v63  }
0x33: {  	v3 =	vadd.s32 v1, v3  }
0x34: {  	[tilespmem:s24], [sflag:$0x1] =	stream.indirect_vreg.gather [hbm4b:s6+s2], $0x80, v4, vm0, $0xb8;
	[tilespmem:$0x8200] =	vst v63  }
0x35: {  	_ = 	snop  }
0x36: {  	[tilespmem:s25], [sflag:$0x1] =	stream.indirect_vreg.gather [hbm4b:s7+s2], $0x80, v4, vm0, $0xb8;
	[tilespmem:$0x8200] =	vst v63  }
0x37: {  	_ = 	snop  }
0x38: {  	[tilespmem:s26], [sflag:$0x1] =	stream.indirect_vreg.gather [hbm4b:s3+s2], $0x80, v3, vm0, $0xb8;
	[tilespmem:$0x8200] =	vst v63  }
0x39: {  	_ = 	snop  }
0x3a: {  	[tilespmem:s28], [sflag:$0x1] =	stream.indirect_vreg.gather [hbm4b:s5+s2], $0x80, v3, vm0, $0xb8;
	[tilespmem:$0x8200] =	vst v63  }
0x3b: {  	_ = 	snop  }
0x3c: {  	[tilespmem:s29], [sflag:$0x1] =	stream.indirect_vreg.gather [hbm4b:s6+s2], $0x80, v3, vm0, $0xb8;
	[tilespmem:$0x8200] =	vst v63  }
0x3d: {  	_ = 	snop  }
0x3e: {  	[tilespmem:s30], [sflag:$0x1] =	stream.indirect_vreg.gather [hbm4b:s7+s2], $0x80, v3, vm0, $0xb8;
	[tilespmem:$0x8200] =	vst v63  }
0x3f: {  	_ =	swait.ge [sflag:s31], $0x8000  }
0x40: {  	[sflag:s31] =	ssyncset.done $0x0  }
0x41: {  	[sflag:s31] =	ssyncadd.s32 $0xFFFF8000  }
0x42: {  	[hbm4b:s8+s2] =	stream.linear.scatter [tilespmem:s14], [sflag:$0x2], $0x8000, $0x38;
	[tilespmem:$0x8200] =	vst v63  }
0x43: {  	_ =	swait.ge [sflag:s13], $0x8000  }
0x44: {  	[sflag:s13] =	ssyncset.done $0x0  }
0x45: {  	[sflag:s13] =	ssyncadd.s32 $0xFFFF8000  }
0x46: {  	v3 =	vld [tilespmem:$0x80];
	_ =	sdelay $0x4  }
0x47: {  	v58 =	vshll.u32 v3, $0x3  }
0x48: {  	v3 =	vand.u32 $0x7, v3;
	v4 =	vand.u32 $0xFFFFFFC0, v58  }
0x49: {  	v3 =	vor.u32 v3, v4  }
0x4a: {  	v4 =	vperm.xlane v3, v0;
	_ =	sdelay $0x1  }
0x4b: {  	v4 =	vadd.s32 v1, v4;
	_ =	sdelay $0x4  }
0x4c: {  	[tilespmem:s14], [sflag:$0x1] =	stream.indirect_vreg.gather [hbm4b:s3+s2], $0x80, v4, vm0, $0xb8;
	[tilespmem:$0x8200] =	vst v63  }
0x4d: {  	v3 =	vperm.xlane v3, v2  }
0x4e: {  	[tilespmem:s15], [sflag:$0x1] =	stream.indirect_vreg.gather [hbm4b:s5+s2], $0x80, v4, vm0, $0xb8;
	[tilespmem:$0x8200] =	vst v63  }
0x4f: {  	v3 =	vadd.s32 v1, v3  }
0x50: {  	[tilespmem:s16], [sflag:$0x1] =	stream.indirect_vreg.gather [hbm4b:s6+s2], $0x80, v4, vm0, $0xb8;
	[tilespmem:$0x8200] =	vst v63  }
0x51: {  	_ = 	snop  }
0x52: {  	[tilespmem:s17], [sflag:$0x1] =	stream.indirect_vreg.gather [hbm4b:s7+s2], $0x80, v4, vm0, $0xb8;
	[tilespmem:$0x8200] =	vst v63  }
0x53: {  	_ = 	snop  }
0x54: {  	[tilespmem:s18], [sflag:$0x1] =	stream.indirect_vreg.gather [hbm4b:s3+s2], $0x80, v3, vm0, $0xb8;
	[tilespmem:$0x8200] =	vst v63  }
0x55: {  	_ = 	snop  }
0x56: {  	[tilespmem:s19], [sflag:$0x1] =	stream.indirect_vreg.gather [hbm4b:s5+s2], $0x80, v3, vm0, $0xb8;
	[tilespmem:$0x8200] =	vst v63  }
0x57: {  	_ = 	snop  }
0x58: {  	[tilespmem:s20], [sflag:$0x1] =	stream.indirect_vreg.gather [hbm4b:s6+s2], $0x80, v3, vm0, $0xb8;
	[tilespmem:$0x8200] =	vst v63  }
0x59: {  	_ = 	snop  }
0x5a: {  	[tilespmem:s21], [sflag:$0x1] =	stream.indirect_vreg.gather [hbm4b:s7+s2], $0x80, v3, vm0, $0xb8;
	[tilespmem:$0x8200] =	vst v63  }
0x5b: {  	v3 =	vld [tilespmem:$0x90];
	_ =	sdelay $0x4  }
0x5c: {  	v59 =	vshll.u32 v3, $0x3  }
0x5d: {  	v3 =	vand.u32 $0x7, v3;
	v4 =	vand.u32 $0xFFFFFFC0, v59  }
0x5e: {  	v3 =	vor.u32 v3, v4  }
0x5f: {  	v4 =	vperm.xlane v3, v0;
	_ =	sdelay $0x1  }
0x60: {  	v4 =	vadd.s32 v1, v4;
	_ =	sdelay $0x4  }
0x61: {  	[tilespmem:s22], [sflag:$0x1] =	stream.indirect_vreg.gather [hbm4b:s3+s2], $0x80, v4, vm0, $0xb8;
	[tilespmem:$0x8200] =	vst v63  }
0x62: {  	v3 =	vperm.xlane v3, v2  }
0x63: {  	[tilespmem:s23], [sflag:$0x1] =	stream.indirect_vreg.gather [hbm4b:s5+s2], $0x80, v4, vm0, $0xb8;
	[tilespmem:$0x8200] =	vst v63  }
0x64: {  	v3 =	vadd.s32 v1, v3  }
0x65: {  	[tilespmem:s24], [sflag:$0x1] =	stream.indirect_vreg.gather [hbm4b:s6+s2], $0x80, v4, vm0, $0xb8;
	[tilespmem:$0x8200] =	vst v63  }
0x66: {  	_ = 	snop  }
0x67: {  	[tilespmem:s25], [sflag:$0x1] =	stream.indirect_vreg.gather [hbm4b:s7+s2], $0x80, v4, vm0, $0xb8;
	[tilespmem:$0x8200] =	vst v63  }
0x68: {  	_ = 	snop  }
0x69: {  	[tilespmem:s26], [sflag:$0x1] =	stream.indirect_vreg.gather [hbm4b:s3+s2], $0x80, v3, vm0, $0xb8;
	[tilespmem:$0x8200] =	vst v63  }
0x6a: {  	_ = 	snop  }
0x6b: {  	[tilespmem:s28], [sflag:$0x1] =	stream.indirect_vreg.gather [hbm4b:s5+s2], $0x80, v3, vm0, $0xb8;
	[tilespmem:$0x8200] =	vst v63  }
0x6c: {  	_ = 	snop  }
0x6d: {  	[tilespmem:s29], [sflag:$0x1] =	stream.indirect_vreg.gather [hbm4b:s6+s2], $0x80, v3, vm0, $0xb8;
	[tilespmem:$0x8200] =	vst v63  }
0x6e: {  	_ = 	snop  }
0x6f: {  	[tilespmem:s30], [sflag:$0x1] =	stream.indirect_vreg.gather [hbm4b:s7+s2], $0x80, v3, vm0, $0xb8;
	[tilespmem:$0x8200] =	vst v63  }
0x70: {  	_ =	swait.ge [sflag:s31], $0x8000  }
0x71: {  	[sflag:s31] =	ssyncset.done $0x0  }
0x72: {  	[sflag:s31] =	ssyncadd.s32 $0xFFFF8000  }
0x73: {  	[hbm4b:s9+s2] =	stream.linear.scatter [tilespmem:s14], [sflag:$0x2], $0x8000, $0x38;
	[tilespmem:$0x8200] =	vst v63  }
0x74: {  	_ =	swait.ge [sflag:s13], $0x8000  }
0x75: {  	[sflag:s13] =	ssyncset.done $0x0  }
0x76: {  	[sflag:s13] =	ssyncadd.s32 $0xFFFF8000  }
0x77: {  	v3 =	vld [tilespmem:$0x100];
	_ =	sdelay $0x4  }
0x78: {  	v60 =	vshll.u32 v3, $0x3  }
0x79: {  	v3 =	vand.u32 $0x7, v3;
	v4 =	vand.u32 $0xFFFFFFC0, v60  }
0x7a: {  	v3 =	vor.u32 v3, v4  }
0x7b: {  	v4 =	vperm.xlane v3, v0;
	_ =	sdelay $0x1  }
0x7c: {  	v4 =	vadd.s32 v1, v4;
	_ =	sdelay $0x4  }
0x7d: {  	[tilespmem:s14], [sflag:$0x1] =	stream.indirect_vreg.gather [hbm4b:s3+s2], $0x80, v4, vm0, $0xb8;
	[tilespmem:$0x8200] =	vst v63  }
0x7e: {  	v3 =	vperm.xlane v3, v2  }
0x7f: {  	[tilespmem:s15], [sflag:$0x1] =	stream.indirect_vreg.gather [hbm4b:s5+s2], $0x80, v4, vm0, $0xb8;
	[tilespmem:$0x8200] =	vst v63  }
0x80: {  	v3 =	vadd.s32 v1, v3  }
0x81: {  	[tilespmem:s16], [sflag:$0x1] =	stream.indirect_vreg.gather [hbm4b:s6+s2], $0x80, v4, vm0, $0xb8;
	[tilespmem:$0x8200] =	vst v63  }
0x82: {  	_ = 	snop  }
0x83: {  	[tilespmem:s17], [sflag:$0x1] =	stream.indirect_vreg.gather [hbm4b:s7+s2], $0x80, v4, vm0, $0xb8;
	[tilespmem:$0x8200] =	vst v63  }
0x84: {  	_ = 	snop  }
0x85: {  	[tilespmem:s18], [sflag:$0x1] =	stream.indirect_vreg.gather [hbm4b:s3+s2], $0x80, v3, vm0, $0xb8;
	[tilespmem:$0x8200] =	vst v63  }
0x86: {  	_ = 	snop  }
0x87: {  	[tilespmem:s19], [sflag:$0x1] =	stream.indirect_vreg.gather [hbm4b:s5+s2], $0x80, v3, vm0, $0xb8;
	[tilespmem:$0x8200] =	vst v63  }
0x88: {  	_ = 	snop  }
0x89: {  	[tilespmem:s20], [sflag:$0x1] =	stream.indirect_vreg.gather [hbm4b:s6+s2], $0x80, v3, vm0, $0xb8;
	[tilespmem:$0x8200] =	vst v63  }
0x8a: {  	_ = 	snop  }
0x8b: {  	[tilespmem:s21], [sflag:$0x1] =	stream.indirect_vreg.gather [hbm4b:s7+s2], $0x80, v3, vm0, $0xb8;
	[tilespmem:$0x8200] =	vst v63  }
0x8c: {  	v3 =	vld [tilespmem:$0x110];
	_ =	sdelay $0x4  }
0x8d: {  	v61 =	vshll.u32 v3, $0x3  }
0x8e: {  	v3 =	vand.u32 $0x7, v3;
	v4 =	vand.u32 $0xFFFFFFC0, v61  }
0x8f: {  	v3 =	vor.u32 v3, v4  }
0x90: {  	v4 =	vperm.xlane v3, v0;
	_ =	sdelay $0x1  }
0x91: {  	v4 =	vadd.s32 v1, v4;
	_ =	sdelay $0x4  }
0x92: {  	[tilespmem:s22], [sflag:$0x1] =	stream.indirect_vreg.gather [hbm4b:s3+s2], $0x80, v4, vm0, $0xb8;
	[tilespmem:$0x8200] =	vst v63  }
0x93: {  	v3 =	vperm.xlane v3, v2  }
0x94: {  	[tilespmem:s23], [sflag:$0x1] =	stream.indirect_vreg.gather [hbm4b:s5+s2], $0x80, v4, vm0, $0xb8;
	[tilespmem:$0x8200] =	vst v63  }
0x95: {  	v3 =	vadd.s32 v1, v3  }
0x96: {  	[tilespmem:s24], [sflag:$0x1] =	stream.indirect_vreg.gather [hbm4b:s6+s2], $0x80, v4, vm0, $0xb8;
	[tilespmem:$0x8200] =	vst v63  }
0x97: {  	_ = 	snop  }
0x98: {  	[tilespmem:s25], [sflag:$0x1] =	stream.indirect_vreg.gather [hbm4b:s7+s2], $0x80, v4, vm0, $0xb8;
	[tilespmem:$0x8200] =	vst v63  }
0x99: {  	_ = 	snop  }
0x9a: {  	[tilespmem:s26], [sflag:$0x1] =	stream.indirect_vreg.gather [hbm4b:s3+s2], $0x80, v3, vm0, $0xb8;
	[tilespmem:$0x8200] =	vst v63  }
0x9b: {  	_ = 	snop  }
0x9c: {  	[tilespmem:s28], [sflag:$0x1] =	stream.indirect_vreg.gather [hbm4b:s5+s2], $0x80, v3, vm0, $0xb8;
	[tilespmem:$0x8200] =	vst v63  }
0x9d: {  	_ = 	snop  }
0x9e: {  	[tilespmem:s29], [sflag:$0x1] =	stream.indirect_vreg.gather [hbm4b:s6+s2], $0x80, v3, vm0, $0xb8;
	[tilespmem:$0x8200] =	vst v63  }
0x9f: {  	_ = 	snop  }
0xa0: {  	[tilespmem:s30], [sflag:$0x1] =	stream.indirect_vreg.gather [hbm4b:s7+s2], $0x80, v3, vm0, $0xb8;
	[tilespmem:$0x8200] =	vst v63  }
0xa1: {  	_ =	swait.ge [sflag:s31], $0x8000  }
0xa2: {  	[sflag:s31] =	ssyncset.done $0x0  }
0xa3: {  	[sflag:s31] =	ssyncadd.s32 $0xFFFF8000  }
0xa4: {  	[hbm4b:s10+s2] =	stream.linear.scatter [tilespmem:s14], [sflag:$0x2], $0x8000, $0x38;
	[tilespmem:$0x8200] =	vst v63  }
0xa5: {  	_ =	swait.ge [sflag:s13], $0x8000  }
0xa6: {  	[sflag:s13] =	ssyncset.done $0x0  }
0xa7: {  	[sflag:s13] =	ssyncadd.s32 $0xFFFF8000  }
0xa8: {  	v3 =	vld [tilespmem:$0x180];
	_ =	sdelay $0x4  }
0xa9: {  	v62 =	vshll.u32 v3, $0x3  }
0xaa: {  	v3 =	vand.u32 $0x7, v3;
	v4 =	vand.u32 $0xFFFFFFC0, v62  }
0xab: {  	v3 =	vor.u32 v3, v4  }
0xac: {  	v4 =	vperm.xlane v3, v0;
	_ =	sdelay $0x1  }
0xad: {  	v4 =	vadd.s32 v1, v4;
	_ =	sdelay $0x4  }
0xae: {  	[tilespmem:s14], [sflag:$0x1] =	stream.indirect_vreg.gather [hbm4b:s3+s2], $0x80, v4, vm0, $0xb8;
	[tilespmem:$0x8200] =	vst v63  }
0xaf: {  	v3 =	vperm.xlane v3, v2  }
0xb0: {  	[tilespmem:s15], [sflag:$0x1] =	stream.indirect_vreg.gather [hbm4b:s5+s2], $0x80, v4, vm0, $0xb8;
	[tilespmem:$0x8200] =	vst v63  }
0xb1: {  	v3 =	vadd.s32 v1, v3  }
0xb2: {  	[tilespmem:s16], [sflag:$0x1] =	stream.indirect_vreg.gather [hbm4b:s6+s2], $0x80, v4, vm0, $0xb8;
	[tilespmem:$0x8200] =	vst v63  }
0xb3: {  	_ = 	snop  }
0xb4: {  	[tilespmem:s17], [sflag:$0x1] =	stream.indirect_vreg.gather [hbm4b:s7+s2], $0x80, v4, vm0, $0xb8;
	[tilespmem:$0x8200] =	vst v63  }
0xb5: {  	_ = 	snop  }
0xb6: {  	[tilespmem:s18], [sflag:$0x1] =	stream.indirect_vreg.gather [hbm4b:s3+s2], $0x80, v3, vm0, $0xb8;
	[tilespmem:$0x8200] =	vst v63  }
0xb7: {  	_ = 	snop  }
0xb8: {  	[tilespmem:s19], [sflag:$0x1] =	stream.indirect_vreg.gather [hbm4b:s5+s2], $0x80, v3, vm0, $0xb8;
	[tilespmem:$0x8200] =	vst v63  }
0xb9: {  	_ = 	snop  }
0xba: {  	[tilespmem:s20], [sflag:$0x1] =	stream.indirect_vreg.gather [hbm4b:s6+s2], $0x80, v3, vm0, $0xb8;
	[tilespmem:$0x8200] =	vst v63  }
0xbb: {  	_ = 	snop  }
0xbc: {  	[tilespmem:s21], [sflag:$0x1] =	stream.indirect_vreg.gather [hbm4b:s7+s2], $0x80, v3, vm0, $0xb8;
	[tilespmem:$0x8200] =	vst v63  }
0xbd: {  	v3 =	vld [tilespmem:$0x190];
	_ =	sdelay $0x4  }
0xbe: {  	v63 =	vshll.u32 v3, $0x3  }
0xbf: {  	v3 =	vand.u32 $0x7, v3;
	v4 =	vand.u32 $0xFFFFFFC0, v63  }
0xc0: {  	v3 =	vor.u32 v3, v4  }
0xc1: {  	v4 =	vperm.xlane v3, v0;
	_ =	sdelay $0x1  }
0xc2: {  	v4 =	vadd.s32 v1, v4;
	_ =	sdelay $0x4  }
0xc3: {  	[tilespmem:s22], [sflag:$0x1] =	stream.indirect_vreg.gather [hbm4b:s3+s2], $0x80, v4, vm0, $0xb8;
	[tilespmem:$0x8200] =	vst v63  }
0xc4: {  	v3 =	vperm.xlane v3, v2  }
0xc5: {  	[tilespmem:s23], [sflag:$0x1] =	stream.indirect_vreg.gather [hbm4b:s5+s2], $0x80, v4, vm0, $0xb8;
	[tilespmem:$0x8200] =	vst v63  }
0xc6: {  	v3 =	vadd.s32 v1, v3  }
0xc7: {  	[tilespmem:s24], [sflag:$0x1] =	stream.indirect_vreg.gather [hbm4b:s6+s2], $0x80, v4, vm0, $0xb8;
	[tilespmem:$0x8200] =	vst v63  }
0xc8: {  	_ = 	snop  }
0xc9: {  	[tilespmem:s25], [sflag:$0x1] =	stream.indirect_vreg.gather [hbm4b:s7+s2], $0x80, v4, vm0, $0xb8;
	[tilespmem:$0x8200] =	vst v63  }
0xca: {  	_ = 	snop  }
0xcb: {  	[tilespmem:s26], [sflag:$0x1] =	stream.indirect_vreg.gather [hbm4b:s3+s2], $0x80, v3, vm0, $0xb8;
	[tilespmem:$0x8200] =	vst v63  }
0xcc: {  	_ = 	snop  }
0xcd: {  	[tilespmem:s28], [sflag:$0x1] =	stream.indirect_vreg.gather [hbm4b:s5+s2], $0x80, v3, vm0, $0xb8;
	[tilespmem:$0x8200] =	vst v63  }
0xce: {  	_ = 	snop  }
0xcf: {  	[tilespmem:s29], [sflag:$0x1] =	stream.indirect_vreg.gather [hbm4b:s6+s2], $0x80, v3, vm0, $0xb8;
	[tilespmem:$0x8200] =	vst v63  }
0xd0: {  	_ = 	snop  }
0xd1: {  	[tilespmem:s30], [sflag:$0x1] =	stream.indirect_vreg.gather [hbm4b:s7+s2], $0x80, v3, vm0, $0xb8;
	[tilespmem:$0x8200] =	vst v63  }
0xd2: {  	_ =	swait.ge [sflag:s31], $0x8000  }
0xd3: {  	p0 =	sne.s32 s12, $0x1;
	[sflag:s31] =	ssyncset.done $0x0  }
.Ltmp0:
0xd4: {  	[sflag:s31] =	ssyncadd.s32 $0xFFFF8000;
	(pc) =	sbr.rel @p0 .LBB2_1-.Ltmp0, $4  }
0xd5: {  	[hbm4b:s11+s2] =	stream.linear.scatter [tilespmem:s14], [sflag:$0x2], $0x8000, $0x38;
	[tilespmem:$0x8200] =	vst v63  }
0xd6: {  	_ =	swait.ge [sflag:s13], $0x8000  }
0xd7: {  	[sflag:s13] =	ssyncset.done $0x0  }
0xd8: {  	s12 =	sadd.s32 $0xFFFFFFFF, s12;
	[sflag:s13] =	ssyncadd.s32 $0xFFFF8000  }
0xd9: {  	_ =	sfence.sel $0x180000  }
0xda: {  	[bflag:$0x0] =	sbarrier.arrive $0xFFFF  }
0xdb: {  	p0 =	sne.s32 s1, $0x0;
	_ =	strace $0x9000004A  }
0xdc: {  	s0 =	sadd.s32 @!p0 $0x100000, s0;
	[bflag:$0x2] =	sbarrier.arrive $0xFFFF  }
0xdd: {  	[sflag:s0] =	ssyncadd.tile.s32 @!p0 $0x1;
	_ =	shalt  }
.Lfunc_end2:
_tile_overlayer_lowered:
.L_overlay_start_2:
0xde: {  	(tag) =	ssettag $0x2  }
0xdf: {  	s0 =	rddreg [dreg:$0x0];
	s2 =	stileid.u32  }
0xe0: {  	s1 =	rddreg [dreg:$0x1];
	p0 =	sne.s32 s2, $0x0  }
0xe1: {  	s3 =	rddreg [dreg:$0x2];
	[bflag:$0x3] =	sbarrier.arrive $0xFFFF;
	s2 =	simm.s32 @!p0 $0x1C02  }
0xe2: {  	[timem:s3], [sflag:s2] =	dma.local @!p0 [hbm:s0], s1  }
0xe3: {  	s0 =	simm.s32 @!p0 $0x2  }
0xe4: {  	_ =	swait.ge @!p0 [sflag:s0], s1  }
0xe5: {  	s1 =	ssub.s32 @!p0 $0x0, s1;
	[sflag:s0] =	ssyncset.done @!p0 $0x0  }
0xe6: {  	[sflag:s0] =	ssyncadd.s32 @!p0 s1  }
0xe7: {  	[bflag:$0x3] =	sbarrier.arrive $0xFFFF  }
0xe8: {  	_ =	shalt  }

</sc_bundles>
